<compile_context>
chip_gen: v7x
topology: tpu7x:2x2x1
jax: 0.10.2.dev20260603
libtpu: 0.0.44.dev20260713+nightly
codegen_flags: <defaults>
</compile_context>

<pallas_src>
import math

import jax
import jax.numpy as jnp
from jax import lax
from jax.experimental import pallas as pl
from jax.experimental.pallas import tpu as pltpu
from jax.experimental.pallas import tpu_sc as plsc

N = 10000
E = 320000
D = 128
C = 32
NT = 16
NB = 8
NG = 64
RMAX = 6.0

EP = 327680
CH = 128
EPW = EP // 32
NROWS = 10112
NPAD = 10240
DUMMY = N

TE = 1280
TN = 2048

_MESH = plsc.VectorSubcoreMesh(core_axis_name="c", subcore_axis_name="s")


def _silu(x):
    return x * (1.0 / (1.0 + jnp.exp(-x)))


def _dot(a, b):
    return jnp.dot(a, b, preferred_element_type=jnp.float32)


def _dot_h(a, b):
    return jnp.dot(a, b, preferred_element_type=jnp.float32,
                   precision=lax.Precision.HIGHEST)


def _tile4(x):
    return jnp.concatenate([x, x, x, x], axis=1)



def _sc_gather_feats(fpad_hbm, src2_hbm, dst2_hbm, fs_out, fd_out,
                     ixs0, ixs1, ixd0, ixd1, rs0, rs1, rd0, rd1,
                     sis0, sis1, sid0, sid1, sg1, sg2,
                     sos0, sos1, sod0, sod1):
    cid = lax.axis_index("c")
    sid = lax.axis_index("s")
    wid = cid * 16 + sid
    nchg = EPW // CH
    rbase = wid * nchg
    ixsb = (ixs0, ixs1)
    ixdb = (ixd0, ixd1)
    rsb = (rs0, rs1)
    rdb = (rd0, rd1)
    sisb = (sis0, sis1)
    sidb = (sid0, sid1)
    sosb = (sos0, sos1)
    sodb = (sod0, sod1)

    pltpu.async_copy(src2_hbm.at[rbase], ixs0, sis0)
    pltpu.async_copy(dst2_hbm.at[rbase], ixd0, sid0)

    def body(j, carry):
        c = lax.rem(j, 2)
        row_n = rbase + jnp.minimum(j + 1, nchg - 1)

        def step(c_, nx):
            pltpu.async_copy(src2_hbm.at[row_n], ixsb[nx], sisb[nx])
            pltpu.async_copy(dst2_hbm.at[row_n], ixdb[nx], sidb[nx])

            @pl.when(j >= 2)
            def _():
                eb2 = (rbase + j - 2) * CH
                pltpu.make_async_copy(rsb[c_], fs_out.at[pl.ds(eb2, CH), :],
                                      sosb[c_]).wait()
                pltpu.make_async_copy(rdb[c_], fd_out.at[pl.ds(eb2, CH), :],
                                      sodb[c_]).wait()

            pltpu.make_async_copy(src2_hbm.at[rbase + j], ixsb[c_], sisb[c_]).wait()
            pltpu.make_async_copy(dst2_hbm.at[rbase + j], ixdb[c_], sidb[c_]).wait()
            g1 = pltpu.async_copy(fpad_hbm.at[ixsb[c_]], rsb[c_], sg1)
            g2 = pltpu.async_copy(fpad_hbm.at[ixdb[c_]], rdb[c_], sg2)
            g1.wait()
            g2.wait()
            eb = (rbase + j) * CH
            pltpu.async_copy(rsb[c_], fs_out.at[pl.ds(eb, CH), :], sosb[c_])
            pltpu.async_copy(rdb[c_], fd_out.at[pl.ds(eb, CH), :], sodb[c_])

        @pl.when(c == 0)
        def _():
            step(0, 1)

        @pl.when(c == 1)
        def _():
            step(1, 0)

        return carry

    lax.fori_loop(0, nchg, body, 0)
    pltpu.make_async_copy(src2_hbm.at[rbase + nchg - 1], ixs0, sis0).wait()
    pltpu.make_async_copy(dst2_hbm.at[rbase + nchg - 1], ixd0, sid0).wait()
    pltpu.make_async_copy(rs0, fs_out.at[pl.ds((rbase + nchg - 2) * CH, CH), :],
                          sos0).wait()
    pltpu.make_async_copy(rd0, fd_out.at[pl.ds((rbase + nchg - 2) * CH, CH), :],
                          sod0).wait()
    pltpu.make_async_copy(rs1, fs_out.at[pl.ds((rbase + nchg - 1) * CH, CH), :],
                          sos1).wait()
    pltpu.make_async_copy(rd1, fd_out.at[pl.ds((rbase + nchg - 1) * CH, CH), :],
                          sod1).wait()


def _run_sc_gather(fpad, src2, dst2):
    return pl.kernel(
        _sc_gather_feats,
        out_type=[jax.ShapeDtypeStruct((EP, 16), jnp.float32),
                  jax.ShapeDtypeStruct((EP, 16), jnp.float32)],
        mesh=_MESH,
        compiler_params=pltpu.CompilerParams(use_tc_tiling_on_sc=False),
        scratch_types=[pltpu.VMEM((CH,), jnp.int32),
                       pltpu.VMEM((CH,), jnp.int32),
                       pltpu.VMEM((CH,), jnp.int32),
                       pltpu.VMEM((CH,), jnp.int32),
                       pltpu.VMEM((CH, 16), jnp.float32),
                       pltpu.VMEM((CH, 16), jnp.float32),
                       pltpu.VMEM((CH, 16), jnp.float32),
                       pltpu.VMEM((CH, 16), jnp.float32)]
                      + [pltpu.SemaphoreType.DMA] * 10,
    )(fpad, src2, dst2)


def _sc_env(msg_hbm, src2_hbm, zeros_hbm, env_out,
            idx0, idx1, rows0, rows1, zbuf, shared,
            smi0, smi1, smm0, smm1, sem):
    cid = lax.axis_index("c")
    sid = lax.axis_index("s")
    wid = cid * 16 + sid

    pltpu.sync_copy(zeros_hbm, zbuf)
    for k in range(-(-(NROWS // CH) // 16)):
        zc = sid + k * 16

        @pl.when(zc < NROWS // CH)
        def _():
            pltpu.sync_copy(zbuf, shared.at[pl.ds(zc * CH, CH), :])
    plsc.subcore_barrier()

    nch = (EP // CH) // 16
    rbase = sid * nch
    idxb = (idx0, idx1)
    rowb = (rows0, rows1)
    semi = (smi0, smi1)
    semm = (smm0, smm1)

    pltpu.async_copy(src2_hbm.at[rbase], idx0, smi0)
    pltpu.async_copy(msg_hbm.at[pl.ds(rbase * CH, CH), :], rows0, smm0)

    def sbody(j, carry):
        c = lax.rem(j, 2)
        row_n = rbase + jnp.minimum(j + 1, nch - 1)

        def pref(nx):
            pltpu.async_copy(src2_hbm.at[row_n], idxb[nx], semi[nx])
            pltpu.async_copy(msg_hbm.at[pl.ds(row_n * CH, CH), :], rowb[nx], semm[nx])

        def scat(c_):
            row_c = rbase + j
            pltpu.make_async_copy(src2_hbm.at[row_c], idxb[c_], semi[c_]).wait()
            pltpu.make_async_copy(msg_hbm.at[pl.ds(row_c * CH, CH), :], rowb[c_], semm[c_]).wait()
            pltpu.sync_copy(rowb[c_], shared.at[idxb[c_]], add=True)

        @pl.when(c == 0)
        def _():
            pref(1)
            scat(0)

        @pl.when(c == 1)
        def _():
            pref(0)
            scat(1)

        return carry

    lax.fori_loop(0, nch, sbody, 0)
    pltpu.make_async_copy(src2_hbm.at[rbase + nch - 1], idx0, smi0).wait()
    pltpu.make_async_copy(msg_hbm.at[pl.ds((rbase + nch - 1) * CH, CH), :], rows0, smm0).wait()
    plsc.subcore_barrier()

    ngch = EPW // CH
    gbase = wid * ngch

    pltpu.async_copy(src2_hbm.at[gbase], idx0, smi0)

    def gbody(j, carry):
        c = lax.rem(j, 2)
        row_n = gbase + jnp.minimum(j + 1, ngch - 1)

        def step(c_, nx):
            pltpu.async_copy(src2_hbm.at[row_n], idxb[nx], semi[nx])

            @pl.when(j >= 2)
            def _():
                pltpu.make_async_copy(
                    rowb[c_], env_out.at[pl.ds((gbase + j - 2) * CH, CH), :],
                    semm[c_]).wait()

            pltpu.make_async_copy(src2_hbm.at[gbase + j], idxb[c_], semi[c_]).wait()
            pltpu.async_copy(shared.at[idxb[c_]], rowb[c_], sem).wait()
            pltpu.async_copy(rowb[c_], env_out.at[pl.ds((gbase + j) * CH, CH), :],
                             semm[c_])

        @pl.when(c == 0)
        def _():
            step(0, 1)

        @pl.when(c == 1)
        def _():
            step(1, 0)

        return carry

    lax.fori_loop(0, ngch, gbody, 0)
    pltpu.make_async_copy(src2_hbm.at[gbase + ngch - 1], idx0, smi0).wait()
    pltpu.make_async_copy(rows0, env_out.at[pl.ds((gbase + ngch - 2) * CH, CH), :],
                          smm0).wait()
    pltpu.make_async_copy(rows1, env_out.at[pl.ds((gbase + ngch - 1) * CH, CH), :],
                          smm1).wait()


def _run_sc_env(msg, src2, zeros128):
    return pl.kernel(
        _sc_env,
        out_type=jax.ShapeDtypeStruct((EP, 128), jnp.float32),
        mesh=_MESH,
        scratch_types=[pltpu.VMEM((CH,), jnp.int32),
                       pltpu.VMEM((CH,), jnp.int32),
                       pltpu.VMEM((CH, 128), jnp.float32),
                       pltpu.VMEM((CH, 128), jnp.float32),
                       pltpu.VMEM((CH, 128), jnp.float32),
                       pltpu.VMEM_SHARED((NROWS, 128), jnp.float32),
                       pltpu.SemaphoreType.DMA,
                       pltpu.SemaphoreType.DMA,
                       pltpu.SemaphoreType.DMA,
                       pltpu.SemaphoreType.DMA,
                       pltpu.SemaphoreType.DMA],
    )(msg, src2, zeros128)



def _stage_a(fs_ref, fd_ref, w0_ref, wtype_ref, b0_ref, w1_ref, w2_ref,
             wsph_ref, wenv1_ref, xs_out, v_out, msg_out, aux_out):
    fs = fs_ref[...]
    fd = fd_ref[...]
    v0 = fd[:, 0:1] - fs[:, 0:1]
    v1 = fd[:, 1:2] - fs[:, 1:2]
    v2 = fd[:, 2:3] - fs[:, 2:3]
    r2 = v0 * v0 + v1 * v1 + v2 * v2
    r = jnp.sqrt(r2 + 1e-8)
    inv_r = 1.0 / r
    u = jnp.clip(r * (1.0 / RMAX), 0.0, 1.0)
    u2 = u * u
    u6 = u2 * u2 * u2
    u7 = u6 * u
    u8 = u7 * u
    fcut = 1.0 - 28.0 * u6 + 48.0 * u7 - 21.0 * u8
    n = (lax.broadcasted_iota(jnp.int32, (1, NB), 1) + 1).astype(jnp.float32)
    bess = jnp.sin(r * (n * (math.pi / RMAX))) * (math.sqrt(2.0 / RMAX) * inv_r)
    radial = bess * fcut
    oh_s = (fs[:, 3:4].astype(jnp.int32) == lax.broadcasted_iota(jnp.int32, (TE, NT), 1)).astype(jnp.float32)
    oh_d = (fd[:, 3:4].astype(jnp.int32) == lax.broadcasted_iota(jnp.int32, (TE, NT), 1)).astype(jnp.float32)
    emb_s = _dot_h(oh_s, wtype_ref[...])
    emb_d = _dot_h(oh_d, wtype_ref[...])
    feat0 = jnp.concatenate([emb_s, emb_d, radial], axis=1)
    h = _dot(feat0, w0_ref[...]) + b0_ref[...]
    x = _silu(h)
    x = _silu(_dot(x, w1_ref[...]))
    x = _silu(_dot(x, w2_ref[...]))
    wch = _dot(x, wsph_ref[...])
    e1 = _dot(x, wenv1_ref[...])
    v_full = jnp.concatenate([wch, wch * (v0 * inv_r), wch * (v1 * inv_r),
                              wch * (v2 * inv_r)], axis=1)
    msg = _tile4(e1) * v_full * (1.0 / 32.0)
    xs_out[...] = x
    v_out[...] = v_full
    msg_out[...] = msg
    aux_out[...] = fcut + jnp.zeros((TE, 8), jnp.float32)


def _stage_b(xs_ref, v_ref, env_ref, wlat_ref, wupd_ref, wenv2_ref,
             xs2_out, v2_out, msg2_out):
    x = xs_ref[...]
    v_full = v_ref[...]
    env = env_ref[...]
    prod = v_full * env
    inv = prod[:, 0:32] + prod[:, 32:64] + prod[:, 64:96] + prod[:, 96:128]
    x2 = x + _silu(_dot(jnp.concatenate([x, inv], axis=1), wlat_ref[...]))
    upd = _dot(x2, wupd_ref[...])
    v2 = v_full * _tile4(upd) + env
    ew2 = _dot(x2, wenv2_ref[...])
    msg2 = _tile4(ew2) * v2 * (1.0 / 32.0)
    xs2_out[...] = x2
    v2_out[...] = v2
    msg2_out[...] = msg2


def _stage_c(xs2_ref, v2_ref, env2_ref, fd_ref, aux_ref, wlat2_ref,
             wout_ref, scales_ref, acc_out):
    i = pl.program_id(0)
    x2 = xs2_ref[...]
    v2 = v2_ref[...]
    env2 = env2_ref[...]
    prod = v2 * env2
    inv2 = prod[:, 0:32] + prod[:, 32:64] + prod[:, 64:96] + prod[:, 96:128]
    x3 = x2 + _silu(_dot(jnp.concatenate([x2, inv2], axis=1), wlat2_ref[...]))
    e = _dot(x3, wout_ref[...])
    fcut = aux_ref[:, 0:1]
    td = fd_ref[:, 3:4]
    gd = fd_ref[:, 4:5]
    oh_t = (td.astype(jnp.int32) == lax.broadcasted_iota(jnp.int32, (TE, NT), 1)).astype(jnp.float32)
    scale_d = _dot_h(oh_t, scales_ref[...])
    ev = e * fcut * scale_d
    oh_g = (gd.astype(jnp.int32) == lax.broadcasted_iota(jnp.int32, (TE, NG), 1)).astype(jnp.float32)
    part = lax.dot_general(oh_g, ev, (((0,), (0,)), ((), ())),
                           preferred_element_type=jnp.float32,
                           precision=lax.Precision.HIGHEST)

    @pl.when(i == 0)
    def _():
        acc_out[...] = jnp.zeros((1, NG), jnp.float32)

    acc_out[...] += part.reshape(1, NG)


def _atom_shift(f_ref, shifts_ref, acc_out):
    i = pl.program_id(0)
    tf = f_ref[:, 3:4]
    gf = f_ref[:, 4:5]
    oh_t = (tf.astype(jnp.int32) == lax.broadcasted_iota(jnp.int32, (TN, NT), 1)).astype(jnp.float32)
    sval = _dot_h(oh_t, shifts_ref[...])
    oh_g = (gf.astype(jnp.int32) == lax.broadcasted_iota(jnp.int32, (TN, NG), 1)).astype(jnp.float32)
    part = lax.dot_general(oh_g, sval, (((0,), (0,)), ((), ())),
                           preferred_element_type=jnp.float32,
                           precision=lax.Precision.HIGHEST)

    @pl.when(i == 0)
    def _():
        acc_out[...] = jnp.zeros((1, NG), jnp.float32)

    acc_out[...] += part.reshape(1, NG)


def _edge_spec():
    return pl.BlockSpec((TE, 128), lambda i: (i, 0))


def _full(shape):
    return pl.BlockSpec(shape, lambda i: tuple(0 for _ in shape))


def _run_stage_a(fs, fd, w0, wtype, b0, w1, w2, wsph, wenv1):
    grid = (EP // TE,)
    return pl.pallas_call(
        _stage_a,
        grid=grid,
        in_specs=[pl.BlockSpec((TE, 16), lambda i: (i, 0)),
                  pl.BlockSpec((TE, 16), lambda i: (i, 0)),
                  _full((2 * 32 + NB, D)), _full((NT, 32)),
                  _full((1, D)), _full((D, D)), _full((D, D)),
                  _full((D, C)), _full((D, C))],
        out_specs=[_edge_spec(), _edge_spec(), _edge_spec(),
                   pl.BlockSpec((TE, 8), lambda i: (i, 0))],
        out_shape=[jax.ShapeDtypeStruct((EP, 128), jnp.float32),
                   jax.ShapeDtypeStruct((EP, 128), jnp.float32),
                   jax.ShapeDtypeStruct((EP, 128), jnp.float32),
                   jax.ShapeDtypeStruct((EP, 8), jnp.float32)],
    )(fs, fd, w0, wtype, b0, w1, w2, wsph, wenv1)


def _run_stage_b(xs, v, env3, wlat, wupd, wenv2):
    grid = (EP // TE,)
    return pl.pallas_call(
        _stage_b,
        grid=grid,
        in_specs=[_edge_spec(), _edge_spec(), _edge_spec(),
                  _full((D + C, D)), _full((D, C)), _full((D, C))],
        out_specs=[_edge_spec(), _edge_spec(), _edge_spec()],
        out_shape=[jax.ShapeDtypeStruct((EP, 128), jnp.float32),
                   jax.ShapeDtypeStruct((EP, 128), jnp.float32),
                   jax.ShapeDtypeStruct((EP, 128), jnp.float32)],
    )(xs, v, env3, wlat, wupd, wenv2)


def _run_stage_c(xs2, v2, env3, fd, aux, wlat2, wout, scales):
    grid = (EP // TE,)
    return pl.pallas_call(
        _stage_c,
        grid=grid,
        in_specs=[_edge_spec(), _edge_spec(), _edge_spec(),
                  pl.BlockSpec((TE, 16), lambda i: (i, 0)),
                  pl.BlockSpec((TE, 8), lambda i: (i, 0)),
                  _full((D + C, D)), _full((D, 1)), _full((NT, 1))],
        out_specs=pl.BlockSpec((1, NG), lambda i: (0, 0)),
        out_shape=jax.ShapeDtypeStruct((1, NG), jnp.float32),
    )(xs2, v2, env3, fd, aux, wlat2, wout, scales)


def _run_atom_shift(f_pad, shifts):
    grid = (NPAD // TN,)
    return pl.pallas_call(
        _atom_shift,
        grid=grid,
        in_specs=[pl.BlockSpec((TN, 16), lambda i: (i, 0)), _full((NT, 1))],
        out_specs=pl.BlockSpec((1, NG), lambda i: (0, 0)),
        out_shape=jax.ShapeDtypeStruct((1, NG), jnp.float32),
    )(f_pad, shifts)


def kernel(pos, W_type, W0, b0, W1, W2, W_sph, W_env1, W_lat1, W_upd1,
           W_env2, W_lat2, W_upd2, W_out, scales, shifts,
           edge_index, atom_types, batch):
    src = edge_index[0].astype(jnp.int32)
    dst = edge_index[1].astype(jnp.int32)

    tf = atom_types.astype(jnp.float32)[:, None]
    gf = batch.astype(jnp.float32)[:, None]
    f_tab = jnp.concatenate([pos, tf, gf, jnp.zeros((N, 11), jnp.float32)], axis=1)
    pad_rows = jnp.zeros((NPAD - N, 16), jnp.float32).at[:, 4].set(float(NG))
    f_pad = jnp.concatenate([f_tab, pad_rows], axis=0)

    padv = jnp.full((EP - E,), DUMMY, jnp.int32)
    src2 = jnp.concatenate([src, padv]).reshape(EP // CH, CH)
    dst2 = jnp.concatenate([dst, padv]).reshape(EP // CH, CH)
    zeros128 = jnp.zeros((CH, 128), jnp.float32)

    b0r = b0.reshape(1, D)

    fs, fd = _run_sc_gather(f_pad, src2, dst2)

    xs, v, msg1, aux = _run_stage_a(fs, fd, W0, W_type, b0r,
                                    W1, W2, W_sph, W_env1)

    env3_1 = _run_sc_env(msg1, src2, zeros128)

    xs2, v2, msg2 = _run_stage_b(xs, v, env3_1, W_lat1, W_upd1, W_env2)

    env3_2 = _run_sc_env(msg2, src2, zeros128)

    acc_e = _run_stage_c(xs2, v2, env3_2, fd, aux, W_lat2, W_out,
                         scales.reshape(NT, 1))
    acc_a = _run_atom_shift(f_pad, shifts.reshape(NT, 1))
    return (acc_e + acc_a).reshape(NG)

# --- scband reference (transcript-rebuilt; emitter-appended) ---
"""Pipeline reference for scband-allegro-41532333753144 (READ-ONLY COPY).

The authoritative reference and input builder live on the scoring server;
editing this copy changes nothing except your own understanding.
"""

import jax, jax.numpy as jnp
import numpy as np

N = 10000      # atoms
E = 320000     # edges
D = 128        # scalar latent width
C = 32         # tensor channels
NT = 16        # atom types
NB = 8         # bessel basis size
NG = 64        # molecules in batch
RMAX = 6.0


def setup_inputs(seed: int = 0) -> dict:
    key = jax.random.key(seed)
    ks = jax.random.split(key, 20)
    pos = jax.random.normal(ks[0], (N, 3), dtype=jnp.float32) * 3.0
    edge_index = jax.random.randint(ks[1], (2, E), 0, N, dtype=jnp.int64 if jax.config.jax_enable_x64 else jnp.int32)
    atom_types = jax.random.randint(ks[2], (N,), 0, NT)
    batch = jnp.sort(jax.random.randint(ks[3], (N,), 0, NG))
    def w(k, shape):
        return jax.random.normal(k, shape, dtype=jnp.float32) * (1.0 / np.sqrt(shape[0]))
    inp = {
        'pos': pos,
        'W_type': jax.random.normal(ks[4], (NT, 32), dtype=jnp.float32) * 0.1,
        'W0': w(ks[5], (32 + 32 + NB, D)),
        'b0': jnp.zeros((D,), dtype=jnp.float32),
        'W1': w(ks[6], (D, D)),
        'W2': w(ks[7], (D, D)),
        'W_sph': w(ks[8], (D, C)),
        'W_env1': w(ks[9], (D, C)),
        'W_lat1': w(ks[10], (D + C, D)),
        'W_upd1': w(ks[11], (D, C)),
        'W_env2': w(ks[12], (D, C)),
        'W_lat2': w(ks[13], (D + C, D)),
        'W_upd2': w(ks[14], (D, C)),
        'W_out': w(ks[15], (D, 1)),
        'scales': jnp.ones((NT,), dtype=jnp.float32),
        'shifts': jax.random.normal(ks[16], (NT,), dtype=jnp.float32) * 0.01,
        'edge_index': edge_index,
        'atom_types': atom_types,
        'batch': batch,
    }
    return inp


def reference(pos, W_type, W0, b0, W1, W2, W_sph, W_env1, W_lat1, W_upd1,
              W_env2, W_lat2, W_upd2, W_out, scales, shifts,
              edge_index, atom_types, batch):
    src = edge_index[0]
    dst = edge_index[1]
    # edge_norm: edge vectors, lengths, unit vectors, polynomial cutoff (p=6)
    vec = pos[dst] - pos[src]
    r = jnp.sqrt(jnp.sum(vec * vec, axis=-1) + 1e-8)
    rhat = vec / r[:, None]
    u = jnp.clip(r / RMAX, 0.0, 1.0)
    p = 6.0
    fcut = (1.0 - ((p + 1.0) * (p + 2.0) / 2.0) * u ** p
            + p * (p + 2.0) * u ** (p + 1.0)
            - (p * (p + 1.0) / 2.0) * u ** (p + 2.0))
    # radial_chemical_embed: bessel radial basis * cutoff, concat with src/dst type embeddings
    n = jnp.arange(1, NB + 1, dtype=jnp.float32)
    bessel = jnp.sqrt(2.0 / RMAX) * jnp.sin(n[None, :] * jnp.pi * r[:, None] / RMAX) / r[:, None]
    radial = bessel * fcut[:, None]
    emb_src = W_type[atom_types[src]]
    emb_dst = W_type[atom_types[dst]]
    feat0 = jnp.concatenate([emb_src, emb_dst, radial], axis=-1)
    # scalar_embed_mlp
    x_s = jax.nn.silu(feat0 @ W0 + b0)
    x_s = jax.nn.silu(x_s @ W1)
    x_s = jax.nn.silu(x_s @ W2)
    # tensor_embed: spherical harmonics up to l=1 weighted by projected scalars
    sh = jnp.concatenate([jnp.ones((E, 1), dtype=jnp.float32), rhat], axis=-1)  # [E,4]
    w_ch = x_s @ W_sph                                  # [E,C]
    V = w_ch[:, :, None] * sh[:, None, :]               # [E,C,4]
    # allegro message-passing layers
    for (W_env, W_lat, W_upd) in ((W_env1, W_lat1, W_upd1), (W_env2, W_lat2, W_upd2)):
        env_w = x_s @ W_env                             # [E,C]
        msg = (env_w[:, :, None] * V).reshape(E, C * 4)
        env = jax.ops.segment_sum(msg, src, num_segments=N) / 32.0  # [N,C*4]
        env_e = env[src].reshape(E, C, 4)
        inv = jnp.sum(V * env_e, axis=-1)               # [E,C] rotation-invariant contraction
        x_s = x_s + jax.nn.silu(jnp.concatenate([x_s, inv], axis=-1) @ W_lat)
        V = V * (x_s @ W_upd)[:, :, None] + env_e
    # edge_readout + edge_eng_sum
    e_edge = (x_s @ W_out)[:, 0] * fcut                 # [E]
    atomic = jax.ops.segment_sum(e_edge, dst, num_segments=N)
    # per_type_energy_scale_shift
    atomic = atomic * scales[atom_types] + shifts[atom_types]
    # per-molecule energy via scatter over batch ids
    energy = jax.ops.segment_sum(atomic, batch, num_segments=NG)
    return energy

if __name__ == "__main__":
    import jax
    _d = setup_inputs()
    print(jax.jit(kernel)(*tuple(_d.values())))

</pallas_src>

<mosaic_0001>
#map = affine_map<(d0, d1) -> (0, 0)>
module attributes {stable_mosaic.version = 14 : i64} {
  func.func @_sc_gather_feats(%arg0: i32, %arg1: i32, %arg2: memref<10240x16xf32, #tpu.memory_space<hbm>>, %arg3: memref<2560x128xi32, #tpu.memory_space<hbm>>, %arg4: memref<2560x128xi32, #tpu.memory_space<hbm>>, %arg5: memref<327680x16xf32, #tpu.memory_space<hbm>>, %arg6: memref<327680x16xf32, #tpu.memory_space<hbm>>, %arg7: memref<128xi32, #tpu.memory_space<vmem>>, %arg8: memref<128xi32, #tpu.memory_space<vmem>>, %arg9: memref<128xi32, #tpu.memory_space<vmem>>, %arg10: memref<128xi32, #tpu.memory_space<vmem>>, %arg11: memref<128x16xf32, #tpu.memory_space<vmem>>, %arg12: memref<128x16xf32, #tpu.memory_space<vmem>>, %arg13: memref<128x16xf32, #tpu.memory_space<vmem>>, %arg14: memref<128x16xf32, #tpu.memory_space<vmem>>, %arg15: memref<!tpu.dma_semaphore, #tpu.memory_space<semaphore_mem>>, %arg16: memref<!tpu.dma_semaphore, #tpu.memory_space<semaphore_mem>>, %arg17: memref<!tpu.dma_semaphore, #tpu.memory_space<semaphore_mem>>, %arg18: memref<!tpu.dma_semaphore, #tpu.memory_space<semaphore_mem>>, %arg19: memref<!tpu.dma_semaphore, #tpu.memory_space<semaphore_mem>>, %arg20: memref<!tpu.dma_semaphore, #tpu.memory_space<semaphore_mem>>, %arg21: memref<!tpu.dma_semaphore, #tpu.memory_space<semaphore_mem>>, %arg22: memref<!tpu.dma_semaphore, #tpu.memory_space<semaphore_mem>>, %arg23: memref<!tpu.dma_semaphore, #tpu.memory_space<semaphore_mem>>, %arg24: memref<!tpu.dma_semaphore, #tpu.memory_space<semaphore_mem>>) attributes {dimension_semantics = [#tpu.dimension_semantics<core_parallel>, #tpu.dimension_semantics<subcore_parallel>], iteration_bounds = array<i64: 2, 16>, scalar_prefetch = 0 : i64, scratch_operands = 18 : i64, tpu.core_type = #tpu.core_type<sc_vector_subcore>, window_params = [{transform_indices = #map}, {transform_indices = #map}, {transform_indices = #map}, {transform_indices = #map}, {transform_indices = #map}]} {
    %mul3A = arith.constant 16 : i32
    %mul3A_0 = arith.muli %arg0, %mul3A : i32
    %add3A = arith.addi %mul3A_0, %arg1 : i32
    %mul3A_1 = arith.constant 80 : i32
    %mul3A_2 = arith.muli %add3A, %mul3A_1 : i32
    %dma_start3A = arith.constant 0 : i32
    %dma_start3A_3 = tpu.memref_slice %arg3[%mul3A_2, %dma_start3A] : memref<2560x128xi32, #tpu.memory_space<hbm>> -> memref<1x128xi32, #tpu.memory_space<hbm>>
    %dma_start3A_4 = tpu.memref_squeeze %dma_start3A_3 : memref<1x128xi32, #tpu.memory_space<hbm>> -> memref<128xi32, #tpu.memory_space<hbm>>
    %dma_start3A_5 = arith.constant 0 : i32
    %dma_start3A_6 = tpu.memref_slice %arg3[%mul3A_2, %dma_start3A_5] : memref<2560x128xi32, #tpu.memory_space<hbm>> -> memref<1x128xi32, #tpu.memory_space<hbm>>
    %dma_start3A_7 = tpu.memref_squeeze %dma_start3A_6 : memref<1x128xi32, #tpu.memory_space<hbm>> -> memref<128xi32, #tpu.memory_space<hbm>>
    tpu.enqueue_dma source(%dma_start3A_7 : memref<128xi32, #tpu.memory_space<hbm>>) target(%arg7 : memref<128xi32, #tpu.memory_space<vmem>>) target_semaphore(%arg15 : memref<!tpu.dma_semaphore, #tpu.memory_space<semaphore_mem>>)
    %dma_start3A_8 = arith.constant 0 : i32
    %dma_start3A_9 = tpu.memref_slice %arg4[%mul3A_2, %dma_start3A_8] : memref<2560x128xi32, #tpu.memory_space<hbm>> -> memref<1x128xi32, #tpu.memory_space<hbm>>
    %dma_start3A_10 = tpu.memref_squeeze %dma_start3A_9 : memref<1x128xi32, #tpu.memory_space<hbm>> -> memref<128xi32, #tpu.memory_space<hbm>>
    %dma_start3A_11 = arith.constant 0 : i32
    %dma_start3A_12 = tpu.memref_slice %arg4[%mul3A_2, %dma_start3A_11] : memref<2560x128xi32, #tpu.memory_space<hbm>> -> memref<1x128xi32, #tpu.memory_space<hbm>>
    %dma_start3A_13 = tpu.memref_squeeze %dma_start3A_12 : memref<1x128xi32, #tpu.memory_space<hbm>> -> memref<128xi32, #tpu.memory_space<hbm>>
    tpu.enqueue_dma source(%dma_start3A_13 : memref<128xi32, #tpu.memory_space<hbm>>) target(%arg9 : memref<128xi32, #tpu.memory_space<vmem>>) target_semaphore(%arg17 : memref<!tpu.dma_semaphore, #tpu.memory_space<semaphore_mem>>)
    %scan3A = arith.constant 0 : i32
    %scan3A_14 = arith.constant 0 : i32
    %scan3A_15 = arith.constant 80 : i32
    %scan3A_16 = arith.addi %scan3A_14, %scan3A_15 : i32
    %scan3A_17 = arith.constant 1 : i32
    scf.for %scan3A_77 = %scan3A_14 to %scan3A_16 step %scan3A_17  : i32 {
      %rem3A = arith.constant 2 : i32
      %rem3A_78 = arith.remsi %scan3A_77, %rem3A : i32
      %add3A_79 = arith.constant 1 : i32
      %add3A_80 = arith.addi %scan3A_77, %add3A_79 : i32
      %min3A = arith.constant 79 : i32
      %min3A_81 = arith.minsi %add3A_80, %min3A : i32
      %add3A_82 = arith.addi %mul3A_2, %min3A_81 : i32
      %eq3A = arith.constant 0 : i32
      %eq3A_83 = arith.cmpi eq, %rem3A_78, %eq3A : i32
      %convert_element_type3A = arith.extui %eq3A_83 : i1 to i32
      %cond3A = arith.constant 0 : i32
      %cond3A_84 = arith.cmpi ne, %convert_element_type3A, %cond3A : i32
      scf.if %cond3A_84 {
        %dma_start3A_90 = arith.constant 0 : i32
        %dma_start3A_91 = tpu.memref_slice %arg3[%add3A_82, %dma_start3A_90] : memref<2560x128xi32, #tpu.memory_space<hbm>> -> memref<1x128xi32, #tpu.memory_space<hbm>>
        %dma_start3A_92 = tpu.memref_squeeze %dma_start3A_91 : memref<1x128xi32, #tpu.memory_space<hbm>> -> memref<128xi32, #tpu.memory_space<hbm>>
        %dma_start3A_93 = arith.constant 0 : i32
        %dma_start3A_94 = tpu.memref_slice %arg3[%add3A_82, %dma_start3A_93] : memref<2560x128xi32, #tpu.memory_space<hbm>> -> memref<1x128xi32, #tpu.memory_space<hbm>>
        %dma_start3A_95 = tpu.memref_squeeze %dma_start3A_94 : memref<1x128xi32, #tpu.memory_space<hbm>> -> memref<128xi32, #tpu.memory_space<hbm>>
        tpu.enqueue_dma source(%dma_start3A_95 : memref<128xi32, #tpu.memory_space<hbm>>) target(%arg8 : memref<128xi32, #tpu.memory_space<vmem>>) target_semaphore(%arg16 : memref<!tpu.dma_semaphore, #tpu.memory_space<semaphore_mem>>)
        %dma_start3A_96 = arith.constant 0 : i32
        %dma_start3A_97 = tpu.memref_slice %arg4[%add3A_82, %dma_start3A_96] : memref<2560x128xi32, #tpu.memory_space<hbm>> -> memref<1x128xi32, #tpu.memory_space<hbm>>
        %dma_start3A_98 = tpu.memref_squeeze %dma_start3A_97 : memref<1x128xi32, #tpu.memory_space<hbm>> -> memref<128xi32, #tpu.memory_space<hbm>>
        %dma_start3A_99 = arith.constant 0 : i32
        %dma_start3A_100 = tpu.memref_slice %arg4[%add3A_82, %dma_start3A_99] : memref<2560x128xi32, #tpu.memory_space<hbm>> -> memref<1x128xi32, #tpu.memory_space<hbm>>
        %dma_start3A_101 = tpu.memref_squeeze %dma_start3A_100 : memref<1x128xi32, #tpu.memory_space<hbm>> -> memref<128xi32, #tpu.memory_space<hbm>>
        tpu.enqueue_dma source(%dma_start3A_101 : memref<128xi32, #tpu.memory_space<hbm>>) target(%arg10 : memref<128xi32, #tpu.memory_space<vmem>>) target_semaphore(%arg18 : memref<!tpu.dma_semaphore, #tpu.memory_space<semaphore_mem>>)
        %ge3A = arith.constant 2 : i32
        %ge3A_102 = arith.cmpi sge, %scan3A_77, %ge3A : i32
        %convert_element_type3A_103 = arith.extui %ge3A_102 : i1 to i32
        %cond3A_104 = arith.constant 0 : i32
        %cond3A_105 = arith.cmpi ne, %convert_element_type3A_103, %cond3A_104 : i32
        scf.if %cond3A_105 {
          %add3A_143 = arith.addi %mul3A_2, %scan3A_77 : i32
          %sub3A_144 = arith.constant 2 : i32
          %sub3A_145 = arith.subi %add3A_143, %sub3A_144 : i32
          %mul3A_146 = arith.constant 128 : i32
          %mul3A_147 = arith.muli %sub3A_145, %mul3A_146 : i32
          %dma_wait3A_148 = arith.constant 0 : i32
          %dma_wait3A_149 = tpu.memref_slice %arg5[%mul3A_147, %dma_wait3A_148] : memref<327680x16xf32, #tpu.memory_space<hbm>> -> memref<128x16xf32, #tpu.memory_space<hbm>>
          %dma_wait3A_150 = arith.constant 0 : i32
          %dma_wait3A_151 = tpu.memref_slice %arg5[%mul3A_147, %dma_wait3A_150] : memref<327680x16xf32, #tpu.memory_space<hbm>> -> memref<128x16xf32, #tpu.memory_space<hbm>>
          tpu.wait_dma2 semaphore(%arg21 : memref<!tpu.dma_semaphore, #tpu.memory_space<semaphore_mem>>) src(%arg11 : memref<128x16xf32, #tpu.memory_space<vmem>>) dst(%dma_wait3A_151 : memref<128x16xf32, #tpu.memory_space<hbm>>)
          %dma_wait3A_152 = arith.constant 0 : i32
          %dma_wait3A_153 = tpu.memref_slice %arg6[%mul3A_147, %dma_wait3A_152] : memref<327680x16xf32, #tpu.memory_space<hbm>> -> memref<128x16xf32, #tpu.memory_space<hbm>>
          %dma_wait3A_154 = arith.constant 0 : i32
          %dma_wait3A_155 = tpu.memref_slice %arg6[%mul3A_147, %dma_wait3A_154] : memref<327680x16xf32, #tpu.memory_space<hbm>> -> memref<128x16xf32, #tpu.memory_space<hbm>>
          tpu.wait_dma2 semaphore(%arg23 : memref<!tpu.dma_semaphore, #tpu.memory_space<semaphore_mem>>) src(%arg13 : memref<128x16xf32, #tpu.memory_space<vmem>>) dst(%dma_wait3A_155 : memref<128x16xf32, #tpu.memory_space<hbm>>)
        } else {
        }
        %add3A_106 = arith.addi %mul3A_2, %scan3A_77 : i32
        %dma_wait3A_107 = arith.constant 0 : i32
        %dma_wait3A_108 = tpu.memref_slice %arg3[%add3A_106, %dma_wait3A_107] : memref<2560x128xi32, #tpu.memory_space<hbm>> -> memref<1x128xi32, #tpu.memory_space<hbm>>
        %dma_wait3A_109 = tpu.memref_squeeze %dma_wait3A_108 : memref<1x128xi32, #tpu.memory_space<hbm>> -> memref<128xi32, #tpu.memory_space<hbm>>
        %dma_wait3A_110 = arith.constant 0 : i32
        %dma_wait3A_111 = tpu.memref_slice %arg3[%add3A_106, %dma_wait3A_110] : memref<2560x128xi32, #tpu.memory_space<hbm>> -> memref<1x128xi32, #tpu.memory_space<hbm>>
        %dma_wait3A_112 = tpu.memref_squeeze %dma_wait3A_111 : memref<1x128xi32, #tpu.memory_space<hbm>> -> memref<128xi32, #tpu.memory_space<hbm>>
        tpu.wait_dma2 semaphore(%arg15 : memref<!tpu.dma_semaphore, #tpu.memory_space<semaphore_mem>>) src(%dma_wait3A_112 : memref<128xi32, #tpu.memory_space<hbm>>) dst(%arg7 : memref<128xi32, #tpu.memory_space<vmem>>)
        %add3A_113 = arith.addi %mul3A_2, %scan3A_77 : i32
        %dma_wait3A_114 = arith.constant 0 : i32
        %dma_wait3A_115 = tpu.memref_slice %arg4[%add3A_113, %dma_wait3A_114] : memref<2560x128xi32, #tpu.memory_space<hbm>> -> memref<1x128xi32, #tpu.memory_space<hbm>>
        %dma_wait3A_116 = tpu.memref_squeeze %dma_wait3A_115 : memref<1x128xi32, #tpu.memory_space<hbm>> -> memref<128xi32, #tpu.memory_space<hbm>>
        %dma_wait3A_117 = arith.constant 0 : i32
        %dma_wait3A_118 = tpu.memref_slice %arg4[%add3A_113, %dma_wait3A_117] : memref<2560x128xi32, #tpu.memory_space<hbm>> -> memref<1x128xi32, #tpu.memory_space<hbm>>
        %dma_wait3A_119 = tpu.memref_squeeze %dma_wait3A_118 : memref<1x128xi32, #tpu.memory_space<hbm>> -> memref<128xi32, #tpu.memory_space<hbm>>
        tpu.wait_dma2 semaphore(%arg17 : memref<!tpu.dma_semaphore, #tpu.memory_space<semaphore_mem>>) src(%dma_wait3A_119 : memref<128xi32, #tpu.memory_space<hbm>>) dst(%arg9 : memref<128xi32, #tpu.memory_space<vmem>>)
        %dma_start3A_120 = arith.constant 0 : i32
        %dma_start3A_121 = arith.constant 0 : i32
        %dma_start3A_122 = tpu.memref_slice %arg2[%dma_start3A_120, %dma_start3A_121] : memref<10240x16xf32, #tpu.memory_space<hbm>> -> memref<10240x16xf32, #tpu.memory_space<hbm>>
        tpu.enqueue_indirect_dma source(%dma_start3A_122 : memref<10240x16xf32, #tpu.memory_space<hbm>>) target(%arg11 : memref<128x16xf32, #tpu.memory_space<vmem>>) offsets(%arg7 : memref<128xi32, #tpu.memory_space<vmem>>) semaphore(%arg19 : memref<!tpu.dma_semaphore, #tpu.memory_space<semaphore_mem>>)
        %dma_start3A_123 = arith.constant 0 : i32
        %dma_start3A_124 = arith.constant 0 : i32
        %dma_start3A_125 = tpu.memref_slice %arg2[%dma_start3A_123, %dma_start3A_124] : memref<10240x16xf32, #tpu.memory_space<hbm>> -> memref<10240x16xf32, #tpu.memory_space<hbm>>
        tpu.enqueue_indirect_dma source(%dma_start3A_125 : memref<10240x16xf32, #tpu.memory_space<hbm>>) target(%arg13 : memref<128x16xf32, #tpu.memory_space<vmem>>) offsets(%arg9 : memref<128xi32, #tpu.memory_space<vmem>>) semaphore(%arg20 : memref<!tpu.dma_semaphore, #tpu.memory_space<semaphore_mem>>)
        %dma_wait3A_126 = arith.constant 0 : i32
        %dma_wait3A_127 = arith.constant 0 : i32
        %dma_wait3A_128 = tpu.memref_slice %arg2[%dma_wait3A_126, %dma_wait3A_127] : memref<10240x16xf32, #tpu.memory_space<hbm>> -> memref<10240x16xf32, #tpu.memory_space<hbm>>
        tpu.wait_indirect_dma semaphore(%arg19 : memref<!tpu.dma_semaphore, #tpu.memory_space<semaphore_mem>>) src(%dma_wait3A_128 : memref<10240x16xf32, #tpu.memory_space<hbm>>) dst(%arg11 : memref<128x16xf32, #tpu.memory_space<vmem>>)
        %dma_wait3A_129 = arith.constant 0 : i32
        %dma_wait3A_130 = arith.constant 0 : i32
        %dma_wait3A_131 = tpu.memref_slice %arg2[%dma_wait3A_129, %dma_wait3A_130] : memref<10240x16xf32, #tpu.memory_space<hbm>> -> memref<10240x16xf32, #tpu.memory_space<hbm>>
        tpu.wait_indirect_dma semaphore(%arg20 : memref<!tpu.dma_semaphore, #tpu.memory_space<semaphore_mem>>) src(%dma_wait3A_131 : memref<10240x16xf32, #tpu.memory_space<hbm>>) dst(%arg13 : memref<128x16xf32, #tpu.memory_space<vmem>>)
        %add3A_132 = arith.addi %mul3A_2, %scan3A_77 : i32
        %mul3A_133 = arith.constant 128 : i32
        %mul3A_134 = arith.muli %add3A_132, %mul3A_133 : i32
        %dma_start3A_135 = arith.constant 0 : i32
        %dma_start3A_136 = tpu.memref_slice %arg5[%mul3A_134, %dma_start3A_135] : memref<327680x16xf32, #tpu.memory_space<hbm>> -> memref<128x16xf32, #tpu.memory_space<hbm>>
        %dma_start3A_137 = arith.constant 0 : i32
        %dma_start3A_138 = tpu.memref_slice %arg5[%mul3A_134, %dma_start3A_137] : memref<327680x16xf32, #tpu.memory_space<hbm>> -> memref<128x16xf32, #tpu.memory_space<hbm>>
        tpu.enqueue_dma source(%arg11 : memref<128x16xf32, #tpu.memory_space<vmem>>) target(%dma_start3A_138 : memref<128x16xf32, #tpu.memory_space<hbm>>) target_semaphore(%arg21 : memref<!tpu.dma_semaphore, #tpu.memory_space<semaphore_mem>>)
        %dma_start3A_139 = arith.constant 0 : i32
        %dma_start3A_140 = tpu.memref_slice %arg6[%mul3A_134, %dma_start3A_139] : memref<327680x16xf32, #tpu.memory_space<hbm>> -> memref<128x16xf32, #tpu.memory_space<hbm>>
        %dma_start3A_141 = arith.constant 0 : i32
        %dma_start3A_142 = tpu.memref_slice %arg6[%mul3A_134, %dma_start3A_141] : memref<327680x16xf32, #tpu.memory_space<hbm>> -> memref<128x16xf32, #tpu.memory_space<hbm>>
        tpu.enqueue_dma source(%arg13 : memref<128x16xf32, #tpu.memory_space<vmem>>) target(%dma_start3A_142 : memref<128x16xf32, #tpu.memory_space<hbm>>) target_semaphore(%arg23 : memref<!tpu.dma_semaphore, #tpu.memory_space<semaphore_mem>>)
      } else {
      }
      %eq3A_85 = arith.constant 1 : i32
      %eq3A_86 = arith.cmpi eq, %rem3A_78, %eq3A_85 : i32
      %convert_element_type3A_87 = arith.extui %eq3A_86 : i1 to i32
      %cond3A_88 = arith.constant 0 : i32
      %cond3A_89 = arith.cmpi ne, %convert_element_type3A_87, %cond3A_88 : i32
      scf.if %cond3A_89 {
        %dma_start3A_90 = arith.constant 0 : i32
        %dma_start3A_91 = tpu.memref_slice %arg3[%add3A_82, %dma_start3A_90] : memref<2560x128xi32, #tpu.memory_space<hbm>> -> memref<1x128xi32, #tpu.memory_space<hbm>>
        %dma_start3A_92 = tpu.memref_squeeze %dma_start3A_91 : memref<1x128xi32, #tpu.memory_space<hbm>> -> memref<128xi32, #tpu.memory_space<hbm>>
        %dma_start3A_93 = arith.constant 0 : i32
        %dma_start3A_94 = tpu.memref_slice %arg3[%add3A_82, %dma_start3A_93] : memref<2560x128xi32, #tpu.memory_space<hbm>> -> memref<1x128xi32, #tpu.memory_space<hbm>>
        %dma_start3A_95 = tpu.memref_squeeze %dma_start3A_94 : memref<1x128xi32, #tpu.memory_space<hbm>> -> memref<128xi32, #tpu.memory_space<hbm>>
        tpu.enqueue_dma source(%dma_start3A_95 : memref<128xi32, #tpu.memory_space<hbm>>) target(%arg7 : memref<128xi32, #tpu.memory_space<vmem>>) target_semaphore(%arg15 : memref<!tpu.dma_semaphore, #tpu.memory_space<semaphore_mem>>)
        %dma_start3A_96 = arith.constant 0 : i32
        %dma_start3A_97 = tpu.memref_slice %arg4[%add3A_82, %dma_start3A_96] : memref<2560x128xi32, #tpu.memory_space<hbm>> -> memref<1x128xi32, #tpu.memory_space<hbm>>
        %dma_start3A_98 = tpu.memref_squeeze %dma_start3A_97 : memref<1x128xi32, #tpu.memory_space<hbm>> -> memref<128xi32, #tpu.memory_space<hbm>>
        %dma_start3A_99 = arith.constant 0 : i32
        %dma_start3A_100 = tpu.memref_slice %arg4[%add3A_82, %dma_start3A_99] : memref<2560x128xi32, #tpu.memory_space<hbm>> -> memref<1x128xi32, #tpu.memory_space<hbm>>
        %dma_start3A_101 = tpu.memref_squeeze %dma_start3A_100 : memref<1x128xi32, #tpu.memory_space<hbm>> -> memref<128xi32, #tpu.memory_space<hbm>>
        tpu.enqueue_dma source(%dma_start3A_101 : memref<128xi32, #tpu.memory_space<hbm>>) target(%arg9 : memref<128xi32, #tpu.memory_space<vmem>>) target_semaphore(%arg17 : memref<!tpu.dma_semaphore, #tpu.memory_space<semaphore_mem>>)
        %ge3A = arith.constant 2 : i32
        %ge3A_102 = arith.cmpi sge, %scan3A_77, %ge3A : i32
        %convert_element_type3A_103 = arith.extui %ge3A_102 : i1 to i32
        %cond3A_104 = arith.constant 0 : i32
        %cond3A_105 = arith.cmpi ne, %convert_element_type3A_103, %cond3A_104 : i32
        scf.if %cond3A_105 {
          %add3A_143 = arith.addi %mul3A_2, %scan3A_77 : i32
          %sub3A_144 = arith.constant 2 : i32
          %sub3A_145 = arith.subi %add3A_143, %sub3A_144 : i32
          %mul3A_146 = arith.constant 128 : i32
          %mul3A_147 = arith.muli %sub3A_145, %mul3A_146 : i32
          %dma_wait3A_148 = arith.constant 0 : i32
          %dma_wait3A_149 = tpu.memref_slice %arg5[%mul3A_147, %dma_wait3A_148] : memref<327680x16xf32, #tpu.memory_space<hbm>> -> memref<128x16xf32, #tpu.memory_space<hbm>>
          %dma_wait3A_150 = arith.constant 0 : i32
          %dma_wait3A_151 = tpu.memref_slice %arg5[%mul3A_147, %dma_wait3A_150] : memref<327680x16xf32, #tpu.memory_space<hbm>> -> memref<128x16xf32, #tpu.memory_space<hbm>>
          tpu.wait_dma2 semaphore(%arg22 : memref<!tpu.dma_semaphore, #tpu.memory_space<semaphore_mem>>) src(%arg12 : memref<128x16xf32, #tpu.memory_space<vmem>>) dst(%dma_wait3A_151 : memref<128x16xf32, #tpu.memory_space<hbm>>)
          %dma_wait3A_152 = arith.constant 0 : i32
          %dma_wait3A_153 = tpu.memref_slice %arg6[%mul3A_147, %dma_wait3A_152] : memref<327680x16xf32, #tpu.memory_space<hbm>> -> memref<128x16xf32, #tpu.memory_space<hbm>>
          %dma_wait3A_154 = arith.constant 0 : i32
          %dma_wait3A_155 = tpu.memref_slice %arg6[%mul3A_147, %dma_wait3A_154] : memref<327680x16xf32, #tpu.memory_space<hbm>> -> memref<128x16xf32, #tpu.memory_space<hbm>>
          tpu.wait_dma2 semaphore(%arg24 : memref<!tpu.dma_semaphore, #tpu.memory_space<semaphore_mem>>) src(%arg14 : memref<128x16xf32, #tpu.memory_space<vmem>>) dst(%dma_wait3A_155 : memref<128x16xf32, #tpu.memory_space<hbm>>)
        } else {
        }
        %add3A_106 = arith.addi %mul3A_2, %scan3A_77 : i32
        %dma_wait3A_107 = arith.constant 0 : i32
        %dma_wait3A_108 = tpu.memref_slice %arg3[%add3A_106, %dma_wait3A_107] : memref<2560x128xi32, #tpu.memory_space<hbm>> -> memref<1x128xi32, #tpu.memory_space<hbm>>
        %dma_wait3A_109 = tpu.memref_squeeze %dma_wait3A_108 : memref<1x128xi32, #tpu.memory_space<hbm>> -> memref<128xi32, #tpu.memory_space<hbm>>
        %dma_wait3A_110 = arith.constant 0 : i32
        %dma_wait3A_111 = tpu.memref_slice %arg3[%add3A_106, %dma_wait3A_110] : memref<2560x128xi32, #tpu.memory_space<hbm>> -> memref<1x128xi32, #tpu.memory_space<hbm>>
        %dma_wait3A_112 = tpu.memref_squeeze %dma_wait3A_111 : memref<1x128xi32, #tpu.memory_space<hbm>> -> memref<128xi32, #tpu.memory_space<hbm>>
        tpu.wait_dma2 semaphore(%arg16 : memref<!tpu.dma_semaphore, #tpu.memory_space<semaphore_mem>>) src(%dma_wait3A_112 : memref<128xi32, #tpu.memory_space<hbm>>) dst(%arg8 : memref<128xi32, #tpu.memory_space<vmem>>)
        %add3A_113 = arith.addi %mul3A_2, %scan3A_77 : i32
        %dma_wait3A_114 = arith.constant 0 : i32
        %dma_wait3A_115 = tpu.memref_slice %arg4[%add3A_113, %dma_wait3A_114] : memref<2560x128xi32, #tpu.memory_space<hbm>> -> memref<1x128xi32, #tpu.memory_space<hbm>>
        %dma_wait3A_116 = tpu.memref_squeeze %dma_wait3A_115 : memref<1x128xi32, #tpu.memory_space<hbm>> -> memref<128xi32, #tpu.memory_space<hbm>>
        %dma_wait3A_117 = arith.constant 0 : i32
        %dma_wait3A_118 = tpu.memref_slice %arg4[%add3A_113, %dma_wait3A_117] : memref<2560x128xi32, #tpu.memory_space<hbm>> -> memref<1x128xi32, #tpu.memory_space<hbm>>
        %dma_wait3A_119 = tpu.memref_squeeze %dma_wait3A_118 : memref<1x128xi32, #tpu.memory_space<hbm>> -> memref<128xi32, #tpu.memory_space<hbm>>
        tpu.wait_dma2 semaphore(%arg18 : memref<!tpu.dma_semaphore, #tpu.memory_space<semaphore_mem>>) src(%dma_wait3A_119 : memref<128xi32, #tpu.memory_space<hbm>>) dst(%arg10 : memref<128xi32, #tpu.memory_space<vmem>>)
        %dma_start3A_120 = arith.constant 0 : i32
        %dma_start3A_121 = arith.constant 0 : i32
        %dma_start3A_122 = tpu.memref_slice %arg2[%dma_start3A_120, %dma_start3A_121] : memref<10240x16xf32, #tpu.memory_space<hbm>> -> memref<10240x16xf32, #tpu.memory_space<hbm>>
        tpu.enqueue_indirect_dma source(%dma_start3A_122 : memref<10240x16xf32, #tpu.memory_space<hbm>>) target(%arg12 : memref<128x16xf32, #tpu.memory_space<vmem>>) offsets(%arg8 : memref<128xi32, #tpu.memory_space<vmem>>) semaphore(%arg19 : memref<!tpu.dma_semaphore, #tpu.memory_space<semaphore_mem>>)
        %dma_start3A_123 = arith.constant 0 : i32
        %dma_start3A_124 = arith.constant 0 : i32
        %dma_start3A_125 = tpu.memref_slice %arg2[%dma_start3A_123, %dma_start3A_124] : memref<10240x16xf32, #tpu.memory_space<hbm>> -> memref<10240x16xf32, #tpu.memory_space<hbm>>
        tpu.enqueue_indirect_dma source(%dma_start3A_125 : memref<10240x16xf32, #tpu.memory_space<hbm>>) target(%arg14 : memref<128x16xf32, #tpu.memory_space<vmem>>) offsets(%arg10 : memref<128xi32, #tpu.memory_space<vmem>>) semaphore(%arg20 : memref<!tpu.dma_semaphore, #tpu.memory_space<semaphore_mem>>)
        %dma_wait3A_126 = arith.constant 0 : i32
        %dma_wait3A_127 = arith.constant 0 : i32
        %dma_wait3A_128 = tpu.memref_slice %arg2[%dma_wait3A_126, %dma_wait3A_127] : memref<10240x16xf32, #tpu.memory_space<hbm>> -> memref<10240x16xf32, #tpu.memory_space<hbm>>
        tpu.wait_indirect_dma semaphore(%arg19 : memref<!tpu.dma_semaphore, #tpu.memory_space<semaphore_mem>>) src(%dma_wait3A_128 : memref<10240x16xf32, #tpu.memory_space<hbm>>) dst(%arg12 : memref<128x16xf32, #tpu.memory_space<vmem>>)
        %dma_wait3A_129 = arith.constant 0 : i32
        %dma_wait3A_130 = arith.constant 0 : i32
        %dma_wait3A_131 = tpu.memref_slice %arg2[%dma_wait3A_129, %dma_wait3A_130] : memref<10240x16xf32, #tpu.memory_space<hbm>> -> memref<10240x16xf32, #tpu.memory_space<hbm>>
        tpu.wait_indirect_dma semaphore(%arg20 : memref<!tpu.dma_semaphore, #tpu.memory_space<semaphore_mem>>) src(%dma_wait3A_131 : memref<10240x16xf32, #tpu.memory_space<hbm>>) dst(%arg14 : memref<128x16xf32, #tpu.memory_space<vmem>>)
        %add3A_132 = arith.addi %mul3A_2, %scan3A_77 : i32
        %mul3A_133 = arith.constant 128 : i32
        %mul3A_134 = arith.muli %add3A_132, %mul3A_133 : i32
        %dma_start3A_135 = arith.constant 0 : i32
        %dma_start3A_136 = tpu.memref_slice %arg5[%mul3A_134, %dma_start3A_135] : memref<327680x16xf32, #tpu.memory_space<hbm>> -> memref<128x16xf32, #tpu.memory_space<hbm>>
        %dma_start3A_137 = arith.constant 0 : i32
        %dma_start3A_138 = tpu.memref_slice %arg5[%mul3A_134, %dma_start3A_137] : memref<327680x16xf32, #tpu.memory_space<hbm>> -> memref<128x16xf32, #tpu.memory_space<hbm>>
        tpu.enqueue_dma source(%arg12 : memref<128x16xf32, #tpu.memory_space<vmem>>) target(%dma_start3A_138 : memref<128x16xf32, #tpu.memory_space<hbm>>) target_semaphore(%arg22 : memref<!tpu.dma_semaphore, #tpu.memory_space<semaphore_mem>>)
        %dma_start3A_139 = arith.constant 0 : i32
        %dma_start3A_140 = tpu.memref_slice %arg6[%mul3A_134, %dma_start3A_139] : memref<327680x16xf32, #tpu.memory_space<hbm>> -> memref<128x16xf32, #tpu.memory_space<hbm>>
        %dma_start3A_141 = arith.constant 0 : i32
        %dma_start3A_142 = tpu.memref_slice %arg6[%mul3A_134, %dma_start3A_141] : memref<327680x16xf32, #tpu.memory_space<hbm>> -> memref<128x16xf32, #tpu.memory_space<hbm>>
        tpu.enqueue_dma source(%arg14 : memref<128x16xf32, #tpu.memory_space<vmem>>) target(%dma_start3A_142 : memref<128x16xf32, #tpu.memory_space<hbm>>) target_semaphore(%arg24 : memref<!tpu.dma_semaphore, #tpu.memory_space<semaphore_mem>>)
      } else {
      }
    }
    %scan3A_18 = arith.constant 80 : i32
    %add3A_19 = arith.constant 80 : i32
    %add3A_20 = arith.addi %mul3A_2, %add3A_19 : i32
    %sub3A = arith.constant 1 : i32
    %sub3A_21 = arith.subi %add3A_20, %sub3A : i32
    %dma_wait3A = arith.constant 0 : i32
    %dma_wait3A_22 = tpu.memref_slice %arg3[%sub3A_21, %dma_wait3A] : memref<2560x128xi32, #tpu.memory_space<hbm>> -> memref<1x128xi32, #tpu.memory_space<hbm>>
    %dma_wait3A_23 = tpu.memref_squeeze %dma_wait3A_22 : memref<1x128xi32, #tpu.memory_space<hbm>> -> memref<128xi32, #tpu.memory_space<hbm>>
    %dma_wait3A_24 = arith.constant 0 : i32
    %dma_wait3A_25 = tpu.memref_slice %arg3[%sub3A_21, %dma_wait3A_24] : memref<2560x128xi32, #tpu.memory_space<hbm>> -> memref<1x128xi32, #tpu.memory_space<hbm>>
    %dma_wait3A_26 = tpu.memref_squeeze %dma_wait3A_25 : memref<1x128xi32, #tpu.memory_space<hbm>> -> memref<128xi32, #tpu.memory_space<hbm>>
    tpu.wait_dma2 semaphore(%arg15 : memref<!tpu.dma_semaphore, #tpu.memory_space<semaphore_mem>>) src(%dma_wait3A_26 : memref<128xi32, #tpu.memory_space<hbm>>) dst(%arg7 : memref<128xi32, #tpu.memory_space<vmem>>)
    %add3A_27 = arith.constant 80 : i32
    %add3A_28 = arith.addi %mul3A_2, %add3A_27 : i32
    %sub3A_29 = arith.constant 1 : i32
    %sub3A_30 = arith.subi %add3A_28, %sub3A_29 : i32
    %dma_wait3A_31 = arith.constant 0 : i32
    %dma_wait3A_32 = tpu.memref_slice %arg4[%sub3A_30, %dma_wait3A_31] : memref<2560x128xi32, #tpu.memory_space<hbm>> -> memref<1x128xi32, #tpu.memory_space<hbm>>
    %dma_wait3A_33 = tpu.memref_squeeze %dma_wait3A_32 : memref<1x128xi32, #tpu.memory_space<hbm>> -> memref<128xi32, #tpu.memory_space<hbm>>
    %dma_wait3A_34 = arith.constant 0 : i32
    %dma_wait3A_35 = tpu.memref_slice %arg4[%sub3A_30, %dma_wait3A_34] : memref<2560x128xi32, #tpu.memory_space<hbm>> -> memref<1x128xi32, #tpu.memory_space<hbm>>
    %dma_wait3A_36 = tpu.memref_squeeze %dma_wait3A_35 : memref<1x128xi32, #tpu.memory_space<hbm>> -> memref<128xi32, #tpu.memory_space<hbm>>
    tpu.wait_dma2 semaphore(%arg17 : memref<!tpu.dma_semaphore, #tpu.memory_space<semaphore_mem>>) src(%dma_wait3A_36 : memref<128xi32, #tpu.memory_space<hbm>>) dst(%arg9 : memref<128xi32, #tpu.memory_space<vmem>>)
    %add3A_37 = arith.constant 80 : i32
    %add3A_38 = arith.addi %mul3A_2, %add3A_37 : i32
    %sub3A_39 = arith.constant 2 : i32
    %sub3A_40 = arith.subi %add3A_38, %sub3A_39 : i32
    %mul3A_41 = arith.constant 128 : i32
    %mul3A_42 = arith.muli %sub3A_40, %mul3A_41 : i32
    %dma_wait3A_43 = arith.constant 0 : i32
    %dma_wait3A_44 = tpu.memref_slice %arg5[%mul3A_42, %dma_wait3A_43] : memref<327680x16xf32, #tpu.memory_space<hbm>> -> memref<128x16xf32, #tpu.memory_space<hbm>>
    %dma_wait3A_45 = arith.constant 0 : i32
    %dma_wait3A_46 = tpu.memref_slice %arg5[%mul3A_42, %dma_wait3A_45] : memref<327680x16xf32, #tpu.memory_space<hbm>> -> memref<128x16xf32, #tpu.memory_space<hbm>>
    tpu.wait_dma2 semaphore(%arg21 : memref<!tpu.dma_semaphore, #tpu.memory_space<semaphore_mem>>) src(%arg11 : memref<128x16xf32, #tpu.memory_space<vmem>>) dst(%dma_wait3A_46 : memref<128x16xf32, #tpu.memory_space<hbm>>)
    %add3A_47 = arith.constant 80 : i32
    %add3A_48 = arith.addi %mul3A_2, %add3A_47 : i32
    %sub3A_49 = arith.constant 2 : i32
    %sub3A_50 = arith.subi %add3A_48, %sub3A_49 : i32
    %mul3A_51 = arith.constant 128 : i32
    %mul3A_52 = arith.muli %sub3A_50, %mul3A_51 : i32
    %dma_wait3A_53 = arith.constant 0 : i32
    %dma_wait3A_54 = tpu.memref_slice %arg6[%mul3A_52, %dma_wait3A_53] : memref<327680x16xf32, #tpu.memory_space<hbm>> -> memref<128x16xf32, #tpu.memory_space<hbm>>
    %dma_wait3A_55 = arith.constant 0 : i32
    %dma_wait3A_56 = tpu.memref_slice %arg6[%mul3A_52, %dma_wait3A_55] : memref<327680x16xf32, #tpu.memory_space<hbm>> -> memref<128x16xf32, #tpu.memory_space<hbm>>
    tpu.wait_dma2 semaphore(%arg23 : memref<!tpu.dma_semaphore, #tpu.memory_space<semaphore_mem>>) src(%arg13 : memref<128x16xf32, #tpu.memory_space<vmem>>) dst(%dma_wait3A_56 : memref<128x16xf32, #tpu.memory_space<hbm>>)
    %add3A_57 = arith.constant 80 : i32
    %add3A_58 = arith.addi %mul3A_2, %add3A_57 : i32
    %sub3A_59 = arith.constant 1 : i32
    %sub3A_60 = arith.subi %add3A_58, %sub3A_59 : i32
    %mul3A_61 = arith.constant 128 : i32
    %mul3A_62 = arith.muli %sub3A_60, %mul3A_61 : i32
    %dma_wait3A_63 = arith.constant 0 : i32
    %dma_wait3A_64 = tpu.memref_slice %arg5[%mul3A_62, %dma_wait3A_63] : memref<327680x16xf32, #tpu.memory_space<hbm>> -> memref<128x16xf32, #tpu.memory_space<hbm>>
    %dma_wait3A_65 = arith.constant 0 : i32
    %dma_wait3A_66 = tpu.memref_slice %arg5[%mul3A_62, %dma_wait3A_65] : memref<327680x16xf32, #tpu.memory_space<hbm>> -> memref<128x16xf32, #tpu.memory_space<hbm>>
    tpu.wait_dma2 semaphore(%arg22 : memref<!tpu.dma_semaphore, #tpu.memory_space<semaphore_mem>>) src(%arg12 : memref<128x16xf32, #tpu.memory_space<vmem>>) dst(%dma_wait3A_66 : memref<128x16xf32, #tpu.memory_space<hbm>>)
    %add3A_67 = arith.constant 80 : i32
    %add3A_68 = arith.addi %mul3A_2, %add3A_67 : i32
    %sub3A_69 = arith.constant 1 : i32
    %sub3A_70 = arith.subi %add3A_68, %sub3A_69 : i32
    %mul3A_71 = arith.constant 128 : i32
    %mul3A_72 = arith.muli %sub3A_70, %mul3A_71 : i32
    %dma_wait3A_73 = arith.constant 0 : i32
    %dma_wait3A_74 = tpu.memref_slice %arg6[%mul3A_72, %dma_wait3A_73] : memref<327680x16xf32, #tpu.memory_space<hbm>> -> memref<128x16xf32, #tpu.memory_space<hbm>>
    %dma_wait3A_75 = arith.constant 0 : i32
    %dma_wait3A_76 = tpu.memref_slice %arg6[%mul3A_72, %dma_wait3A_75] : memref<327680x16xf32, #tpu.memory_space<hbm>> -> memref<128x16xf32, #tpu.memory_space<hbm>>
    tpu.wait_dma2 semaphore(%arg24 : memref<!tpu.dma_semaphore, #tpu.memory_space<semaphore_mem>>) src(%arg14 : memref<128x16xf32, #tpu.memory_space<vmem>>) dst(%dma_wait3A_76 : memref<128x16xf32, #tpu.memory_space<hbm>>)
    return
  }
}

#map = affine_map<(d0, d1) -> (0, 0)>
module attributes {stable_mosaic.version = 14 : i64} {
  func.func @_sc_env(%arg0: i32, %arg1: i32, %arg2: memref<327680x128xf32, #tpu.memory_space<hbm>>, %arg3: memref<2560x128xi32, #tpu.memory_space<hbm>>, %arg4: memref<128x128xf32, #tpu.memory_space<hbm>>, %arg5: memref<327680x128xf32, #tpu.memory_space<hbm>>, %arg6: memref<128xi32, #tpu.memory_space<vmem>>, %arg7: memref<128xi32, #tpu.memory_space<vmem>>, %arg8: memref<128x128xf32, #tpu.memory_space<vmem>>, %arg9: memref<128x128xf32, #tpu.memory_space<vmem>>, %arg10: memref<128x128xf32, #tpu.memory_space<vmem>>, %arg11: memref<10112x128xf32, #tpu.memory_space<vmem_shared>>, %arg12: memref<!tpu.dma_semaphore, #tpu.memory_space<semaphore_mem>>, %arg13: memref<!tpu.dma_semaphore, #tpu.memory_space<semaphore_mem>>, %arg14: memref<!tpu.dma_semaphore, #tpu.memory_space<semaphore_mem>>, %arg15: memref<!tpu.dma_semaphore, #tpu.memory_space<semaphore_mem>>, %arg16: memref<!tpu.dma_semaphore, #tpu.memory_space<semaphore_mem>>) attributes {dimension_semantics = [#tpu.dimension_semantics<core_parallel>, #tpu.dimension_semantics<subcore_parallel>], iteration_bounds = array<i64: 2, 16>, scalar_prefetch = 0 : i64, scratch_operands = 11 : i64, tpu.core_type = #tpu.core_type<sc_vector_subcore>, window_params = [{transform_indices = #map}, {transform_indices = #map}, {transform_indices = #map}, {transform_indices = #map}]} {
    %mul3A = arith.constant 16 : i32
    %mul3A_0 = arith.muli %arg0, %mul3A : i32
    %add3A = arith.addi %mul3A_0, %arg1 : i32
    "tpu.region"() ({
      %run_scoped3A = tpu.sem_alloc : memref<!tpu.dma_semaphore, #tpu.memory_space<semaphore_mem>>
      tpu.enqueue_dma source(%arg4 : memref<128x128xf32, #tpu.memory_space<hbm>>) target(%arg10 : memref<128x128xf32, #tpu.memory_space<vmem>>) target_semaphore(%run_scoped3A : memref<!tpu.dma_semaphore, #tpu.memory_space<semaphore_mem>>)
      tpu.wait_dma2 semaphore(%run_scoped3A : memref<!tpu.dma_semaphore, #tpu.memory_space<semaphore_mem>>) src(%arg4 : memref<128x128xf32, #tpu.memory_space<hbm>>) dst(%arg10 : memref<128x128xf32, #tpu.memory_space<vmem>>)
      tpu.yield
    }) : () -> ()
    %add3A_1 = arith.constant 0 : i32
    %add3A_2 = arith.addi %arg1, %add3A_1 : i32
    %lt3A = arith.constant 79 : i32
    %lt3A_3 = arith.cmpi slt, %add3A_2, %lt3A : i32
    %convert_element_type3A = arith.extui %lt3A_3 : i1 to i32
    %cond3A = arith.constant 0 : i32
    %cond3A_4 = arith.cmpi ne, %convert_element_type3A, %cond3A : i32
    scf.if %cond3A_4 {
      %mul3A_114 = arith.constant 128 : i32
      %mul3A_115 = arith.muli %add3A_2, %mul3A_114 : i32
      "tpu.region"() ({
        %run_scoped3A = tpu.sem_alloc : memref<!tpu.dma_semaphore, #tpu.memory_space<semaphore_mem>>
        %dma_start3A_116 = arith.constant 0 : i32
        %dma_start3A_117 = tpu.memref_slice %arg11[%mul3A_115, %dma_start3A_116] : memref<10112x128xf32, #tpu.memory_space<vmem_shared>> -> memref<128x128xf32, #tpu.memory_space<vmem_shared>>
        %dma_start3A_118 = arith.constant 0 : i32
        %dma_start3A_119 = tpu.memref_slice %arg11[%mul3A_115, %dma_start3A_118] : memref<10112x128xf32, #tpu.memory_space<vmem_shared>> -> memref<128x128xf32, #tpu.memory_space<vmem_shared>>
        tpu.enqueue_dma source(%arg10 : memref<128x128xf32, #tpu.memory_space<vmem>>) target(%dma_start3A_119 : memref<128x128xf32, #tpu.memory_space<vmem_shared>>) target_semaphore(%run_scoped3A : memref<!tpu.dma_semaphore, #tpu.memory_space<semaphore_mem>>)
        %dma_wait3A_120 = arith.constant 0 : i32
        %dma_wait3A_121 = tpu.memref_slice %arg11[%mul3A_115, %dma_wait3A_120] : memref<10112x128xf32, #tpu.memory_space<vmem_shared>> -> memref<128x128xf32, #tpu.memory_space<vmem_shared>>
        %dma_wait3A_122 = arith.constant 0 : i32
        %dma_wait3A_123 = tpu.memref_slice %arg11[%mul3A_115, %dma_wait3A_122] : memref<10112x128xf32, #tpu.memory_space<vmem_shared>> -> memref<128x128xf32, #tpu.memory_space<vmem_shared>>
        tpu.wait_dma2 semaphore(%run_scoped3A : memref<!tpu.dma_semaphore, #tpu.memory_space<semaphore_mem>>) src(%arg10 : memref<128x128xf32, #tpu.memory_space<vmem>>) dst(%dma_wait3A_123 : memref<128x128xf32, #tpu.memory_space<vmem_shared>>)
        tpu.yield
      }) : () -> ()
    } else {
    }
    %add3A_5 = arith.constant 16 : i32
    %add3A_6 = arith.addi %arg1, %add3A_5 : i32
    %lt3A_7 = arith.constant 79 : i32
    %lt3A_8 = arith.cmpi slt, %add3A_6, %lt3A_7 : i32
    %convert_element_type3A_9 = arith.extui %lt3A_8 : i1 to i32
    %cond3A_10 = arith.constant 0 : i32
    %cond3A_11 = arith.cmpi ne, %convert_element_type3A_9, %cond3A_10 : i32
    scf.if %cond3A_11 {
      %mul3A_114 = arith.constant 128 : i32
      %mul3A_115 = arith.muli %add3A_6, %mul3A_114 : i32
      "tpu.region"() ({
        %run_scoped3A = tpu.sem_alloc : memref<!tpu.dma_semaphore, #tpu.memory_space<semaphore_mem>>
        %dma_start3A_116 = arith.constant 0 : i32
        %dma_start3A_117 = tpu.memref_slice %arg11[%mul3A_115, %dma_start3A_116] : memref<10112x128xf32, #tpu.memory_space<vmem_shared>> -> memref<128x128xf32, #tpu.memory_space<vmem_shared>>
        %dma_start3A_118 = arith.constant 0 : i32
        %dma_start3A_119 = tpu.memref_slice %arg11[%mul3A_115, %dma_start3A_118] : memref<10112x128xf32, #tpu.memory_space<vmem_shared>> -> memref<128x128xf32, #tpu.memory_space<vmem_shared>>
        tpu.enqueue_dma source(%arg10 : memref<128x128xf32, #tpu.memory_space<vmem>>) target(%dma_start3A_119 : memref<128x128xf32, #tpu.memory_space<vmem_shared>>) target_semaphore(%run_scoped3A : memref<!tpu.dma_semaphore, #tpu.memory_space<semaphore_mem>>)
        %dma_wait3A_120 = arith.constant 0 : i32
        %dma_wait3A_121 = tpu.memref_slice %arg11[%mul3A_115, %dma_wait3A_120] : memref<10112x128xf32, #tpu.memory_space<vmem_shared>> -> memref<128x128xf32, #tpu.memory_space<vmem_shared>>
        %dma_wait3A_122 = arith.constant 0 : i32
        %dma_wait3A_123 = tpu.memref_slice %arg11[%mul3A_115, %dma_wait3A_122] : memref<10112x128xf32, #tpu.memory_space<vmem_shared>> -> memref<128x128xf32, #tpu.memory_space<vmem_shared>>
        tpu.wait_dma2 semaphore(%run_scoped3A : memref<!tpu.dma_semaphore, #tpu.memory_space<semaphore_mem>>) src(%arg10 : memref<128x128xf32, #tpu.memory_space<vmem>>) dst(%dma_wait3A_123 : memref<128x128xf32, #tpu.memory_space<vmem_shared>>)
        tpu.yield
      }) : () -> ()
    } else {
    }
    %add3A_12 = arith.constant 32 : i32
    %add3A_13 = arith.addi %arg1, %add3A_12 : i32
    %lt3A_14 = arith.constant 79 : i32
    %lt3A_15 = arith.cmpi slt, %add3A_13, %lt3A_14 : i32
    %convert_element_type3A_16 = arith.extui %lt3A_15 : i1 to i32
    %cond3A_17 = arith.constant 0 : i32
    %cond3A_18 = arith.cmpi ne, %convert_element_type3A_16, %cond3A_17 : i32
    scf.if %cond3A_18 {
      %mul3A_114 = arith.constant 128 : i32
      %mul3A_115 = arith.muli %add3A_13, %mul3A_114 : i32
      "tpu.region"() ({
        %run_scoped3A = tpu.sem_alloc : memref<!tpu.dma_semaphore, #tpu.memory_space<semaphore_mem>>
        %dma_start3A_116 = arith.constant 0 : i32
        %dma_start3A_117 = tpu.memref_slice %arg11[%mul3A_115, %dma_start3A_116] : memref<10112x128xf32, #tpu.memory_space<vmem_shared>> -> memref<128x128xf32, #tpu.memory_space<vmem_shared>>
        %dma_start3A_118 = arith.constant 0 : i32
        %dma_start3A_119 = tpu.memref_slice %arg11[%mul3A_115, %dma_start3A_118] : memref<10112x128xf32, #tpu.memory_space<vmem_shared>> -> memref<128x128xf32, #tpu.memory_space<vmem_shared>>
        tpu.enqueue_dma source(%arg10 : memref<128x128xf32, #tpu.memory_space<vmem>>) target(%dma_start3A_119 : memref<128x128xf32, #tpu.memory_space<vmem_shared>>) target_semaphore(%run_scoped3A : memref<!tpu.dma_semaphore, #tpu.memory_space<semaphore_mem>>)
        %dma_wait3A_120 = arith.constant 0 : i32
        %dma_wait3A_121 = tpu.memref_slice %arg11[%mul3A_115, %dma_wait3A_120] : memref<10112x128xf32, #tpu.memory_space<vmem_shared>> -> memref<128x128xf32, #tpu.memory_space<vmem_shared>>
        %dma_wait3A_122 = arith.constant 0 : i32
        %dma_wait3A_123 = tpu.memref_slice %arg11[%mul3A_115, %dma_wait3A_122] : memref<10112x128xf32, #tpu.memory_space<vmem_shared>> -> memref<128x128xf32, #tpu.memory_space<vmem_shared>>
        tpu.wait_dma2 semaphore(%run_scoped3A : memref<!tpu.dma_semaphore, #tpu.memory_space<semaphore_mem>>) src(%arg10 : memref<128x128xf32, #tpu.memory_space<vmem>>) dst(%dma_wait3A_123 : memref<128x128xf32, #tpu.memory_space<vmem_shared>>)
        tpu.yield
      }) : () -> ()
    } else {
    }
    %add3A_19 = arith.constant 48 : i32
    %add3A_20 = arith.addi %arg1, %add3A_19 : i32
    %lt3A_21 = arith.constant 79 : i32
    %lt3A_22 = arith.cmpi slt, %add3A_20, %lt3A_21 : i32
    %convert_element_type3A_23 = arith.extui %lt3A_22 : i1 to i32
    %cond3A_24 = arith.constant 0 : i32
    %cond3A_25 = arith.cmpi ne, %convert_element_type3A_23, %cond3A_24 : i32
    scf.if %cond3A_25 {
      %mul3A_114 = arith.constant 128 : i32
      %mul3A_115 = arith.muli %add3A_20, %mul3A_114 : i32
      "tpu.region"() ({
        %run_scoped3A = tpu.sem_alloc : memref<!tpu.dma_semaphore, #tpu.memory_space<semaphore_mem>>
        %dma_start3A_116 = arith.constant 0 : i32
        %dma_start3A_117 = tpu.memref_slice %arg11[%mul3A_115, %dma_start3A_116] : memref<10112x128xf32, #tpu.memory_space<vmem_shared>> -> memref<128x128xf32, #tpu.memory_space<vmem_shared>>
        %dma_start3A_118 = arith.constant 0 : i32
        %dma_start3A_119 = tpu.memref_slice %arg11[%mul3A_115, %dma_start3A_118] : memref<10112x128xf32, #tpu.memory_space<vmem_shared>> -> memref<128x128xf32, #tpu.memory_space<vmem_shared>>
        tpu.enqueue_dma source(%arg10 : memref<128x128xf32, #tpu.memory_space<vmem>>) target(%dma_start3A_119 : memref<128x128xf32, #tpu.memory_space<vmem_shared>>) target_semaphore(%run_scoped3A : memref<!tpu.dma_semaphore, #tpu.memory_space<semaphore_mem>>)
        %dma_wait3A_120 = arith.constant 0 : i32
        %dma_wait3A_121 = tpu.memref_slice %arg11[%mul3A_115, %dma_wait3A_120] : memref<10112x128xf32, #tpu.memory_space<vmem_shared>> -> memref<128x128xf32, #tpu.memory_space<vmem_shared>>
        %dma_wait3A_122 = arith.constant 0 : i32
        %dma_wait3A_123 = tpu.memref_slice %arg11[%mul3A_115, %dma_wait3A_122] : memref<10112x128xf32, #tpu.memory_space<vmem_shared>> -> memref<128x128xf32, #tpu.memory_space<vmem_shared>>
        tpu.wait_dma2 semaphore(%run_scoped3A : memref<!tpu.dma_semaphore, #tpu.memory_space<semaphore_mem>>) src(%arg10 : memref<128x128xf32, #tpu.memory_space<vmem>>) dst(%dma_wait3A_123 : memref<128x128xf32, #tpu.memory_space<vmem_shared>>)
        tpu.yield
      }) : () -> ()
    } else {
    }
    %add3A_26 = arith.constant 64 : i32
    %add3A_27 = arith.addi %arg1, %add3A_26 : i32
    %lt3A_28 = arith.constant 79 : i32
    %lt3A_29 = arith.cmpi slt, %add3A_27, %lt3A_28 : i32
    %convert_element_type3A_30 = arith.extui %lt3A_29 : i1 to i32
    %cond3A_31 = arith.constant 0 : i32
    %cond3A_32 = arith.cmpi ne, %convert_element_type3A_30, %cond3A_31 : i32
    scf.if %cond3A_32 {
      %mul3A_114 = arith.constant 128 : i32
      %mul3A_115 = arith.muli %add3A_27, %mul3A_114 : i32
      "tpu.region"() ({
        %run_scoped3A = tpu.sem_alloc : memref<!tpu.dma_semaphore, #tpu.memory_space<semaphore_mem>>
        %dma_start3A_116 = arith.constant 0 : i32
        %dma_start3A_117 = tpu.memref_slice %arg11[%mul3A_115, %dma_start3A_116] : memref<10112x128xf32, #tpu.memory_space<vmem_shared>> -> memref<128x128xf32, #tpu.memory_space<vmem_shared>>
        %dma_start3A_118 = arith.constant 0 : i32
        %dma_start3A_119 = tpu.memref_slice %arg11[%mul3A_115, %dma_start3A_118] : memref<10112x128xf32, #tpu.memory_space<vmem_shared>> -> memref<128x128xf32, #tpu.memory_space<vmem_shared>>
        tpu.enqueue_dma source(%arg10 : memref<128x128xf32, #tpu.memory_space<vmem>>) target(%dma_start3A_119 : memref<128x128xf32, #tpu.memory_space<vmem_shared>>) target_semaphore(%run_scoped3A : memref<!tpu.dma_semaphore, #tpu.memory_space<semaphore_mem>>)
        %dma_wait3A_120 = arith.constant 0 : i32
        %dma_wait3A_121 = tpu.memref_slice %arg11[%mul3A_115, %dma_wait3A_120] : memref<10112x128xf32, #tpu.memory_space<vmem_shared>> -> memref<128x128xf32, #tpu.memory_space<vmem_shared>>
        %dma_wait3A_122 = arith.constant 0 : i32
        %dma_wait3A_123 = tpu.memref_slice %arg11[%mul3A_115, %dma_wait3A_122] : memref<10112x128xf32, #tpu.memory_space<vmem_shared>> -> memref<128x128xf32, #tpu.memory_space<vmem_shared>>
        tpu.wait_dma2 semaphore(%run_scoped3A : memref<!tpu.dma_semaphore, #tpu.memory_space<semaphore_mem>>) src(%arg10 : memref<128x128xf32, #tpu.memory_space<vmem>>) dst(%dma_wait3A_123 : memref<128x128xf32, #tpu.memory_space<vmem_shared>>)
        tpu.yield
      }) : () -> ()
    } else {
    }
    %barrier3A = arith.constant 0 : index
    tpu.barrier barrier_id(%barrier3A)
    %mul3A_33 = arith.constant 160 : i32
    %mul3A_34 = arith.muli %arg1, %mul3A_33 : i32
    %dma_start3A = arith.constant 0 : i32
    %dma_start3A_35 = tpu.memref_slice %arg3[%mul3A_34, %dma_start3A] : memref<2560x128xi32, #tpu.memory_space<hbm>> -> memref<1x128xi32, #tpu.memory_space<hbm>>
    %dma_start3A_36 = tpu.memref_squeeze %dma_start3A_35 : memref<1x128xi32, #tpu.memory_space<hbm>> -> memref<128xi32, #tpu.memory_space<hbm>>
    %dma_start3A_37 = arith.constant 0 : i32
    %dma_start3A_38 = tpu.memref_slice %arg3[%mul3A_34, %dma_start3A_37] : memref<2560x128xi32, #tpu.memory_space<hbm>> -> memref<1x128xi32, #tpu.memory_space<hbm>>
    %dma_start3A_39 = tpu.memref_squeeze %dma_start3A_38 : memref<1x128xi32, #tpu.memory_space<hbm>> -> memref<128xi32, #tpu.memory_space<hbm>>
    tpu.enqueue_dma source(%dma_start3A_39 : memref<128xi32, #tpu.memory_space<hbm>>) target(%arg6 : memref<128xi32, #tpu.memory_space<vmem>>) target_semaphore(%arg12 : memref<!tpu.dma_semaphore, #tpu.memory_space<semaphore_mem>>)
    %mul3A_40 = arith.constant 128 : i32
    %mul3A_41 = arith.muli %mul3A_34, %mul3A_40 : i32
    %dma_start3A_42 = arith.constant 0 : i32
    %dma_start3A_43 = tpu.memref_slice %arg2[%mul3A_41, %dma_start3A_42] : memref<327680x128xf32, #tpu.memory_space<hbm>> -> memref<128x128xf32, #tpu.memory_space<hbm>>
    %dma_start3A_44 = arith.constant 0 : i32
    %dma_start3A_45 = tpu.memref_slice %arg2[%mul3A_41, %dma_start3A_44] : memref<327680x128xf32, #tpu.memory_space<hbm>> -> memref<128x128xf32, #tpu.memory_space<hbm>>
    tpu.enqueue_dma source(%dma_start3A_45 : memref<128x128xf32, #tpu.memory_space<hbm>>) target(%arg8 : memref<128x128xf32, #tpu.memory_space<vmem>>) target_semaphore(%arg14 : memref<!tpu.dma_semaphore, #tpu.memory_space<semaphore_mem>>)
    %scan3A = arith.constant 0 : i32
    %scan3A_46 = arith.constant 0 : i32
    %scan3A_47 = arith.constant 160 : i32
    %scan3A_48 = arith.addi %scan3A_46, %scan3A_47 : i32
    %scan3A_49 = arith.constant 1 : i32
    scf.for %scan3A_114 = %scan3A_46 to %scan3A_48 step %scan3A_49  : i32 {
      %rem3A = arith.constant 2 : i32
      %rem3A_115 = arith.remsi %scan3A_114, %rem3A : i32
      %add3A_116 = arith.constant 1 : i32
      %add3A_117 = arith.addi %scan3A_114, %add3A_116 : i32
      %min3A = arith.constant 159 : i32
      %min3A_118 = arith.minsi %add3A_117, %min3A : i32
      %add3A_119 = arith.addi %mul3A_34, %min3A_118 : i32
      %eq3A = arith.constant 0 : i32
      %eq3A_120 = arith.cmpi eq, %rem3A_115, %eq3A : i32
      %convert_element_type3A_121 = arith.extui %eq3A_120 : i1 to i32
      %cond3A_122 = arith.constant 0 : i32
      %cond3A_123 = arith.cmpi ne, %convert_element_type3A_121, %cond3A_122 : i32
      scf.if %cond3A_123 {
        %dma_start3A_129 = arith.constant 0 : i32
        %dma_start3A_130 = tpu.memref_slice %arg3[%add3A_119, %dma_start3A_129] : memref<2560x128xi32, #tpu.memory_space<hbm>> -> memref<1x128xi32, #tpu.memory_space<hbm>>
        %dma_start3A_131 = tpu.memref_squeeze %dma_start3A_130 : memref<1x128xi32, #tpu.memory_space<hbm>> -> memref<128xi32, #tpu.memory_space<hbm>>
        %dma_start3A_132 = arith.constant 0 : i32
        %dma_start3A_133 = tpu.memref_slice %arg3[%add3A_119, %dma_start3A_132] : memref<2560x128xi32, #tpu.memory_space<hbm>> -> memref<1x128xi32, #tpu.memory_space<hbm>>
        %dma_start3A_134 = tpu.memref_squeeze %dma_start3A_133 : memref<1x128xi32, #tpu.memory_space<hbm>> -> memref<128xi32, #tpu.memory_space<hbm>>
        tpu.enqueue_dma source(%dma_start3A_134 : memref<128xi32, #tpu.memory_space<hbm>>) target(%arg7 : memref<128xi32, #tpu.memory_space<vmem>>) target_semaphore(%arg13 : memref<!tpu.dma_semaphore, #tpu.memory_space<semaphore_mem>>)
        %mul3A_135 = arith.constant 128 : i32
        %mul3A_136 = arith.muli %add3A_119, %mul3A_135 : i32
        %dma_start3A_137 = arith.constant 0 : i32
        %dma_start3A_138 = tpu.memref_slice %arg2[%mul3A_136, %dma_start3A_137] : memref<327680x128xf32, #tpu.memory_space<hbm>> -> memref<128x128xf32, #tpu.memory_space<hbm>>
        %dma_start3A_139 = arith.constant 0 : i32
        %dma_start3A_140 = tpu.memref_slice %arg2[%mul3A_136, %dma_start3A_139] : memref<327680x128xf32, #tpu.memory_space<hbm>> -> memref<128x128xf32, #tpu.memory_space<hbm>>
        tpu.enqueue_dma source(%dma_start3A_140 : memref<128x128xf32, #tpu.memory_space<hbm>>) target(%arg9 : memref<128x128xf32, #tpu.memory_space<vmem>>) target_semaphore(%arg15 : memref<!tpu.dma_semaphore, #tpu.memory_space<semaphore_mem>>)
        %add3A_141 = arith.addi %mul3A_34, %scan3A_114 : i32
        %dma_wait3A_142 = arith.constant 0 : i32
        %dma_wait3A_143 = tpu.memref_slice %arg3[%add3A_141, %dma_wait3A_142] : memref<2560x128xi32, #tpu.memory_space<hbm>> -> memref<1x128xi32, #tpu.memory_space<hbm>>
        %dma_wait3A_144 = tpu.memref_squeeze %dma_wait3A_143 : memref<1x128xi32, #tpu.memory_space<hbm>> -> memref<128xi32, #tpu.memory_space<hbm>>
        %dma_wait3A_145 = arith.constant 0 : i32
        %dma_wait3A_146 = tpu.memref_slice %arg3[%add3A_141, %dma_wait3A_145] : memref<2560x128xi32, #tpu.memory_space<hbm>> -> memref<1x128xi32, #tpu.memory_space<hbm>>
        %dma_wait3A_147 = tpu.memref_squeeze %dma_wait3A_146 : memref<1x128xi32, #tpu.memory_space<hbm>> -> memref<128xi32, #tpu.memory_space<hbm>>
        tpu.wait_dma2 semaphore(%arg12 : memref<!tpu.dma_semaphore, #tpu.memory_space<semaphore_mem>>) src(%dma_wait3A_147 : memref<128xi32, #tpu.memory_space<hbm>>) dst(%arg6 : memref<128xi32, #tpu.memory_space<vmem>>)
        %mul3A_148 = arith.constant 128 : i32
        %mul3A_149 = arith.muli %add3A_141, %mul3A_148 : i32
        %dma_wait3A_150 = arith.constant 0 : i32
        %dma_wait3A_151 = tpu.memref_slice %arg2[%mul3A_149, %dma_wait3A_150] : memref<327680x128xf32, #tpu.memory_space<hbm>> -> memref<128x128xf32, #tpu.memory_space<hbm>>
        %dma_wait3A_152 = arith.constant 0 : i32
        %dma_wait3A_153 = tpu.memref_slice %arg2[%mul3A_149, %dma_wait3A_152] : memref<327680x128xf32, #tpu.memory_space<hbm>> -> memref<128x128xf32, #tpu.memory_space<hbm>>
        tpu.wait_dma2 semaphore(%arg14 : memref<!tpu.dma_semaphore, #tpu.memory_space<semaphore_mem>>) src(%dma_wait3A_153 : memref<128x128xf32, #tpu.memory_space<hbm>>) dst(%arg8 : memref<128x128xf32, #tpu.memory_space<vmem>>)
        "tpu.region"() ({
          %run_scoped3A = tpu.sem_alloc : memref<!tpu.dma_semaphore, #tpu.memory_space<semaphore_mem>>
          %dma_start3A_154 = arith.constant 0 : i32
          %dma_start3A_155 = arith.constant 0 : i32
          %dma_start3A_156 = tpu.memref_slice %arg11[%dma_start3A_154, %dma_start3A_155] : memref<10112x128xf32, #tpu.memory_space<vmem_shared>> -> memref<10112x128xf32, #tpu.memory_space<vmem_shared>>
          tpu.enqueue_indirect_dma source(%arg8 : memref<128x128xf32, #tpu.memory_space<vmem>>) target(%dma_start3A_156 : memref<10112x128xf32, #tpu.memory_space<vmem_shared>>) offsets(%arg6 : memref<128xi32, #tpu.memory_space<vmem>>) semaphore(%run_scoped3A : memref<!tpu.dma_semaphore, #tpu.memory_space<semaphore_mem>>) {add = true}
          %dma_wait3A_157 = arith.constant 0 : i32
          %dma_wait3A_158 = arith.constant 0 : i32
          %dma_wait3A_159 = tpu.memref_slice %arg11[%dma_wait3A_157, %dma_wait3A_158] : memref<10112x128xf32, #tpu.memory_space<vmem_shared>> -> memref<10112x128xf32, #tpu.memory_space<vmem_shared>>
          tpu.wait_indirect_dma semaphore(%run_scoped3A : memref<!tpu.dma_semaphore, #tpu.memory_space<semaphore_mem>>) src(%arg8 : memref<128x128xf32, #tpu.memory_space<vmem>>) dst(%dma_wait3A_159 : memref<10112x128xf32, #tpu.memory_space<vmem_shared>>)
          tpu.yield
        }) : () -> ()
      } else {
      }
      %eq3A_124 = arith.constant 1 : i32
      %eq3A_125 = arith.cmpi eq, %rem3A_115, %eq3A_124 : i32
      %convert_element_type3A_126 = arith.extui %eq3A_125 : i1 to i32
      %cond3A_127 = arith.constant 0 : i32
      %cond3A_128 = arith.cmpi ne, %convert_element_type3A_126, %cond3A_127 : i32
      scf.if %cond3A_128 {
        %dma_start3A_129 = arith.constant 0 : i32
        %dma_start3A_130 = tpu.memref_slice %arg3[%add3A_119, %dma_start3A_129] : memref<2560x128xi32, #tpu.memory_space<hbm>> -> memref<1x128xi32, #tpu.memory_space<hbm>>
        %dma_start3A_131 = tpu.memref_squeeze %dma_start3A_130 : memref<1x128xi32, #tpu.memory_space<hbm>> -> memref<128xi32, #tpu.memory_space<hbm>>
        %dma_start3A_132 = arith.constant 0 : i32
        %dma_start3A_133 = tpu.memref_slice %arg3[%add3A_119, %dma_start3A_132] : memref<2560x128xi32, #tpu.memory_space<hbm>> -> memref<1x128xi32, #tpu.memory_space<hbm>>
        %dma_start3A_134 = tpu.memref_squeeze %dma_start3A_133 : memref<1x128xi32, #tpu.memory_space<hbm>> -> memref<128xi32, #tpu.memory_space<hbm>>
        tpu.enqueue_dma source(%dma_start3A_134 : memref<128xi32, #tpu.memory_space<hbm>>) target(%arg6 : memref<128xi32, #tpu.memory_space<vmem>>) target_semaphore(%arg12 : memref<!tpu.dma_semaphore, #tpu.memory_space<semaphore_mem>>)
        %mul3A_135 = arith.constant 128 : i32
        %mul3A_136 = arith.muli %add3A_119, %mul3A_135 : i32
        %dma_start3A_137 = arith.constant 0 : i32
        %dma_start3A_138 = tpu.memref_slice %arg2[%mul3A_136, %dma_start3A_137] : memref<327680x128xf32, #tpu.memory_space<hbm>> -> memref<128x128xf32, #tpu.memory_space<hbm>>
        %dma_start3A_139 = arith.constant 0 : i32
        %dma_start3A_140 = tpu.memref_slice %arg2[%mul3A_136, %dma_start3A_139] : memref<327680x128xf32, #tpu.memory_space<hbm>> -> memref<128x128xf32, #tpu.memory_space<hbm>>
        tpu.enqueue_dma source(%dma_start3A_140 : memref<128x128xf32, #tpu.memory_space<hbm>>) target(%arg8 : memref<128x128xf32, #tpu.memory_space<vmem>>) target_semaphore(%arg14 : memref<!tpu.dma_semaphore, #tpu.memory_space<semaphore_mem>>)
        %add3A_141 = arith.addi %mul3A_34, %scan3A_114 : i32
        %dma_wait3A_142 = arith.constant 0 : i32
        %dma_wait3A_143 = tpu.memref_slice %arg3[%add3A_141, %dma_wait3A_142] : memref<2560x128xi32, #tpu.memory_space<hbm>> -> memref<1x128xi32, #tpu.memory_space<hbm>>
        %dma_wait3A_144 = tpu.memref_squeeze %dma_wait3A_143 : memref<1x128xi32, #tpu.memory_space<hbm>> -> memref<128xi32, #tpu.memory_space<hbm>>
        %dma_wait3A_145 = arith.constant 0 : i32
        %dma_wait3A_146 = tpu.memref_slice %arg3[%add3A_141, %dma_wait3A_145] : memref<2560x128xi32, #tpu.memory_space<hbm>> -> memref<1x128xi32, #tpu.memory_space<hbm>>
        %dma_wait3A_147 = tpu.memref_squeeze %dma_wait3A_146 : memref<1x128xi32, #tpu.memory_space<hbm>> -> memref<128xi32, #tpu.memory_space<hbm>>
        tpu.wait_dma2 semaphore(%arg13 : memref<!tpu.dma_semaphore, #tpu.memory_space<semaphore_mem>>) src(%dma_wait3A_147 : memref<128xi32, #tpu.memory_space<hbm>>) dst(%arg7 : memref<128xi32, #tpu.memory_space<vmem>>)
        %mul3A_148 = arith.constant 128 : i32
        %mul3A_149 = arith.muli %add3A_141, %mul3A_148 : i32
        %dma_wait3A_150 = arith.constant 0 : i32
        %dma_wait3A_151 = tpu.memref_slice %arg2[%mul3A_149, %dma_wait3A_150] : memref<327680x128xf32, #tpu.memory_space<hbm>> -> memref<128x128xf32, #tpu.memory_space<hbm>>
        %dma_wait3A_152 = arith.constant 0 : i32
        %dma_wait3A_153 = tpu.memref_slice %arg2[%mul3A_149, %dma_wait3A_152] : memref<327680x128xf32, #tpu.memory_space<hbm>> -> memref<128x128xf32, #tpu.memory_space<hbm>>
        tpu.wait_dma2 semaphore(%arg15 : memref<!tpu.dma_semaphore, #tpu.memory_space<semaphore_mem>>) src(%dma_wait3A_153 : memref<128x128xf32, #tpu.memory_space<hbm>>) dst(%arg9 : memref<128x128xf32, #tpu.memory_space<vmem>>)
        "tpu.region"() ({
          %run_scoped3A = tpu.sem_alloc : memref<!tpu.dma_semaphore, #tpu.memory_space<semaphore_mem>>
          %dma_start3A_154 = arith.constant 0 : i32
          %dma_start3A_155 = arith.constant 0 : i32
          %dma_start3A_156 = tpu.memref_slice %arg11[%dma_start3A_154, %dma_start3A_155] : memref<10112x128xf32, #tpu.memory_space<vmem_shared>> -> memref<10112x128xf32, #tpu.memory_space<vmem_shared>>
          tpu.enqueue_indirect_dma source(%arg9 : memref<128x128xf32, #tpu.memory_space<vmem>>) target(%dma_start3A_156 : memref<10112x128xf32, #tpu.memory_space<vmem_shared>>) offsets(%arg7 : memref<128xi32, #tpu.memory_space<vmem>>) semaphore(%run_scoped3A : memref<!tpu.dma_semaphore, #tpu.memory_space<semaphore_mem>>) {add = true}
          %dma_wait3A_157 = arith.constant 0 : i32
          %dma_wait3A_158 = arith.constant 0 : i32
          %dma_wait3A_159 = tpu.memref_slice %arg11[%dma_wait3A_157, %dma_wait3A_158] : memref<10112x128xf32, #tpu.memory_space<vmem_shared>> -> memref<10112x128xf32, #tpu.memory_space<vmem_shared>>
          tpu.wait_indirect_dma semaphore(%run_scoped3A : memref<!tpu.dma_semaphore, #tpu.memory_space<semaphore_mem>>) src(%arg9 : memref<128x128xf32, #tpu.memory_space<vmem>>) dst(%dma_wait3A_159 : memref<10112x128xf32, #tpu.memory_space<vmem_shared>>)
          tpu.yield
        }) : () -> ()
      } else {
      }
    }
    %scan3A_50 = arith.constant 160 : i32
    %add3A_51 = arith.constant 160 : i32
    %add3A_52 = arith.addi %mul3A_34, %add3A_51 : i32
    %sub3A = arith.constant 1 : i32
    %sub3A_53 = arith.subi %add3A_52, %sub3A : i32
    %dma_wait3A = arith.constant 0 : i32
    %dma_wait3A_54 = tpu.memref_slice %arg3[%sub3A_53, %dma_wait3A] : memref<2560x128xi32, #tpu.memory_space<hbm>> -> memref<1x128xi32, #tpu.memory_space<hbm>>
    %dma_wait3A_55 = tpu.memref_squeeze %dma_wait3A_54 : memref<1x128xi32, #tpu.memory_space<hbm>> -> memref<128xi32, #tpu.memory_space<hbm>>
    %dma_wait3A_56 = arith.constant 0 : i32
    %dma_wait3A_57 = tpu.memref_slice %arg3[%sub3A_53, %dma_wait3A_56] : memref<2560x128xi32, #tpu.memory_space<hbm>> -> memref<1x128xi32, #tpu.memory_space<hbm>>
    %dma_wait3A_58 = tpu.memref_squeeze %dma_wait3A_57 : memref<1x128xi32, #tpu.memory_space<hbm>> -> memref<128xi32, #tpu.memory_space<hbm>>
    tpu.wait_dma2 semaphore(%arg12 : memref<!tpu.dma_semaphore, #tpu.memory_space<semaphore_mem>>) src(%dma_wait3A_58 : memref<128xi32, #tpu.memory_space<hbm>>) dst(%arg6 : memref<128xi32, #tpu.memory_space<vmem>>)
    %add3A_59 = arith.constant 160 : i32
    %add3A_60 = arith.addi %mul3A_34, %add3A_59 : i32
    %sub3A_61 = arith.constant 1 : i32
    %sub3A_62 = arith.subi %add3A_60, %sub3A_61 : i32
    %mul3A_63 = arith.constant 128 : i32
    %mul3A_64 = arith.muli %sub3A_62, %mul3A_63 : i32
    %dma_wait3A_65 = arith.constant 0 : i32
    %dma_wait3A_66 = tpu.memref_slice %arg2[%mul3A_64, %dma_wait3A_65] : memref<327680x128xf32, #tpu.memory_space<hbm>> -> memref<128x128xf32, #tpu.memory_space<hbm>>
    %dma_wait3A_67 = arith.constant 0 : i32
    %dma_wait3A_68 = tpu.memref_slice %arg2[%mul3A_64, %dma_wait3A_67] : memref<327680x128xf32, #tpu.memory_space<hbm>> -> memref<128x128xf32, #tpu.memory_space<hbm>>
    tpu.wait_dma2 semaphore(%arg14 : memref<!tpu.dma_semaphore, #tpu.memory_space<semaphore_mem>>) src(%dma_wait3A_68 : memref<128x128xf32, #tpu.memory_space<hbm>>) dst(%arg8 : memref<128x128xf32, #tpu.memory_space<vmem>>)
    %barrier3A_69 = arith.constant 0 : index
    tpu.barrier barrier_id(%barrier3A_69)
    %mul3A_70 = arith.constant 80 : i32
    %mul3A_71 = arith.muli %add3A, %mul3A_70 : i32
    %dma_start3A_72 = arith.constant 0 : i32
    %dma_start3A_73 = tpu.memref_slice %arg3[%mul3A_71, %dma_start3A_72] : memref<2560x128xi32, #tpu.memory_space<hbm>> -> memref<1x128xi32, #tpu.memory_space<hbm>>
    %dma_start3A_74 = tpu.memref_squeeze %dma_start3A_73 : memref<1x128xi32, #tpu.memory_space<hbm>> -> memref<128xi32, #tpu.memory_space<hbm>>
    %dma_start3A_75 = arith.constant 0 : i32
    %dma_start3A_76 = tpu.memref_slice %arg3[%mul3A_71, %dma_start3A_75] : memref<2560x128xi32, #tpu.memory_space<hbm>> -> memref<1x128xi32, #tpu.memory_space<hbm>>
    %dma_start3A_77 = tpu.memref_squeeze %dma_start3A_76 : memref<1x128xi32, #tpu.memory_space<hbm>> -> memref<128xi32, #tpu.memory_space<hbm>>
    tpu.enqueue_dma source(%dma_start3A_77 : memref<128xi32, #tpu.memory_space<hbm>>) target(%arg6 : memref<128xi32, #tpu.memory_space<vmem>>) target_semaphore(%arg12 : memref<!tpu.dma_semaphore, #tpu.memory_space<semaphore_mem>>)
    %scan3A_78 = arith.constant 0 : i32
    %scan3A_79 = arith.constant 0 : i32
    %scan3A_80 = arith.constant 80 : i32
    %scan3A_81 = arith.addi %scan3A_79, %scan3A_80 : i32
    %scan3A_82 = arith.constant 1 : i32
    scf.for %scan3A_114 = %scan3A_79 to %scan3A_81 step %scan3A_82  : i32 {
      %rem3A = arith.constant 2 : i32
      %rem3A_115 = arith.remsi %scan3A_114, %rem3A : i32
      %add3A_116 = arith.constant 1 : i32
      %add3A_117 = arith.addi %scan3A_114, %add3A_116 : i32
      %min3A = arith.constant 79 : i32
      %min3A_118 = arith.minsi %add3A_117, %min3A : i32
      %add3A_119 = arith.addi %mul3A_71, %min3A_118 : i32
      %eq3A = arith.constant 0 : i32
      %eq3A_120 = arith.cmpi eq, %rem3A_115, %eq3A : i32
      %convert_element_type3A_121 = arith.extui %eq3A_120 : i1 to i32
      %cond3A_122 = arith.constant 0 : i32
      %cond3A_123 = arith.cmpi ne, %convert_element_type3A_121, %cond3A_122 : i32
      scf.if %cond3A_123 {
        %dma_start3A_129 = arith.constant 0 : i32
        %dma_start3A_130 = tpu.memref_slice %arg3[%add3A_119, %dma_start3A_129] : memref<2560x128xi32, #tpu.memory_space<hbm>> -> memref<1x128xi32, #tpu.memory_space<hbm>>
        %dma_start3A_131 = tpu.memref_squeeze %dma_start3A_130 : memref<1x128xi32, #tpu.memory_space<hbm>> -> memref<128xi32, #tpu.memory_space<hbm>>
        %dma_start3A_132 = arith.constant 0 : i32
        %dma_start3A_133 = tpu.memref_slice %arg3[%add3A_119, %dma_start3A_132] : memref<2560x128xi32, #tpu.memory_space<hbm>> -> memref<1x128xi32, #tpu.memory_space<hbm>>
        %dma_start3A_134 = tpu.memref_squeeze %dma_start3A_133 : memref<1x128xi32, #tpu.memory_space<hbm>> -> memref<128xi32, #tpu.memory_space<hbm>>
        tpu.enqueue_dma source(%dma_start3A_134 : memref<128xi32, #tpu.memory_space<hbm>>) target(%arg7 : memref<128xi32, #tpu.memory_space<vmem>>) target_semaphore(%arg13 : memref<!tpu.dma_semaphore, #tpu.memory_space<semaphore_mem>>)
        %ge3A = arith.constant 2 : i32
        %ge3A_135 = arith.cmpi sge, %scan3A_114, %ge3A : i32
        %convert_element_type3A_136 = arith.extui %ge3A_135 : i1 to i32
        %cond3A_137 = arith.constant 0 : i32
        %cond3A_138 = arith.cmpi ne, %convert_element_type3A_136, %cond3A_137 : i32
        scf.if %cond3A_138 {
          %add3A_159 = arith.addi %mul3A_71, %scan3A_114 : i32
          %sub3A_160 = arith.constant 2 : i32
          %sub3A_161 = arith.subi %add3A_159, %sub3A_160 : i32
          %mul3A_162 = arith.constant 128 : i32
          %mul3A_163 = arith.muli %sub3A_161, %mul3A_162 : i32
          %dma_wait3A_164 = arith.constant 0 : i32
          %dma_wait3A_165 = tpu.memref_slice %arg5[%mul3A_163, %dma_wait3A_164] : memref<327680x128xf32, #tpu.memory_space<hbm>> -> memref<128x128xf32, #tpu.memory_space<hbm>>
          %dma_wait3A_166 = arith.constant 0 : i32
          %dma_wait3A_167 = tpu.memref_slice %arg5[%mul3A_163, %dma_wait3A_166] : memref<327680x128xf32, #tpu.memory_space<hbm>> -> memref<128x128xf32, #tpu.memory_space<hbm>>
          tpu.wait_dma2 semaphore(%arg14 : memref<!tpu.dma_semaphore, #tpu.memory_space<semaphore_mem>>) src(%arg8 : memref<128x128xf32, #tpu.memory_space<vmem>>) dst(%dma_wait3A_167 : memref<128x128xf32, #tpu.memory_space<hbm>>)
        } else {
        }
        %add3A_139 = arith.addi %mul3A_71, %scan3A_114 : i32
        %dma_wait3A_140 = arith.constant 0 : i32
        %dma_wait3A_141 = tpu.memref_slice %arg3[%add3A_139, %dma_wait3A_140] : memref<2560x128xi32, #tpu.memory_space<hbm>> -> memref<1x128xi32, #tpu.memory_space<hbm>>
        %dma_wait3A_142 = tpu.memref_squeeze %dma_wait3A_141 : memref<1x128xi32, #tpu.memory_space<hbm>> -> memref<128xi32, #tpu.memory_space<hbm>>
        %dma_wait3A_143 = arith.constant 0 : i32
        %dma_wait3A_144 = tpu.memref_slice %arg3[%add3A_139, %dma_wait3A_143] : memref<2560x128xi32, #tpu.memory_space<hbm>> -> memref<1x128xi32, #tpu.memory_space<hbm>>
        %dma_wait3A_145 = tpu.memref_squeeze %dma_wait3A_144 : memref<1x128xi32, #tpu.memory_space<hbm>> -> memref<128xi32, #tpu.memory_space<hbm>>
        tpu.wait_dma2 semaphore(%arg12 : memref<!tpu.dma_semaphore, #tpu.memory_space<semaphore_mem>>) src(%dma_wait3A_145 : memref<128xi32, #tpu.memory_space<hbm>>) dst(%arg6 : memref<128xi32, #tpu.memory_space<vmem>>)
        %dma_start3A_146 = arith.constant 0 : i32
        %dma_start3A_147 = arith.constant 0 : i32
        %dma_start3A_148 = tpu.memref_slice %arg11[%dma_start3A_146, %dma_start3A_147] : memref<10112x128xf32, #tpu.memory_space<vmem_shared>> -> memref<10112x128xf32, #tpu.memory_space<vmem_shared>>
        tpu.enqueue_indirect_dma source(%dma_start3A_148 : memref<10112x128xf32, #tpu.memory_space<vmem_shared>>) target(%arg8 : memref<128x128xf32, #tpu.memory_space<vmem>>) offsets(%arg6 : memref<128xi32, #tpu.memory_space<vmem>>) semaphore(%arg16 : memref<!tpu.dma_semaphore, #tpu.memory_space<semaphore_mem>>)
        %dma_wait3A_149 = arith.constant 0 : i32
        %dma_wait3A_150 = arith.constant 0 : i32
        %dma_wait3A_151 = tpu.memref_slice %arg11[%dma_wait3A_149, %dma_wait3A_150] : memref<10112x128xf32, #tpu.memory_space<vmem_shared>> -> memref<10112x128xf32, #tpu.memory_space<vmem_shared>>
        tpu.wait_indirect_dma semaphore(%arg16 : memref<!tpu.dma_semaphore, #tpu.memory_space<semaphore_mem>>) src(%dma_wait3A_151 : memref<10112x128xf32, #tpu.memory_space<vmem_shared>>) dst(%arg8 : memref<128x128xf32, #tpu.memory_space<vmem>>)
        %add3A_152 = arith.addi %mul3A_71, %scan3A_114 : i32
        %mul3A_153 = arith.constant 128 : i32
        %mul3A_154 = arith.muli %add3A_152, %mul3A_153 : i32
        %dma_start3A_155 = arith.constant 0 : i32
        %dma_start3A_156 = tpu.memref_slice %arg5[%mul3A_154, %dma_start3A_155] : memref<327680x128xf32, #tpu.memory_space<hbm>> -> memref<128x128xf32, #tpu.memory_space<hbm>>
        %dma_start3A_157 = arith.constant 0 : i32
        %dma_start3A_158 = tpu.memref_slice %arg5[%mul3A_154, %dma_start3A_157] : memref<327680x128xf32, #tpu.memory_space<hbm>> -> memref<128x128xf32, #tpu.memory_space<hbm>>
        tpu.enqueue_dma source(%arg8 : memref<128x128xf32, #tpu.memory_space<vmem>>) target(%dma_start3A_158 : memref<128x128xf32, #tpu.memory_space<hbm>>) target_semaphore(%arg14 : memref<!tpu.dma_semaphore, #tpu.memory_space<semaphore_mem>>)
      } else {
      }
      %eq3A_124 = arith.constant 1 : i32
      %eq3A_125 = arith.cmpi eq, %rem3A_115, %eq3A_124 : i32
      %convert_element_type3A_126 = arith.extui %eq3A_125 : i1 to i32
      %cond3A_127 = arith.constant 0 : i32
      %cond3A_128 = arith.cmpi ne, %convert_element_type3A_126, %cond3A_127 : i32
      scf.if %cond3A_128 {
        %dma_start3A_129 = arith.constant 0 : i32
        %dma_start3A_130 = tpu.memref_slice %arg3[%add3A_119, %dma_start3A_129] : memref<2560x128xi32, #tpu.memory_space<hbm>> -> memref<1x128xi32, #tpu.memory_space<hbm>>
        %dma_start3A_131 = tpu.memref_squeeze %dma_start3A_130 : memref<1x128xi32, #tpu.memory_space<hbm>> -> memref<128xi32, #tpu.memory_space<hbm>>
        %dma_start3A_132 = arith.constant 0 : i32
        %dma_start3A_133 = tpu.memref_slice %arg3[%add3A_119, %dma_start3A_132] : memref<2560x128xi32, #tpu.memory_space<hbm>> -> memref<1x128xi32, #tpu.memory_space<hbm>>
        %dma_start3A_134 = tpu.memref_squeeze %dma_start3A_133 : memref<1x128xi32, #tpu.memory_space<hbm>> -> memref<128xi32, #tpu.memory_space<hbm>>
        tpu.enqueue_dma source(%dma_start3A_134 : memref<128xi32, #tpu.memory_space<hbm>>) target(%arg6 : memref<128xi32, #tpu.memory_space<vmem>>) target_semaphore(%arg12 : memref<!tpu.dma_semaphore, #tpu.memory_space<semaphore_mem>>)
        %ge3A = arith.constant 2 : i32
        %ge3A_135 = arith.cmpi sge, %scan3A_114, %ge3A : i32
        %convert_element_type3A_136 = arith.extui %ge3A_135 : i1 to i32
        %cond3A_137 = arith.constant 0 : i32
        %cond3A_138 = arith.cmpi ne, %convert_element_type3A_136, %cond3A_137 : i32
        scf.if %cond3A_138 {
          %add3A_159 = arith.addi %mul3A_71, %scan3A_114 : i32
          %sub3A_160 = arith.constant 2 : i32
          %sub3A_161 = arith.subi %add3A_159, %sub3A_160 : i32
          %mul3A_162 = arith.constant 128 : i32
          %mul3A_163 = arith.muli %sub3A_161, %mul3A_162 : i32
          %dma_wait3A_164 = arith.constant 0 : i32
          %dma_wait3A_165 = tpu.memref_slice %arg5[%mul3A_163, %dma_wait3A_164] : memref<327680x128xf32, #tpu.memory_space<hbm>> -> memref<128x128xf32, #tpu.memory_space<hbm>>
          %dma_wait3A_166 = arith.constant 0 : i32
          %dma_wait3A_167 = tpu.memref_slice %arg5[%mul3A_163, %dma_wait3A_166] : memref<327680x128xf32, #tpu.memory_space<hbm>> -> memref<128x128xf32, #tpu.memory_space<hbm>>
          tpu.wait_dma2 semaphore(%arg15 : memref<!tpu.dma_semaphore, #tpu.memory_space<semaphore_mem>>) src(%arg9 : memref<128x128xf32, #tpu.memory_space<vmem>>) dst(%dma_wait3A_167 : memref<128x128xf32, #tpu.memory_space<hbm>>)
        } else {
        }
        %add3A_139 = arith.addi %mul3A_71, %scan3A_114 : i32
        %dma_wait3A_140 = arith.constant 0 : i32
        %dma_wait3A_141 = tpu.memref_slice %arg3[%add3A_139, %dma_wait3A_140] : memref<2560x128xi32, #tpu.memory_space<hbm>> -> memref<1x128xi32, #tpu.memory_space<hbm>>
        %dma_wait3A_142 = tpu.memref_squeeze %dma_wait3A_141 : memref<1x128xi32, #tpu.memory_space<hbm>> -> memref<128xi32, #tpu.memory_space<hbm>>
        %dma_wait3A_143 = arith.constant 0 : i32
        %dma_wait3A_144 = tpu.memref_slice %arg3[%add3A_139, %dma_wait3A_143] : memref<2560x128xi32, #tpu.memory_space<hbm>> -> memref<1x128xi32, #tpu.memory_space<hbm>>
        %dma_wait3A_145 = tpu.memref_squeeze %dma_wait3A_144 : memref<1x128xi32, #tpu.memory_space<hbm>> -> memref<128xi32, #tpu.memory_space<hbm>>
        tpu.wait_dma2 semaphore(%arg13 : memref<!tpu.dma_semaphore, #tpu.memory_space<semaphore_mem>>) src(%dma_wait3A_145 : memref<128xi32, #tpu.memory_space<hbm>>) dst(%arg7 : memref<128xi32, #tpu.memory_space<vmem>>)
        %dma_start3A_146 = arith.constant 0 : i32
        %dma_start3A_147 = arith.constant 0 : i32
        %dma_start3A_148 = tpu.memref_slice %arg11[%dma_start3A_146, %dma_start3A_147] : memref<10112x128xf32, #tpu.memory_space<vmem_shared>> -> memref<10112x128xf32, #tpu.memory_space<vmem_shared>>
        tpu.enqueue_indirect_dma source(%dma_start3A_148 : memref<10112x128xf32, #tpu.memory_space<vmem_shared>>) target(%arg9 : memref<128x128xf32, #tpu.memory_space<vmem>>) offsets(%arg7 : memref<128xi32, #tpu.memory_space<vmem>>) semaphore(%arg16 : memref<!tpu.dma_semaphore, #tpu.memory_space<semaphore_mem>>)
        %dma_wait3A_149 = arith.constant 0 : i32
        %dma_wait3A_150 = arith.constant 0 : i32
        %dma_wait3A_151 = tpu.memref_slice %arg11[%dma_wait3A_149, %dma_wait3A_150] : memref<10112x128xf32, #tpu.memory_space<vmem_shared>> -> memref<10112x128xf32, #tpu.memory_space<vmem_shared>>
        tpu.wait_indirect_dma semaphore(%arg16 : memref<!tpu.dma_semaphore, #tpu.memory_space<semaphore_mem>>) src(%dma_wait3A_151 : memref<10112x128xf32, #tpu.memory_space<vmem_shared>>) dst(%arg9 : memref<128x128xf32, #tpu.memory_space<vmem>>)
        %add3A_152 = arith.addi %mul3A_71, %scan3A_114 : i32
        %mul3A_153 = arith.constant 128 : i32
        %mul3A_154 = arith.muli %add3A_152, %mul3A_153 : i32
        %dma_start3A_155 = arith.constant 0 : i32
        %dma_start3A_156 = tpu.memref_slice %arg5[%mul3A_154, %dma_start3A_155] : memref<327680x128xf32, #tpu.memory_space<hbm>> -> memref<128x128xf32, #tpu.memory_space<hbm>>
        %dma_start3A_157 = arith.constant 0 : i32
        %dma_start3A_158 = tpu.memref_slice %arg5[%mul3A_154, %dma_start3A_157] : memref<327680x128xf32, #tpu.memory_space<hbm>> -> memref<128x128xf32, #tpu.memory_space<hbm>>
        tpu.enqueue_dma source(%arg9 : memref<128x128xf32, #tpu.memory_space<vmem>>) target(%dma_start3A_158 : memref<128x128xf32, #tpu.memory_space<hbm>>) target_semaphore(%arg15 : memref<!tpu.dma_semaphore, #tpu.memory_space<semaphore_mem>>)
      } else {
      }
    }
    %scan3A_83 = arith.constant 80 : i32
    %add3A_84 = arith.constant 80 : i32
    %add3A_85 = arith.addi %mul3A_71, %add3A_84 : i32
    %sub3A_86 = arith.constant 1 : i32
    %sub3A_87 = arith.subi %add3A_85, %sub3A_86 : i32
    %dma_wait3A_88 = arith.constant 0 : i32
    %dma_wait3A_89 = tpu.memref_slice %arg3[%sub3A_87, %dma_wait3A_88] : memref<2560x128xi32, #tpu.memory_space<hbm>> -> memref<1x128xi32, #tpu.memory_space<hbm>>
    %dma_wait3A_90 = tpu.memref_squeeze %dma_wait3A_89 : memref<1x128xi32, #tpu.memory_space<hbm>> -> memref<128xi32, #tpu.memory_space<hbm>>
    %dma_wait3A_91 = arith.constant 0 : i32
    %dma_wait3A_92 = tpu.memref_slice %arg3[%sub3A_87, %dma_wait3A_91] : memref<2560x128xi32, #tpu.memory_space<hbm>> -> memref<1x128xi32, #tpu.memory_space<hbm>>
    %dma_wait3A_93 = tpu.memref_squeeze %dma_wait3A_92 : memref<1x128xi32, #tpu.memory_space<hbm>> -> memref<128xi32, #tpu.memory_space<hbm>>
    tpu.wait_dma2 semaphore(%arg12 : memref<!tpu.dma_semaphore, #tpu.memory_space<semaphore_mem>>) src(%dma_wait3A_93 : memref<128xi32, #tpu.memory_space<hbm>>) dst(%arg6 : memref<128xi32, #tpu.memory_space<vmem>>)
    %add3A_94 = arith.constant 80 : i32
    %add3A_95 = arith.addi %mul3A_71, %add3A_94 : i32
    %sub3A_96 = arith.constant 2 : i32
    %sub3A_97 = arith.subi %add3A_95, %sub3A_96 : i32
    %mul3A_98 = arith.constant 128 : i32
    %mul3A_99 = arith.muli %sub3A_97, %mul3A_98 : i32
    %dma_wait3A_100 = arith.constant 0 : i32
    %dma_wait3A_101 = tpu.memref_slice %arg5[%mul3A_99, %dma_wait3A_100] : memref<327680x128xf32, #tpu.memory_space<hbm>> -> memref<128x128xf32, #tpu.memory_space<hbm>>
    %dma_wait3A_102 = arith.constant 0 : i32
    %dma_wait3A_103 = tpu.memref_slice %arg5[%mul3A_99, %dma_wait3A_102] : memref<327680x128xf32, #tpu.memory_space<hbm>> -> memref<128x128xf32, #tpu.memory_space<hbm>>
    tpu.wait_dma2 semaphore(%arg14 : memref<!tpu.dma_semaphore, #tpu.memory_space<semaphore_mem>>) src(%arg8 : memref<128x128xf32, #tpu.memory_space<vmem>>) dst(%dma_wait3A_103 : memref<128x128xf32, #tpu.memory_space<hbm>>)
    %add3A_104 = arith.constant 80 : i32
    %add3A_105 = arith.addi %mul3A_71, %add3A_104 : i32
    %sub3A_106 = arith.constant 1 : i32
    %sub3A_107 = arith.subi %add3A_105, %sub3A_106 : i32
    %mul3A_108 = arith.constant 128 : i32
    %mul3A_109 = arith.muli %sub3A_107, %mul3A_108 : i32
    %dma_wait3A_110 = arith.constant 0 : i32
    %dma_wait3A_111 = tpu.memref_slice %arg5[%mul3A_109, %dma_wait3A_110] : memref<327680x128xf32, #tpu.memory_space<hbm>> -> memref<128x128xf32, #tpu.memory_space<hbm>>
    %dma_wait3A_112 = arith.constant 0 : i32
    %dma_wait3A_113 = tpu.memref_slice %arg5[%mul3A_109, %dma_wait3A_112] : memref<327680x128xf32, #tpu.memory_space<hbm>> -> memref<128x128xf32, #tpu.memory_space<hbm>>
    tpu.wait_dma2 semaphore(%arg15 : memref<!tpu.dma_semaphore, #tpu.memory_space<semaphore_mem>>) src(%arg9 : memref<128x128xf32, #tpu.memory_space<vmem>>) dst(%dma_wait3A_113 : memref<128x128xf32, #tpu.memory_space<hbm>>)
    return
  }
}

#map = affine_map<(d0, d1) -> (0, 0)>
module attributes {stable_mosaic.version = 14 : i64} {
  func.func @_sc_env(%arg0: i32, %arg1: i32, %arg2: memref<327680x128xf32, #tpu.memory_space<hbm>>, %arg3: memref<2560x128xi32, #tpu.memory_space<hbm>>, %arg4: memref<128x128xf32, #tpu.memory_space<hbm>>, %arg5: memref<327680x128xf32, #tpu.memory_space<hbm>>, %arg6: memref<128xi32, #tpu.memory_space<vmem>>, %arg7: memref<128xi32, #tpu.memory_space<vmem>>, %arg8: memref<128x128xf32, #tpu.memory_space<vmem>>, %arg9: memref<128x128xf32, #tpu.memory_space<vmem>>, %arg10: memref<128x128xf32, #tpu.memory_space<vmem>>, %arg11: memref<10112x128xf32, #tpu.memory_space<vmem_shared>>, %arg12: memref<!tpu.dma_semaphore, #tpu.memory_space<semaphore_mem>>, %arg13: memref<!tpu.dma_semaphore, #tpu.memory_space<semaphore_mem>>, %arg14: memref<!tpu.dma_semaphore, #tpu.memory_space<semaphore_mem>>, %arg15: memref<!tpu.dma_semaphore, #tpu.memory_space<semaphore_mem>>, %arg16: memref<!tpu.dma_semaphore, #tpu.memory_space<semaphore_mem>>) attributes {dimension_semantics = [#tpu.dimension_semantics<core_parallel>, #tpu.dimension_semantics<subcore_parallel>], iteration_bounds = array<i64: 2, 16>, scalar_prefetch = 0 : i64, scratch_operands = 11 : i64, tpu.core_type = #tpu.core_type<sc_vector_subcore>, window_params = [{transform_indices = #map}, {transform_indices = #map}, {transform_indices = #map}, {transform_indices = #map}]} {
    %mul3A = arith.constant 16 : i32
    %mul3A_0 = arith.muli %arg0, %mul3A : i32
    %add3A = arith.addi %mul3A_0, %arg1 : i32
    "tpu.region"() ({
      %run_scoped3A = tpu.sem_alloc : memref<!tpu.dma_semaphore, #tpu.memory_space<semaphore_mem>>
      tpu.enqueue_dma source(%arg4 : memref<128x128xf32, #tpu.memory_space<hbm>>) target(%arg10 : memref<128x128xf32, #tpu.memory_space<vmem>>) target_semaphore(%run_scoped3A : memref<!tpu.dma_semaphore, #tpu.memory_space<semaphore_mem>>)
      tpu.wait_dma2 semaphore(%run_scoped3A : memref<!tpu.dma_semaphore, #tpu.memory_space<semaphore_mem>>) src(%arg4 : memref<128x128xf32, #tpu.memory_space<hbm>>) dst(%arg10 : memref<128x128xf32, #tpu.memory_space<vmem>>)
      tpu.yield
    }) : () -> ()
    %add3A_1 = arith.constant 0 : i32
    %add3A_2 = arith.addi %arg1, %add3A_1 : i32
    %lt3A = arith.constant 79 : i32
    %lt3A_3 = arith.cmpi slt, %add3A_2, %lt3A : i32
    %convert_element_type3A = arith.extui %lt3A_3 : i1 to i32
    %cond3A = arith.constant 0 : i32
    %cond3A_4 = arith.cmpi ne, %convert_element_type3A, %cond3A : i32
    scf.if %cond3A_4 {
      %mul3A_114 = arith.constant 128 : i32
      %mul3A_115 = arith.muli %add3A_2, %mul3A_114 : i32
      "tpu.region"() ({
        %run_scoped3A = tpu.sem_alloc : memref<!tpu.dma_semaphore, #tpu.memory_space<semaphore_mem>>
        %dma_start3A_116 = arith.constant 0 : i32
        %dma_start3A_117 = tpu.memref_slice %arg11[%mul3A_115, %dma_start3A_116] : memref<10112x128xf32, #tpu.memory_space<vmem_shared>> -> memref<128x128xf32, #tpu.memory_space<vmem_shared>>
        %dma_start3A_118 = arith.constant 0 : i32
        %dma_start3A_119 = tpu.memref_slice %arg11[%mul3A_115, %dma_start3A_118] : memref<10112x128xf32, #tpu.memory_space<vmem_shared>> -> memref<128x128xf32, #tpu.memory_space<vmem_shared>>
        tpu.enqueue_dma source(%arg10 : memref<128x128xf32, #tpu.memory_space<vmem>>) target(%dma_start3A_119 : memref<128x128xf32, #tpu.memory_space<vmem_shared>>) target_semaphore(%run_scoped3A : memref<!tpu.dma_semaphore, #tpu.memory_space<semaphore_mem>>)
        %dma_wait3A_120 = arith.constant 0 : i32
        %dma_wait3A_121 = tpu.memref_slice %arg11[%mul3A_115, %dma_wait3A_120] : memref<10112x128xf32, #tpu.memory_space<vmem_shared>> -> memref<128x128xf32, #tpu.memory_space<vmem_shared>>
        %dma_wait3A_122 = arith.constant 0 : i32
        %dma_wait3A_123 = tpu.memref_slice %arg11[%mul3A_115, %dma_wait3A_122] : memref<10112x128xf32, #tpu.memory_space<vmem_shared>> -> memref<128x128xf32, #tpu.memory_space<vmem_shared>>
        tpu.wait_dma2 semaphore(%run_scoped3A : memref<!tpu.dma_semaphore, #tpu.memory_space<semaphore_mem>>) src(%arg10 : memref<128x128xf32, #tpu.memory_space<vmem>>) dst(%dma_wait3A_123 : memref<128x128xf32, #tpu.memory_space<vmem_shared>>)
        tpu.yield
      }) : () -> ()
    } else {
    }
    %add3A_5 = arith.constant 16 : i32
    %add3A_6 = arith.addi %arg1, %add3A_5 : i32
    %lt3A_7 = arith.constant 79 : i32
    %lt3A_8 = arith.cmpi slt, %add3A_6, %lt3A_7 : i32
    %convert_element_type3A_9 = arith.extui %lt3A_8 : i1 to i32
    %cond3A_10 = arith.constant 0 : i32
    %cond3A_11 = arith.cmpi ne, %convert_element_type3A_9, %cond3A_10 : i32
    scf.if %cond3A_11 {
      %mul3A_114 = arith.constant 128 : i32
      %mul3A_115 = arith.muli %add3A_6, %mul3A_114 : i32
      "tpu.region"() ({
        %run_scoped3A = tpu.sem_alloc : memref<!tpu.dma_semaphore, #tpu.memory_space<semaphore_mem>>
        %dma_start3A_116 = arith.constant 0 : i32
        %dma_start3A_117 = tpu.memref_slice %arg11[%mul3A_115, %dma_start3A_116] : memref<10112x128xf32, #tpu.memory_space<vmem_shared>> -> memref<128x128xf32, #tpu.memory_space<vmem_shared>>
        %dma_start3A_118 = arith.constant 0 : i32
        %dma_start3A_119 = tpu.memref_slice %arg11[%mul3A_115, %dma_start3A_118] : memref<10112x128xf32, #tpu.memory_space<vmem_shared>> -> memref<128x128xf32, #tpu.memory_space<vmem_shared>>
        tpu.enqueue_dma source(%arg10 : memref<128x128xf32, #tpu.memory_space<vmem>>) target(%dma_start3A_119 : memref<128x128xf32, #tpu.memory_space<vmem_shared>>) target_semaphore(%run_scoped3A : memref<!tpu.dma_semaphore, #tpu.memory_space<semaphore_mem>>)
        %dma_wait3A_120 = arith.constant 0 : i32
        %dma_wait3A_121 = tpu.memref_slice %arg11[%mul3A_115, %dma_wait3A_120] : memref<10112x128xf32, #tpu.memory_space<vmem_shared>> -> memref<128x128xf32, #tpu.memory_space<vmem_shared>>
        %dma_wait3A_122 = arith.constant 0 : i32
        %dma_wait3A_123 = tpu.memref_slice %arg11[%mul3A_115, %dma_wait3A_122] : memref<10112x128xf32, #tpu.memory_space<vmem_shared>> -> memref<128x128xf32, #tpu.memory_space<vmem_shared>>
        tpu.wait_dma2 semaphore(%run_scoped3A : memref<!tpu.dma_semaphore, #tpu.memory_space<semaphore_mem>>) src(%arg10 : memref<128x128xf32, #tpu.memory_space<vmem>>) dst(%dma_wait3A_123 : memref<128x128xf32, #tpu.memory_space<vmem_shared>>)
        tpu.yield
      }) : () -> ()
    } else {
    }
    %add3A_12 = arith.constant 32 : i32
    %add3A_13 = arith.addi %arg1, %add3A_12 : i32
    %lt3A_14 = arith.constant 79 : i32
    %lt3A_15 = arith.cmpi slt, %add3A_13, %lt3A_14 : i32
    %convert_element_type3A_16 = arith.extui %lt3A_15 : i1 to i32
    %cond3A_17 = arith.constant 0 : i32
    %cond3A_18 = arith.cmpi ne, %convert_element_type3A_16, %cond3A_17 : i32
    scf.if %cond3A_18 {
      %mul3A_114 = arith.constant 128 : i32
      %mul3A_115 = arith.muli %add3A_13, %mul3A_114 : i32
      "tpu.region"() ({
        %run_scoped3A = tpu.sem_alloc : memref<!tpu.dma_semaphore, #tpu.memory_space<semaphore_mem>>
        %dma_start3A_116 = arith.constant 0 : i32
        %dma_start3A_117 = tpu.memref_slice %arg11[%mul3A_115, %dma_start3A_116] : memref<10112x128xf32, #tpu.memory_space<vmem_shared>> -> memref<128x128xf32, #tpu.memory_space<vmem_shared>>
        %dma_start3A_118 = arith.constant 0 : i32
        %dma_start3A_119 = tpu.memref_slice %arg11[%mul3A_115, %dma_start3A_118] : memref<10112x128xf32, #tpu.memory_space<vmem_shared>> -> memref<128x128xf32, #tpu.memory_space<vmem_shared>>
        tpu.enqueue_dma source(%arg10 : memref<128x128xf32, #tpu.memory_space<vmem>>) target(%dma_start3A_119 : memref<128x128xf32, #tpu.memory_space<vmem_shared>>) target_semaphore(%run_scoped3A : memref<!tpu.dma_semaphore, #tpu.memory_space<semaphore_mem>>)
        %dma_wait3A_120 = arith.constant 0 : i32
        %dma_wait3A_121 = tpu.memref_slice %arg11[%mul3A_115, %dma_wait3A_120] : memref<10112x128xf32, #tpu.memory_space<vmem_shared>> -> memref<128x128xf32, #tpu.memory_space<vmem_shared>>
        %dma_wait3A_122 = arith.constant 0 : i32
        %dma_wait3A_123 = tpu.memref_slice %arg11[%mul3A_115, %dma_wait3A_122] : memref<10112x128xf32, #tpu.memory_space<vmem_shared>> -> memref<128x128xf32, #tpu.memory_space<vmem_shared>>
        tpu.wait_dma2 semaphore(%run_scoped3A : memref<!tpu.dma_semaphore, #tpu.memory_space<semaphore_mem>>) src(%arg10 : memref<128x128xf32, #tpu.memory_space<vmem>>) dst(%dma_wait3A_123 : memref<128x128xf32, #tpu.memory_space<vmem_shared>>)
        tpu.yield
      }) : () -> ()
    } else {
    }
    %add3A_19 = arith.constant 48 : i32
    %add3A_20 = arith.addi %arg1, %add3A_19 : i32
    %lt3A_21 = arith.constant 79 : i32
    %lt3A_22 = arith.cmpi slt, %add3A_20, %lt3A_21 : i32
    %convert_element_type3A_23 = arith.extui %lt3A_22 : i1 to i32
    %cond3A_24 = arith.constant 0 : i32
    %cond3A_25 = arith.cmpi ne, %convert_element_type3A_23, %cond3A_24 : i32
    scf.if %cond3A_25 {
      %mul3A_114 = arith.constant 128 : i32
      %mul3A_115 = arith.muli %add3A_20, %mul3A_114 : i32
      "tpu.region"() ({
        %run_scoped3A = tpu.sem_alloc : memref<!tpu.dma_semaphore, #tpu.memory_space<semaphore_mem>>
        %dma_start3A_116 = arith.constant 0 : i32
        %dma_start3A_117 = tpu.memref_slice %arg11[%mul3A_115, %dma_start3A_116] : memref<10112x128xf32, #tpu.memory_space<vmem_shared>> -> memref<128x128xf32, #tpu.memory_space<vmem_shared>>
        %dma_start3A_118 = arith.constant 0 : i32
        %dma_start3A_119 = tpu.memref_slice %arg11[%mul3A_115, %dma_start3A_118] : memref<10112x128xf32, #tpu.memory_space<vmem_shared>> -> memref<128x128xf32, #tpu.memory_space<vmem_shared>>
        tpu.enqueue_dma source(%arg10 : memref<128x128xf32, #tpu.memory_space<vmem>>) target(%dma_start3A_119 : memref<128x128xf32, #tpu.memory_space<vmem_shared>>) target_semaphore(%run_scoped3A : memref<!tpu.dma_semaphore, #tpu.memory_space<semaphore_mem>>)
        %dma_wait3A_120 = arith.constant 0 : i32
        %dma_wait3A_121 = tpu.memref_slice %arg11[%mul3A_115, %dma_wait3A_120] : memref<10112x128xf32, #tpu.memory_space<vmem_shared>> -> memref<128x128xf32, #tpu.memory_space<vmem_shared>>
        %dma_wait3A_122 = arith.constant 0 : i32
        %dma_wait3A_123 = tpu.memref_slice %arg11[%mul3A_115, %dma_wait3A_122] : memref<10112x128xf32, #tpu.memory_space<vmem_shared>> -> memref<128x128xf32, #tpu.memory_space<vmem_shared>>
        tpu.wait_dma2 semaphore(%run_scoped3A : memref<!tpu.dma_semaphore, #tpu.memory_space<semaphore_mem>>) src(%arg10 : memref<128x128xf32, #tpu.memory_space<vmem>>) dst(%dma_wait3A_123 : memref<128x128xf32, #tpu.memory_space<vmem_shared>>)
        tpu.yield
      }) : () -> ()
    } else {
    }
    %add3A_26 = arith.constant 64 : i32
    %add3A_27 = arith.addi %arg1, %add3A_26 : i32
    %lt3A_28 = arith.constant 79 : i32
    %lt3A_29 = arith.cmpi slt, %add3A_27, %lt3A_28 : i32
    %convert_element_type3A_30 = arith.extui %lt3A_29 : i1 to i32
    %cond3A_31 = arith.constant 0 : i32
    %cond3A_32 = arith.cmpi ne, %convert_element_type3A_30, %cond3A_31 : i32
    scf.if %cond3A_32 {
      %mul3A_114 = arith.constant 128 : i32
      %mul3A_115 = arith.muli %add3A_27, %mul3A_114 : i32
      "tpu.region"() ({
        %run_scoped3A = tpu.sem_alloc : memref<!tpu.dma_semaphore, #tpu.memory_space<semaphore_mem>>
        %dma_start3A_116 = arith.constant 0 : i32
        %dma_start3A_117 = tpu.memref_slice %arg11[%mul3A_115, %dma_start3A_116] : memref<10112x128xf32, #tpu.memory_space<vmem_shared>> -> memref<128x128xf32, #tpu.memory_space<vmem_shared>>
        %dma_start3A_118 = arith.constant 0 : i32
        %dma_start3A_119 = tpu.memref_slice %arg11[%mul3A_115, %dma_start3A_118] : memref<10112x128xf32, #tpu.memory_space<vmem_shared>> -> memref<128x128xf32, #tpu.memory_space<vmem_shared>>
        tpu.enqueue_dma source(%arg10 : memref<128x128xf32, #tpu.memory_space<vmem>>) target(%dma_start3A_119 : memref<128x128xf32, #tpu.memory_space<vmem_shared>>) target_semaphore(%run_scoped3A : memref<!tpu.dma_semaphore, #tpu.memory_space<semaphore_mem>>)
        %dma_wait3A_120 = arith.constant 0 : i32
        %dma_wait3A_121 = tpu.memref_slice %arg11[%mul3A_115, %dma_wait3A_120] : memref<10112x128xf32, #tpu.memory_space<vmem_shared>> -> memref<128x128xf32, #tpu.memory_space<vmem_shared>>
        %dma_wait3A_122 = arith.constant 0 : i32
        %dma_wait3A_123 = tpu.memref_slice %arg11[%mul3A_115, %dma_wait3A_122] : memref<10112x128xf32, #tpu.memory_space<vmem_shared>> -> memref<128x128xf32, #tpu.memory_space<vmem_shared>>
        tpu.wait_dma2 semaphore(%run_scoped3A : memref<!tpu.dma_semaphore, #tpu.memory_space<semaphore_mem>>) src(%arg10 : memref<128x128xf32, #tpu.memory_space<vmem>>) dst(%dma_wait3A_123 : memref<128x128xf32, #tpu.memory_space<vmem_shared>>)
        tpu.yield
      }) : () -> ()
    } else {
    }
    %barrier3A = arith.constant 0 : index
    tpu.barrier barrier_id(%barrier3A)
    %mul3A_33 = arith.constant 160 : i32
    %mul3A_34 = arith.muli %arg1, %mul3A_33 : i32
    %dma_start3A = arith.constant 0 : i32
    %dma_start3A_35 = tpu.memref_slice %arg3[%mul3A_34, %dma_start3A] : memref<2560x128xi32, #tpu.memory_space<hbm>> -> memref<1x128xi32, #tpu.memory_space<hbm>>
    %dma_start3A_36 = tpu.memref_squeeze %dma_start3A_35 : memref<1x128xi32, #tpu.memory_space<hbm>> -> memref<128xi32, #tpu.memory_space<hbm>>
    %dma_start3A_37 = arith.constant 0 : i32
    %dma_start3A_38 = tpu.memref_slice %arg3[%mul3A_34, %dma_start3A_37] : memref<2560x128xi32, #tpu.memory_space<hbm>> -> memref<1x128xi32, #tpu.memory_space<hbm>>
    %dma_start3A_39 = tpu.memref_squeeze %dma_start3A_38 : memref<1x128xi32, #tpu.memory_space<hbm>> -> memref<128xi32, #tpu.memory_space<hbm>>
    tpu.enqueue_dma source(%dma_start3A_39 : memref<128xi32, #tpu.memory_space<hbm>>) target(%arg6 : memref<128xi32, #tpu.memory_space<vmem>>) target_semaphore(%arg12 : memref<!tpu.dma_semaphore, #tpu.memory_space<semaphore_mem>>)
    %mul3A_40 = arith.constant 128 : i32
    %mul3A_41 = arith.muli %mul3A_34, %mul3A_40 : i32
    %dma_start3A_42 = arith.constant 0 : i32
    %dma_start3A_43 = tpu.memref_slice %arg2[%mul3A_41, %dma_start3A_42] : memref<327680x128xf32, #tpu.memory_space<hbm>> -> memref<128x128xf32, #tpu.memory_space<hbm>>
    %dma_start3A_44 = arith.constant 0 : i32
    %dma_start3A_45 = tpu.memref_slice %arg2[%mul3A_41, %dma_start3A_44] : memref<327680x128xf32, #tpu.memory_space<hbm>> -> memref<128x128xf32, #tpu.memory_space<hbm>>
    tpu.enqueue_dma source(%dma_start3A_45 : memref<128x128xf32, #tpu.memory_space<hbm>>) target(%arg8 : memref<128x128xf32, #tpu.memory_space<vmem>>) target_semaphore(%arg14 : memref<!tpu.dma_semaphore, #tpu.memory_space<semaphore_mem>>)
    %scan3A = arith.constant 0 : i32
    %scan3A_46 = arith.constant 0 : i32
    %scan3A_47 = arith.constant 160 : i32
    %scan3A_48 = arith.addi %scan3A_46, %scan3A_47 : i32
    %scan3A_49 = arith.constant 1 : i32
    scf.for %scan3A_114 = %scan3A_46 to %scan3A_48 step %scan3A_49  : i32 {
      %rem3A = arith.constant 2 : i32
      %rem3A_115 = arith.remsi %scan3A_114, %rem3A : i32
      %add3A_116 = arith.constant 1 : i32
      %add3A_117 = arith.addi %scan3A_114, %add3A_116 : i32
      %min3A = arith.constant 159 : i32
      %min3A_118 = arith.minsi %add3A_117, %min3A : i32
      %add3A_119 = arith.addi %mul3A_34, %min3A_118 : i32
      %eq3A = arith.constant 0 : i32
      %eq3A_120 = arith.cmpi eq, %rem3A_115, %eq3A : i32
      %convert_element_type3A_121 = arith.extui %eq3A_120 : i1 to i32
      %cond3A_122 = arith.constant 0 : i32
      %cond3A_123 = arith.cmpi ne, %convert_element_type3A_121, %cond3A_122 : i32
      scf.if %cond3A_123 {
        %dma_start3A_129 = arith.constant 0 : i32
        %dma_start3A_130 = tpu.memref_slice %arg3[%add3A_119, %dma_start3A_129] : memref<2560x128xi32, #tpu.memory_space<hbm>> -> memref<1x128xi32, #tpu.memory_space<hbm>>
        %dma_start3A_131 = tpu.memref_squeeze %dma_start3A_130 : memref<1x128xi32, #tpu.memory_space<hbm>> -> memref<128xi32, #tpu.memory_space<hbm>>
        %dma_start3A_132 = arith.constant 0 : i32
        %dma_start3A_133 = tpu.memref_slice %arg3[%add3A_119, %dma_start3A_132] : memref<2560x128xi32, #tpu.memory_space<hbm>> -> memref<1x128xi32, #tpu.memory_space<hbm>>
        %dma_start3A_134 = tpu.memref_squeeze %dma_start3A_133 : memref<1x128xi32, #tpu.memory_space<hbm>> -> memref<128xi32, #tpu.memory_space<hbm>>
        tpu.enqueue_dma source(%dma_start3A_134 : memref<128xi32, #tpu.memory_space<hbm>>) target(%arg7 : memref<128xi32, #tpu.memory_space<vmem>>) target_semaphore(%arg13 : memref<!tpu.dma_semaphore, #tpu.memory_space<semaphore_mem>>)
        %mul3A_135 = arith.constant 128 : i32
        %mul3A_136 = arith.muli %add3A_119, %mul3A_135 : i32
        %dma_start3A_137 = arith.constant 0 : i32
        %dma_start3A_138 = tpu.memref_slice %arg2[%mul3A_136, %dma_start3A_137] : memref<327680x128xf32, #tpu.memory_space<hbm>> -> memref<128x128xf32, #tpu.memory_space<hbm>>
        %dma_start3A_139 = arith.constant 0 : i32
        %dma_start3A_140 = tpu.memref_slice %arg2[%mul3A_136, %dma_start3A_139] : memref<327680x128xf32, #tpu.memory_space<hbm>> -> memref<128x128xf32, #tpu.memory_space<hbm>>
        tpu.enqueue_dma source(%dma_start3A_140 : memref<128x128xf32, #tpu.memory_space<hbm>>) target(%arg9 : memref<128x128xf32, #tpu.memory_space<vmem>>) target_semaphore(%arg15 : memref<!tpu.dma_semaphore, #tpu.memory_space<semaphore_mem>>)
        %add3A_141 = arith.addi %mul3A_34, %scan3A_114 : i32
        %dma_wait3A_142 = arith.constant 0 : i32
        %dma_wait3A_143 = tpu.memref_slice %arg3[%add3A_141, %dma_wait3A_142] : memref<2560x128xi32, #tpu.memory_space<hbm>> -> memref<1x128xi32, #tpu.memory_space<hbm>>
        %dma_wait3A_144 = tpu.memref_squeeze %dma_wait3A_143 : memref<1x128xi32, #tpu.memory_space<hbm>> -> memref<128xi32, #tpu.memory_space<hbm>>
        %dma_wait3A_145 = arith.constant 0 : i32
        %dma_wait3A_146 = tpu.memref_slice %arg3[%add3A_141, %dma_wait3A_145] : memref<2560x128xi32, #tpu.memory_space<hbm>> -> memref<1x128xi32, #tpu.memory_space<hbm>>
        %dma_wait3A_147 = tpu.memref_squeeze %dma_wait3A_146 : memref<1x128xi32, #tpu.memory_space<hbm>> -> memref<128xi32, #tpu.memory_space<hbm>>
        tpu.wait_dma2 semaphore(%arg12 : memref<!tpu.dma_semaphore, #tpu.memory_space<semaphore_mem>>) src(%dma_wait3A_147 : memref<128xi32, #tpu.memory_space<hbm>>) dst(%arg6 : memref<128xi32, #tpu.memory_space<vmem>>)
        %mul3A_148 = arith.constant 128 : i32
        %mul3A_149 = arith.muli %add3A_141, %mul3A_148 : i32
        %dma_wait3A_150 = arith.constant 0 : i32
        %dma_wait3A_151 = tpu.memref_slice %arg2[%mul3A_149, %dma_wait3A_150] : memref<327680x128xf32, #tpu.memory_space<hbm>> -> memref<128x128xf32, #tpu.memory_space<hbm>>
        %dma_wait3A_152 = arith.constant 0 : i32
        %dma_wait3A_153 = tpu.memref_slice %arg2[%mul3A_149, %dma_wait3A_152] : memref<327680x128xf32, #tpu.memory_space<hbm>> -> memref<128x128xf32, #tpu.memory_space<hbm>>
        tpu.wait_dma2 semaphore(%arg14 : memref<!tpu.dma_semaphore, #tpu.memory_space<semaphore_mem>>) src(%dma_wait3A_153 : memref<128x128xf32, #tpu.memory_space<hbm>>) dst(%arg8 : memref<128x128xf32, #tpu.memory_space<vmem>>)
        "tpu.region"() ({
          %run_scoped3A = tpu.sem_alloc : memref<!tpu.dma_semaphore, #tpu.memory_space<semaphore_mem>>
          %dma_start3A_154 = arith.constant 0 : i32
          %dma_start3A_155 = arith.constant 0 : i32
          %dma_start3A_156 = tpu.memref_slice %arg11[%dma_start3A_154, %dma_start3A_155] : memref<10112x128xf32, #tpu.memory_space<vmem_shared>> -> memref<10112x128xf32, #tpu.memory_space<vmem_shared>>
          tpu.enqueue_indirect_dma source(%arg8 : memref<128x128xf32, #tpu.memory_space<vmem>>) target(%dma_start3A_156 : memref<10112x128xf32, #tpu.memory_space<vmem_shared>>) offsets(%arg6 : memref<128xi32, #tpu.memory_space<vmem>>) semaphore(%run_scoped3A : memref<!tpu.dma_semaphore, #tpu.memory_space<semaphore_mem>>) {add = true}
          %dma_wait3A_157 = arith.constant 0 : i32
          %dma_wait3A_158 = arith.constant 0 : i32
          %dma_wait3A_159 = tpu.memref_slice %arg11[%dma_wait3A_157, %dma_wait3A_158] : memref<10112x128xf32, #tpu.memory_space<vmem_shared>> -> memref<10112x128xf32, #tpu.memory_space<vmem_shared>>
          tpu.wait_indirect_dma semaphore(%run_scoped3A : memref<!tpu.dma_semaphore, #tpu.memory_space<semaphore_mem>>) src(%arg8 : memref<128x128xf32, #tpu.memory_space<vmem>>) dst(%dma_wait3A_159 : memref<10112x128xf32, #tpu.memory_space<vmem_shared>>)
          tpu.yield
        }) : () -> ()
      } else {
      }
      %eq3A_124 = arith.constant 1 : i32
      %eq3A_125 = arith.cmpi eq, %rem3A_115, %eq3A_124 : i32
      %convert_element_type3A_126 = arith.extui %eq3A_125 : i1 to i32
      %cond3A_127 = arith.constant 0 : i32
      %cond3A_128 = arith.cmpi ne, %convert_element_type3A_126, %cond3A_127 : i32
      scf.if %cond3A_128 {
        %dma_start3A_129 = arith.constant 0 : i32
        %dma_start3A_130 = tpu.memref_slice %arg3[%add3A_119, %dma_start3A_129] : memref<2560x128xi32, #tpu.memory_space<hbm>> -> memref<1x128xi32, #tpu.memory_space<hbm>>
        %dma_start3A_131 = tpu.memref_squeeze %dma_start3A_130 : memref<1x128xi32, #tpu.memory_space<hbm>> -> memref<128xi32, #tpu.memory_space<hbm>>
        %dma_start3A_132 = arith.constant 0 : i32
        %dma_start3A_133 = tpu.memref_slice %arg3[%add3A_119, %dma_start3A_132] : memref<2560x128xi32, #tpu.memory_space<hbm>> -> memref<1x128xi32, #tpu.memory_space<hbm>>
        %dma_start3A_134 = tpu.memref_squeeze %dma_start3A_133 : memref<1x128xi32, #tpu.memory_space<hbm>> -> memref<128xi32, #tpu.memory_space<hbm>>
        tpu.enqueue_dma source(%dma_start3A_134 : memref<128xi32, #tpu.memory_space<hbm>>) target(%arg6 : memref<128xi32, #tpu.memory_space<vmem>>) target_semaphore(%arg12 : memref<!tpu.dma_semaphore, #tpu.memory_space<semaphore_mem>>)
        %mul3A_135 = arith.constant 128 : i32
        %mul3A_136 = arith.muli %add3A_119, %mul3A_135 : i32
        %dma_start3A_137 = arith.constant 0 : i32
        %dma_start3A_138 = tpu.memref_slice %arg2[%mul3A_136, %dma_start3A_137] : memref<327680x128xf32, #tpu.memory_space<hbm>> -> memref<128x128xf32, #tpu.memory_space<hbm>>
        %dma_start3A_139 = arith.constant 0 : i32
        %dma_start3A_140 = tpu.memref_slice %arg2[%mul3A_136, %dma_start3A_139] : memref<327680x128xf32, #tpu.memory_space<hbm>> -> memref<128x128xf32, #tpu.memory_space<hbm>>
        tpu.enqueue_dma source(%dma_start3A_140 : memref<128x128xf32, #tpu.memory_space<hbm>>) target(%arg8 : memref<128x128xf32, #tpu.memory_space<vmem>>) target_semaphore(%arg14 : memref<!tpu.dma_semaphore, #tpu.memory_space<semaphore_mem>>)
        %add3A_141 = arith.addi %mul3A_34, %scan3A_114 : i32
        %dma_wait3A_142 = arith.constant 0 : i32
        %dma_wait3A_143 = tpu.memref_slice %arg3[%add3A_141, %dma_wait3A_142] : memref<2560x128xi32, #tpu.memory_space<hbm>> -> memref<1x128xi32, #tpu.memory_space<hbm>>
        %dma_wait3A_144 = tpu.memref_squeeze %dma_wait3A_143 : memref<1x128xi32, #tpu.memory_space<hbm>> -> memref<128xi32, #tpu.memory_space<hbm>>
        %dma_wait3A_145 = arith.constant 0 : i32
        %dma_wait3A_146 = tpu.memref_slice %arg3[%add3A_141, %dma_wait3A_145] : memref<2560x128xi32, #tpu.memory_space<hbm>> -> memref<1x128xi32, #tpu.memory_space<hbm>>
        %dma_wait3A_147 = tpu.memref_squeeze %dma_wait3A_146 : memref<1x128xi32, #tpu.memory_space<hbm>> -> memref<128xi32, #tpu.memory_space<hbm>>
        tpu.wait_dma2 semaphore(%arg13 : memref<!tpu.dma_semaphore, #tpu.memory_space<semaphore_mem>>) src(%dma_wait3A_147 : memref<128xi32, #tpu.memory_space<hbm>>) dst(%arg7 : memref<128xi32, #tpu.memory_space<vmem>>)
        %mul3A_148 = arith.constant 128 : i32
        %mul3A_149 = arith.muli %add3A_141, %mul3A_148 : i32
        %dma_wait3A_150 = arith.constant 0 : i32
        %dma_wait3A_151 = tpu.memref_slice %arg2[%mul3A_149, %dma_wait3A_150] : memref<327680x128xf32, #tpu.memory_space<hbm>> -> memref<128x128xf32, #tpu.memory_space<hbm>>
        %dma_wait3A_152 = arith.constant 0 : i32
        %dma_wait3A_153 = tpu.memref_slice %arg2[%mul3A_149, %dma_wait3A_152] : memref<327680x128xf32, #tpu.memory_space<hbm>> -> memref<128x128xf32, #tpu.memory_space<hbm>>
        tpu.wait_dma2 semaphore(%arg15 : memref<!tpu.dma_semaphore, #tpu.memory_space<semaphore_mem>>) src(%dma_wait3A_153 : memref<128x128xf32, #tpu.memory_space<hbm>>) dst(%arg9 : memref<128x128xf32, #tpu.memory_space<vmem>>)
        "tpu.region"() ({
          %run_scoped3A = tpu.sem_alloc : memref<!tpu.dma_semaphore, #tpu.memory_space<semaphore_mem>>
          %dma_start3A_154 = arith.constant 0 : i32
          %dma_start3A_155 = arith.constant 0 : i32
          %dma_start3A_156 = tpu.memref_slice %arg11[%dma_start3A_154, %dma_start3A_155] : memref<10112x128xf32, #tpu.memory_space<vmem_shared>> -> memref<10112x128xf32, #tpu.memory_space<vmem_shared>>
          tpu.enqueue_indirect_dma source(%arg9 : memref<128x128xf32, #tpu.memory_space<vmem>>) target(%dma_start3A_156 : memref<10112x128xf32, #tpu.memory_space<vmem_shared>>) offsets(%arg7 : memref<128xi32, #tpu.memory_space<vmem>>) semaphore(%run_scoped3A : memref<!tpu.dma_semaphore, #tpu.memory_space<semaphore_mem>>) {add = true}
          %dma_wait3A_157 = arith.constant 0 : i32
          %dma_wait3A_158 = arith.constant 0 : i32
          %dma_wait3A_159 = tpu.memref_slice %arg11[%dma_wait3A_157, %dma_wait3A_158] : memref<10112x128xf32, #tpu.memory_space<vmem_shared>> -> memref<10112x128xf32, #tpu.memory_space<vmem_shared>>
          tpu.wait_indirect_dma semaphore(%run_scoped3A : memref<!tpu.dma_semaphore, #tpu.memory_space<semaphore_mem>>) src(%arg9 : memref<128x128xf32, #tpu.memory_space<vmem>>) dst(%dma_wait3A_159 : memref<10112x128xf32, #tpu.memory_space<vmem_shared>>)
          tpu.yield
        }) : () -> ()
      } else {
      }
    }
    %scan3A_50 = arith.constant 160 : i32
    %add3A_51 = arith.constant 160 : i32
    %add3A_52 = arith.addi %mul3A_34, %add3A_51 : i32
    %sub3A = arith.constant 1 : i32
    %sub3A_53 = arith.subi %add3A_52, %sub3A : i32
    %dma_wait3A = arith.constant 0 : i32
    %dma_wait3A_54 = tpu.memref_slice %arg3[%sub3A_53, %dma_wait3A] : memref<2560x128xi32, #tpu.memory_space<hbm>> -> memref<1x128xi32, #tpu.memory_space<hbm>>
    %dma_wait3A_55 = tpu.memref_squeeze %dma_wait3A_54 : memref<1x128xi32, #tpu.memory_space<hbm>> -> memref<128xi32, #tpu.memory_space<hbm>>
    %dma_wait3A_56 = arith.constant 0 : i32
    %dma_wait3A_57 = tpu.memref_slice %arg3[%sub3A_53, %dma_wait3A_56] : memref<2560x128xi32, #tpu.memory_space<hbm>> -> memref<1x128xi32, #tpu.memory_space<hbm>>
    %dma_wait3A_58 = tpu.memref_squeeze %dma_wait3A_57 : memref<1x128xi32, #tpu.memory_space<hbm>> -> memref<128xi32, #tpu.memory_space<hbm>>
    tpu.wait_dma2 semaphore(%arg12 : memref<!tpu.dma_semaphore, #tpu.memory_space<semaphore_mem>>) src(%dma_wait3A_58 : memref<128xi32, #tpu.memory_space<hbm>>) dst(%arg6 : memref<128xi32, #tpu.memory_space<vmem>>)
    %add3A_59 = arith.constant 160 : i32
    %add3A_60 = arith.addi %mul3A_34, %add3A_59 : i32
    %sub3A_61 = arith.constant 1 : i32
    %sub3A_62 = arith.subi %add3A_60, %sub3A_61 : i32
    %mul3A_63 = arith.constant 128 : i32
    %mul3A_64 = arith.muli %sub3A_62, %mul3A_63 : i32
    %dma_wait3A_65 = arith.constant 0 : i32
    %dma_wait3A_66 = tpu.memref_slice %arg2[%mul3A_64, %dma_wait3A_65] : memref<327680x128xf32, #tpu.memory_space<hbm>> -> memref<128x128xf32, #tpu.memory_space<hbm>>
    %dma_wait3A_67 = arith.constant 0 : i32
    %dma_wait3A_68 = tpu.memref_slice %arg2[%mul3A_64, %dma_wait3A_67] : memref<327680x128xf32, #tpu.memory_space<hbm>> -> memref<128x128xf32, #tpu.memory_space<hbm>>
    tpu.wait_dma2 semaphore(%arg14 : memref<!tpu.dma_semaphore, #tpu.memory_space<semaphore_mem>>) src(%dma_wait3A_68 : memref<128x128xf32, #tpu.memory_space<hbm>>) dst(%arg8 : memref<128x128xf32, #tpu.memory_space<vmem>>)
    %barrier3A_69 = arith.constant 0 : index
    tpu.barrier barrier_id(%barrier3A_69)
    %mul3A_70 = arith.constant 80 : i32
    %mul3A_71 = arith.muli %add3A, %mul3A_70 : i32
    %dma_start3A_72 = arith.constant 0 : i32
    %dma_start3A_73 = tpu.memref_slice %arg3[%mul3A_71, %dma_start3A_72] : memref<2560x128xi32, #tpu.memory_space<hbm>> -> memref<1x128xi32, #tpu.memory_space<hbm>>
    %dma_start3A_74 = tpu.memref_squeeze %dma_start3A_73 : memref<1x128xi32, #tpu.memory_space<hbm>> -> memref<128xi32, #tpu.memory_space<hbm>>
    %dma_start3A_75 = arith.constant 0 : i32
    %dma_start3A_76 = tpu.memref_slice %arg3[%mul3A_71, %dma_start3A_75] : memref<2560x128xi32, #tpu.memory_space<hbm>> -> memref<1x128xi32, #tpu.memory_space<hbm>>
    %dma_start3A_77 = tpu.memref_squeeze %dma_start3A_76 : memref<1x128xi32, #tpu.memory_space<hbm>> -> memref<128xi32, #tpu.memory_space<hbm>>
    tpu.enqueue_dma source(%dma_start3A_77 : memref<128xi32, #tpu.memory_space<hbm>>) target(%arg6 : memref<128xi32, #tpu.memory_space<vmem>>) target_semaphore(%arg12 : memref<!tpu.dma_semaphore, #tpu.memory_space<semaphore_mem>>)
    %scan3A_78 = arith.constant 0 : i32
    %scan3A_79 = arith.constant 0 : i32
    %scan3A_80 = arith.constant 80 : i32
    %scan3A_81 = arith.addi %scan3A_79, %scan3A_80 : i32
    %scan3A_82 = arith.constant 1 : i32
    scf.for %scan3A_114 = %scan3A_79 to %scan3A_81 step %scan3A_82  : i32 {
      %rem3A = arith.constant 2 : i32
      %rem3A_115 = arith.remsi %scan3A_114, %rem3A : i32
      %add3A_116 = arith.constant 1 : i32
      %add3A_117 = arith.addi %scan3A_114, %add3A_116 : i32
      %min3A = arith.constant 79 : i32
      %min3A_118 = arith.minsi %add3A_117, %min3A : i32
      %add3A_119 = arith.addi %mul3A_71, %min3A_118 : i32
      %eq3A = arith.constant 0 : i32
      %eq3A_120 = arith.cmpi eq, %rem3A_115, %eq3A : i32
      %convert_element_type3A_121 = arith.extui %eq3A_120 : i1 to i32
      %cond3A_122 = arith.constant 0 : i32
      %cond3A_123 = arith.cmpi ne, %convert_element_type3A_121, %cond3A_122 : i32
      scf.if %cond3A_123 {
        %dma_start3A_129 = arith.constant 0 : i32
        %dma_start3A_130 = tpu.memref_slice %arg3[%add3A_119, %dma_start3A_129] : memref<2560x128xi32, #tpu.memory_space<hbm>> -> memref<1x128xi32, #tpu.memory_space<hbm>>
        %dma_start3A_131 = tpu.memref_squeeze %dma_start3A_130 : memref<1x128xi32, #tpu.memory_space<hbm>> -> memref<128xi32, #tpu.memory_space<hbm>>
        %dma_start3A_132 = arith.constant 0 : i32
        %dma_start3A_133 = tpu.memref_slice %arg3[%add3A_119, %dma_start3A_132] : memref<2560x128xi32, #tpu.memory_space<hbm>> -> memref<1x128xi32, #tpu.memory_space<hbm>>
        %dma_start3A_134 = tpu.memref_squeeze %dma_start3A_133 : memref<1x128xi32, #tpu.memory_space<hbm>> -> memref<128xi32, #tpu.memory_space<hbm>>
        tpu.enqueue_dma source(%dma_start3A_134 : memref<128xi32, #tpu.memory_space<hbm>>) target(%arg7 : memref<128xi32, #tpu.memory_space<vmem>>) target_semaphore(%arg13 : memref<!tpu.dma_semaphore, #tpu.memory_space<semaphore_mem>>)
        %ge3A = arith.constant 2 : i32
        %ge3A_135 = arith.cmpi sge, %scan3A_114, %ge3A : i32
        %convert_element_type3A_136 = arith.extui %ge3A_135 : i1 to i32
        %cond3A_137 = arith.constant 0 : i32
        %cond3A_138 = arith.cmpi ne, %convert_element_type3A_136, %cond3A_137 : i32
        scf.if %cond3A_138 {
          %add3A_159 = arith.addi %mul3A_71, %scan3A_114 : i32
          %sub3A_160 = arith.constant 2 : i32
          %sub3A_161 = arith.subi %add3A_159, %sub3A_160 : i32
          %mul3A_162 = arith.constant 128 : i32
          %mul3A_163 = arith.muli %sub3A_161, %mul3A_162 : i32
          %dma_wait3A_164 = arith.constant 0 : i32
          %dma_wait3A_165 = tpu.memref_slice %arg5[%mul3A_163, %dma_wait3A_164] : memref<327680x128xf32, #tpu.memory_space<hbm>> -> memref<128x128xf32, #tpu.memory_space<hbm>>
          %dma_wait3A_166 = arith.constant 0 : i32
          %dma_wait3A_167 = tpu.memref_slice %arg5[%mul3A_163, %dma_wait3A_166] : memref<327680x128xf32, #tpu.memory_space<hbm>> -> memref<128x128xf32, #tpu.memory_space<hbm>>
          tpu.wait_dma2 semaphore(%arg14 : memref<!tpu.dma_semaphore, #tpu.memory_space<semaphore_mem>>) src(%arg8 : memref<128x128xf32, #tpu.memory_space<vmem>>) dst(%dma_wait3A_167 : memref<128x128xf32, #tpu.memory_space<hbm>>)
        } else {
        }
        %add3A_139 = arith.addi %mul3A_71, %scan3A_114 : i32
        %dma_wait3A_140 = arith.constant 0 : i32
        %dma_wait3A_141 = tpu.memref_slice %arg3[%add3A_139, %dma_wait3A_140] : memref<2560x128xi32, #tpu.memory_space<hbm>> -> memref<1x128xi32, #tpu.memory_space<hbm>>
        %dma_wait3A_142 = tpu.memref_squeeze %dma_wait3A_141 : memref<1x128xi32, #tpu.memory_space<hbm>> -> memref<128xi32, #tpu.memory_space<hbm>>
        %dma_wait3A_143 = arith.constant 0 : i32
        %dma_wait3A_144 = tpu.memref_slice %arg3[%add3A_139, %dma_wait3A_143] : memref<2560x128xi32, #tpu.memory_space<hbm>> -> memref<1x128xi32, #tpu.memory_space<hbm>>
        %dma_wait3A_145 = tpu.memref_squeeze %dma_wait3A_144 : memref<1x128xi32, #tpu.memory_space<hbm>> -> memref<128xi32, #tpu.memory_space<hbm>>
        tpu.wait_dma2 semaphore(%arg12 : memref<!tpu.dma_semaphore, #tpu.memory_space<semaphore_mem>>) src(%dma_wait3A_145 : memref<128xi32, #tpu.memory_space<hbm>>) dst(%arg6 : memref<128xi32, #tpu.memory_space<vmem>>)
        %dma_start3A_146 = arith.constant 0 : i32
        %dma_start3A_147 = arith.constant 0 : i32
        %dma_start3A_148 = tpu.memref_slice %arg11[%dma_start3A_146, %dma_start3A_147] : memref<10112x128xf32, #tpu.memory_space<vmem_shared>> -> memref<10112x128xf32, #tpu.memory_space<vmem_shared>>
        tpu.enqueue_indirect_dma source(%dma_start3A_148 : memref<10112x128xf32, #tpu.memory_space<vmem_shared>>) target(%arg8 : memref<128x128xf32, #tpu.memory_space<vmem>>) offsets(%arg6 : memref<128xi32, #tpu.memory_space<vmem>>) semaphore(%arg16 : memref<!tpu.dma_semaphore, #tpu.memory_space<semaphore_mem>>)
        %dma_wait3A_149 = arith.constant 0 : i32
        %dma_wait3A_150 = arith.constant 0 : i32
        %dma_wait3A_151 = tpu.memref_slice %arg11[%dma_wait3A_149, %dma_wait3A_150] : memref<10112x128xf32, #tpu.memory_space<vmem_shared>> -> memref<10112x128xf32, #tpu.memory_space<vmem_shared>>
        tpu.wait_indirect_dma semaphore(%arg16 : memref<!tpu.dma_semaphore, #tpu.memory_space<semaphore_mem>>) src(%dma_wait3A_151 : memref<10112x128xf32, #tpu.memory_space<vmem_shared>>) dst(%arg8 : memref<128x128xf32, #tpu.memory_space<vmem>>)
        %add3A_152 = arith.addi %mul3A_71, %scan3A_114 : i32
        %mul3A_153 = arith.constant 128 : i32
        %mul3A_154 = arith.muli %add3A_152, %mul3A_153 : i32
        %dma_start3A_155 = arith.constant 0 : i32
        %dma_start3A_156 = tpu.memref_slice %arg5[%mul3A_154, %dma_start3A_155] : memref<327680x128xf32, #tpu.memory_space<hbm>> -> memref<128x128xf32, #tpu.memory_space<hbm>>
        %dma_start3A_157 = arith.constant 0 : i32
        %dma_start3A_158 = tpu.memref_slice %arg5[%mul3A_154, %dma_start3A_157] : memref<327680x128xf32, #tpu.memory_space<hbm>> -> memref<128x128xf32, #tpu.memory_space<hbm>>
        tpu.enqueue_dma source(%arg8 : memref<128x128xf32, #tpu.memory_space<vmem>>) target(%dma_start3A_158 : memref<128x128xf32, #tpu.memory_space<hbm>>) target_semaphore(%arg14 : memref<!tpu.dma_semaphore, #tpu.memory_space<semaphore_mem>>)
      } else {
      }
      %eq3A_124 = arith.constant 1 : i32
      %eq3A_125 = arith.cmpi eq, %rem3A_115, %eq3A_124 : i32
      %convert_element_type3A_126 = arith.extui %eq3A_125 : i1 to i32
      %cond3A_127 = arith.constant 0 : i32
      %cond3A_128 = arith.cmpi ne, %convert_element_type3A_126, %cond3A_127 : i32
      scf.if %cond3A_128 {
        %dma_start3A_129 = arith.constant 0 : i32
        %dma_start3A_130 = tpu.memref_slice %arg3[%add3A_119, %dma_start3A_129] : memref<2560x128xi32, #tpu.memory_space<hbm>> -> memref<1x128xi32, #tpu.memory_space<hbm>>
        %dma_start3A_131 = tpu.memref_squeeze %dma_start3A_130 : memref<1x128xi32, #tpu.memory_space<hbm>> -> memref<128xi32, #tpu.memory_space<hbm>>
        %dma_start3A_132 = arith.constant 0 : i32
        %dma_start3A_133 = tpu.memref_slice %arg3[%add3A_119, %dma_start3A_132] : memref<2560x128xi32, #tpu.memory_space<hbm>> -> memref<1x128xi32, #tpu.memory_space<hbm>>
        %dma_start3A_134 = tpu.memref_squeeze %dma_start3A_133 : memref<1x128xi32, #tpu.memory_space<hbm>> -> memref<128xi32, #tpu.memory_space<hbm>>
        tpu.enqueue_dma source(%dma_start3A_134 : memref<128xi32, #tpu.memory_space<hbm>>) target(%arg6 : memref<128xi32, #tpu.memory_space<vmem>>) target_semaphore(%arg12 : memref<!tpu.dma_semaphore, #tpu.memory_space<semaphore_mem>>)
        %ge3A = arith.constant 2 : i32
        %ge3A_135 = arith.cmpi sge, %scan3A_114, %ge3A : i32
        %convert_element_type3A_136 = arith.extui %ge3A_135 : i1 to i32
        %cond3A_137 = arith.constant 0 : i32
        %cond3A_138 = arith.cmpi ne, %convert_element_type3A_136, %cond3A_137 : i32
        scf.if %cond3A_138 {
          %add3A_159 = arith.addi %mul3A_71, %scan3A_114 : i32
          %sub3A_160 = arith.constant 2 : i32
          %sub3A_161 = arith.subi %add3A_159, %sub3A_160 : i32
          %mul3A_162 = arith.constant 128 : i32
          %mul3A_163 = arith.muli %sub3A_161, %mul3A_162 : i32
          %dma_wait3A_164 = arith.constant 0 : i32
          %dma_wait3A_165 = tpu.memref_slice %arg5[%mul3A_163, %dma_wait3A_164] : memref<327680x128xf32, #tpu.memory_space<hbm>> -> memref<128x128xf32, #tpu.memory_space<hbm>>
          %dma_wait3A_166 = arith.constant 0 : i32
          %dma_wait3A_167 = tpu.memref_slice %arg5[%mul3A_163, %dma_wait3A_166] : memref<327680x128xf32, #tpu.memory_space<hbm>> -> memref<128x128xf32, #tpu.memory_space<hbm>>
          tpu.wait_dma2 semaphore(%arg15 : memref<!tpu.dma_semaphore, #tpu.memory_space<semaphore_mem>>) src(%arg9 : memref<128x128xf32, #tpu.memory_space<vmem>>) dst(%dma_wait3A_167 : memref<128x128xf32, #tpu.memory_space<hbm>>)
        } else {
        }
        %add3A_139 = arith.addi %mul3A_71, %scan3A_114 : i32
        %dma_wait3A_140 = arith.constant 0 : i32
        %dma_wait3A_141 = tpu.memref_slice %arg3[%add3A_139, %dma_wait3A_140] : memref<2560x128xi32, #tpu.memory_space<hbm>> -> memref<1x128xi32, #tpu.memory_space<hbm>>
        %dma_wait3A_142 = tpu.memref_squeeze %dma_wait3A_141 : memref<1x128xi32, #tpu.memory_space<hbm>> -> memref<128xi32, #tpu.memory_space<hbm>>
        %dma_wait3A_143 = arith.constant 0 : i32
        %dma_wait3A_144 = tpu.memref_slice %arg3[%add3A_139, %dma_wait3A_143] : memref<2560x128xi32, #tpu.memory_space<hbm>> -> memref<1x128xi32, #tpu.memory_space<hbm>>
        %dma_wait3A_145 = tpu.memref_squeeze %dma_wait3A_144 : memref<1x128xi32, #tpu.memory_space<hbm>> -> memref<128xi32, #tpu.memory_space<hbm>>
        tpu.wait_dma2 semaphore(%arg13 : memref<!tpu.dma_semaphore, #tpu.memory_space<semaphore_mem>>) src(%dma_wait3A_145 : memref<128xi32, #tpu.memory_space<hbm>>) dst(%arg7 : memref<128xi32, #tpu.memory_space<vmem>>)
        %dma_start3A_146 = arith.constant 0 : i32
        %dma_start3A_147 = arith.constant 0 : i32
        %dma_start3A_148 = tpu.memref_slice %arg11[%dma_start3A_146, %dma_start3A_147] : memref<10112x128xf32, #tpu.memory_space<vmem_shared>> -> memref<10112x128xf32, #tpu.memory_space<vmem_shared>>
        tpu.enqueue_indirect_dma source(%dma_start3A_148 : memref<10112x128xf32, #tpu.memory_space<vmem_shared>>) target(%arg9 : memref<128x128xf32, #tpu.memory_space<vmem>>) offsets(%arg7 : memref<128xi32, #tpu.memory_space<vmem>>) semaphore(%arg16 : memref<!tpu.dma_semaphore, #tpu.memory_space<semaphore_mem>>)
        %dma_wait3A_149 = arith.constant 0 : i32
        %dma_wait3A_150 = arith.constant 0 : i32
        %dma_wait3A_151 = tpu.memref_slice %arg11[%dma_wait3A_149, %dma_wait3A_150] : memref<10112x128xf32, #tpu.memory_space<vmem_shared>> -> memref<10112x128xf32, #tpu.memory_space<vmem_shared>>
        tpu.wait_indirect_dma semaphore(%arg16 : memref<!tpu.dma_semaphore, #tpu.memory_space<semaphore_mem>>) src(%dma_wait3A_151 : memref<10112x128xf32, #tpu.memory_space<vmem_shared>>) dst(%arg9 : memref<128x128xf32, #tpu.memory_space<vmem>>)
        %add3A_152 = arith.addi %mul3A_71, %scan3A_114 : i32
        %mul3A_153 = arith.constant 128 : i32
        %mul3A_154 = arith.muli %add3A_152, %mul3A_153 : i32
        %dma_start3A_155 = arith.constant 0 : i32
        %dma_start3A_156 = tpu.memref_slice %arg5[%mul3A_154, %dma_start3A_155] : memref<327680x128xf32, #tpu.memory_space<hbm>> -> memref<128x128xf32, #tpu.memory_space<hbm>>
        %dma_start3A_157 = arith.constant 0 : i32
        %dma_start3A_158 = tpu.memref_slice %arg5[%mul3A_154, %dma_start3A_157] : memref<327680x128xf32, #tpu.memory_space<hbm>> -> memref<128x128xf32, #tpu.memory_space<hbm>>
        tpu.enqueue_dma source(%arg9 : memref<128x128xf32, #tpu.memory_space<vmem>>) target(%dma_start3A_158 : memref<128x128xf32, #tpu.memory_space<hbm>>) target_semaphore(%arg15 : memref<!tpu.dma_semaphore, #tpu.memory_space<semaphore_mem>>)
      } else {
      }
    }
    %scan3A_83 = arith.constant 80 : i32
    %add3A_84 = arith.constant 80 : i32
    %add3A_85 = arith.addi %mul3A_71, %add3A_84 : i32
    %sub3A_86 = arith.constant 1 : i32
    %sub3A_87 = arith.subi %add3A_85, %sub3A_86 : i32
    %dma_wait3A_88 = arith.constant 0 : i32
    %dma_wait3A_89 = tpu.memref_slice %arg3[%sub3A_87, %dma_wait3A_88] : memref<2560x128xi32, #tpu.memory_space<hbm>> -> memref<1x128xi32, #tpu.memory_space<hbm>>
    %dma_wait3A_90 = tpu.memref_squeeze %dma_wait3A_89 : memref<1x128xi32, #tpu.memory_space<hbm>> -> memref<128xi32, #tpu.memory_space<hbm>>
    %dma_wait3A_91 = arith.constant 0 : i32
    %dma_wait3A_92 = tpu.memref_slice %arg3[%sub3A_87, %dma_wait3A_91] : memref<2560x128xi32, #tpu.memory_space<hbm>> -> memref<1x128xi32, #tpu.memory_space<hbm>>
    %dma_wait3A_93 = tpu.memref_squeeze %dma_wait3A_92 : memref<1x128xi32, #tpu.memory_space<hbm>> -> memref<128xi32, #tpu.memory_space<hbm>>
    tpu.wait_dma2 semaphore(%arg12 : memref<!tpu.dma_semaphore, #tpu.memory_space<semaphore_mem>>) src(%dma_wait3A_93 : memref<128xi32, #tpu.memory_space<hbm>>) dst(%arg6 : memref<128xi32, #tpu.memory_space<vmem>>)
    %add3A_94 = arith.constant 80 : i32
    %add3A_95 = arith.addi %mul3A_71, %add3A_94 : i32
    %sub3A_96 = arith.constant 2 : i32
    %sub3A_97 = arith.subi %add3A_95, %sub3A_96 : i32
    %mul3A_98 = arith.constant 128 : i32
    %mul3A_99 = arith.muli %sub3A_97, %mul3A_98 : i32
    %dma_wait3A_100 = arith.constant 0 : i32
    %dma_wait3A_101 = tpu.memref_slice %arg5[%mul3A_99, %dma_wait3A_100] : memref<327680x128xf32, #tpu.memory_space<hbm>> -> memref<128x128xf32, #tpu.memory_space<hbm>>
    %dma_wait3A_102 = arith.constant 0 : i32
    %dma_wait3A_103 = tpu.memref_slice %arg5[%mul3A_99, %dma_wait3A_102] : memref<327680x128xf32, #tpu.memory_space<hbm>> -> memref<128x128xf32, #tpu.memory_space<hbm>>
    tpu.wait_dma2 semaphore(%arg14 : memref<!tpu.dma_semaphore, #tpu.memory_space<semaphore_mem>>) src(%arg8 : memref<128x128xf32, #tpu.memory_space<vmem>>) dst(%dma_wait3A_103 : memref<128x128xf32, #tpu.memory_space<hbm>>)
    %add3A_104 = arith.constant 80 : i32
    %add3A_105 = arith.addi %mul3A_71, %add3A_104 : i32
    %sub3A_106 = arith.constant 1 : i32
    %sub3A_107 = arith.subi %add3A_105, %sub3A_106 : i32
    %mul3A_108 = arith.constant 128 : i32
    %mul3A_109 = arith.muli %sub3A_107, %mul3A_108 : i32
    %dma_wait3A_110 = arith.constant 0 : i32
    %dma_wait3A_111 = tpu.memref_slice %arg5[%mul3A_109, %dma_wait3A_110] : memref<327680x128xf32, #tpu.memory_space<hbm>> -> memref<128x128xf32, #tpu.memory_space<hbm>>
    %dma_wait3A_112 = arith.constant 0 : i32
    %dma_wait3A_113 = tpu.memref_slice %arg5[%mul3A_109, %dma_wait3A_112] : memref<327680x128xf32, #tpu.memory_space<hbm>> -> memref<128x128xf32, #tpu.memory_space<hbm>>
    tpu.wait_dma2 semaphore(%arg15 : memref<!tpu.dma_semaphore, #tpu.memory_space<semaphore_mem>>) src(%arg9 : memref<128x128xf32, #tpu.memory_space<vmem>>) dst(%dma_wait3A_113 : memref<128x128xf32, #tpu.memory_space<hbm>>)
    return
  }
}

module attributes {stable_mosaic.version = 14 : i64} {
  func.func @_stage_a(%arg0: i32, %arg1: memref<1280x16xf32, #tpu.memory_space<vmem>>, %arg2: memref<1280x16xf32, #tpu.memory_space<vmem>>, %arg3: memref<72x128xf32, #tpu.memory_space<vmem>>, %arg4: memref<16x32xf32, #tpu.memory_space<vmem>>, %arg5: memref<1x128xf32, #tpu.memory_space<vmem>>, %arg6: memref<128x128xf32, #tpu.memory_space<vmem>>, %arg7: memref<128x128xf32, #tpu.memory_space<vmem>>, %arg8: memref<128x32xf32, #tpu.memory_space<vmem>>, %arg9: memref<128x32xf32, #tpu.memory_space<vmem>>, %arg10: memref<1280x128xf32, #tpu.memory_space<vmem>>, %arg11: memref<1280x128xf32, #tpu.memory_space<vmem>>, %arg12: memref<1280x128xf32, #tpu.memory_space<vmem>>, %arg13: memref<1280x8xf32, #tpu.memory_space<vmem>>) attributes {dimension_semantics = [#tpu.dimension_semantics<arbitrary>], iteration_bounds = array<i64: 256>, scalar_prefetch = 0 : i64, scratch_operands = 0 : i64, tpu.core_type = #tpu.core_type<tc>, window_params = [{transform_indices = @transform_0, window_bounds = array<i64: 1280, 16>}, {transform_indices = @transform_1, window_bounds = array<i64: 1280, 16>}, {pipeline_mode = #tpu.pipeline_mode<synchronous>, transform_indices = @transform_2, window_bounds = array<i64: 72, 128>}, {pipeline_mode = #tpu.pipeline_mode<synchronous>, transform_indices = @transform_3, window_bounds = array<i64: 16, 32>}, {pipeline_mode = #tpu.pipeline_mode<synchronous>, transform_indices = @transform_4, window_bounds = array<i64: 1, 128>}, {pipeline_mode = #tpu.pipeline_mode<synchronous>, transform_indices = @transform_5, window_bounds = array<i64: 128, 128>}, {pipeline_mode = #tpu.pipeline_mode<synchronous>, transform_indices = @transform_6, window_bounds = array<i64: 128, 128>}, {pipeline_mode = #tpu.pipeline_mode<synchronous>, transform_indices = @transform_7, window_bounds = array<i64: 128, 32>}, {pipeline_mode = #tpu.pipeline_mode<synchronous>, transform_indices = @transform_8, window_bounds = array<i64: 128, 32>}, {transform_indices = @transform_9, window_bounds = array<i64: 1280, 128>}, {transform_indices = @transform_10, window_bounds = array<i64: 1280, 128>}, {transform_indices = @transform_11, window_bounds = array<i64: 1280, 128>}, {transform_indices = @transform_12, window_bounds = array<i64: 1280, 8>}]} {
    %get3A = arith.constant 0 : index
    %get3A_0 = arith.constant 0 : index
    %get3A_1 = vector.load %arg1[%get3A, %get3A_0] : memref<1280x16xf32, #tpu.memory_space<vmem>>, vector<1280x16xf32>
    %get3A_2 = arith.constant 0 : index
    %get3A_3 = arith.constant 0 : index
    %get3A_4 = vector.load %arg2[%get3A_2, %get3A_3] : memref<1280x16xf32, #tpu.memory_space<vmem>>, vector<1280x16xf32>
    %slice3A = vector.extract_strided_slice %get3A_4 {offsets = [0, 0], sizes = [1280, 1], strides = [1, 1]} : vector<1280x16xf32> to vector<1280x1xf32>
    %slice3A_5 = vector.extract_strided_slice %get3A_1 {offsets = [0, 0], sizes = [1280, 1], strides = [1, 1]} : vector<1280x16xf32> to vector<1280x1xf32>
    %sub3A = arith.subf %slice3A, %slice3A_5 : vector<1280x1xf32>
    %slice3A_6 = vector.extract_strided_slice %get3A_4 {offsets = [0, 1], sizes = [1280, 1], strides = [1, 1]} : vector<1280x16xf32> to vector<1280x1xf32>
    %slice3A_7 = vector.extract_strided_slice %get3A_1 {offsets = [0, 1], sizes = [1280, 1], strides = [1, 1]} : vector<1280x16xf32> to vector<1280x1xf32>
    %sub3A_8 = arith.subf %slice3A_6, %slice3A_7 : vector<1280x1xf32>
    %slice3A_9 = vector.extract_strided_slice %get3A_4 {offsets = [0, 2], sizes = [1280, 1], strides = [1, 1]} : vector<1280x16xf32> to vector<1280x1xf32>
    %slice3A_10 = vector.extract_strided_slice %get3A_1 {offsets = [0, 2], sizes = [1280, 1], strides = [1, 1]} : vector<1280x16xf32> to vector<1280x1xf32>
    %sub3A_11 = arith.subf %slice3A_9, %slice3A_10 : vector<1280x1xf32>
    %mul3A = arith.mulf %sub3A, %sub3A : vector<1280x1xf32>
    %mul3A_12 = arith.mulf %sub3A_8, %sub3A_8 : vector<1280x1xf32>
    %add3A = arith.addf %mul3A, %mul3A_12 : vector<1280x1xf32>
    %mul3A_13 = arith.mulf %sub3A_11, %sub3A_11 : vector<1280x1xf32>
    %add3A_14 = arith.addf %add3A, %mul3A_13 : vector<1280x1xf32>
    %add3A_15 = arith.constant 9.99999993E-9 : f32
    %add3A_16 = vector.broadcast %add3A_15 : f32 to vector<1280x1xf32>
    %add3A_17 = arith.addf %add3A_14, %add3A_16 : vector<1280x1xf32>
    %sqrt3A = math.sqrt %add3A_17 : vector<1280x1xf32>
    %div3A = arith.constant 1.000000e+00 : f32
    %div3A_18 = vector.broadcast %div3A : f32 to vector<1280x1xf32>
    %div3A_19 = arith.divf %div3A_18, %sqrt3A : vector<1280x1xf32>
    %mul3A_20 = arith.constant 0.166666672 : f32
    %mul3A_21 = vector.broadcast %mul3A_20 : f32 to vector<1280x1xf32>
    %mul3A_22 = arith.mulf %sqrt3A, %mul3A_21 : vector<1280x1xf32>
    %jit3A = arith.constant 0.000000e+00 : f32
    %jit3A_23 = arith.constant 1.000000e+00 : f32
    %max3A = vector.broadcast %jit3A : f32 to vector<1280x1xf32>
    %max3A_24 = arith.maximumf %max3A, %mul3A_22 : vector<1280x1xf32>
    %min3A = vector.broadcast %jit3A_23 : f32 to vector<1280x1xf32>
    %min3A_25 = arith.minimumf %min3A, %max3A_24 : vector<1280x1xf32>
    %mul3A_26 = arith.mulf %min3A_25, %min3A_25 : vector<1280x1xf32>
    %mul3A_27 = arith.mulf %mul3A_26, %mul3A_26 : vector<1280x1xf32>
    %mul3A_28 = arith.mulf %mul3A_27, %mul3A_26 : vector<1280x1xf32>
    %mul3A_29 = arith.mulf %mul3A_28, %min3A_25 : vector<1280x1xf32>
    %mul3A_30 = arith.mulf %mul3A_29, %min3A_25 : vector<1280x1xf32>
    %mul3A_31 = arith.constant 2.800000e+01 : f32
    %mul3A_32 = vector.broadcast %mul3A_31 : f32 to vector<1280x1xf32>
    %mul3A_33 = arith.mulf %mul3A_32, %mul3A_28 : vector<1280x1xf32>
    %sub3A_34 = arith.constant 1.000000e+00 : f32
    %sub3A_35 = vector.broadcast %sub3A_34 : f32 to vector<1280x1xf32>
    %sub3A_36 = arith.subf %sub3A_35, %mul3A_33 : vector<1280x1xf32>
    %mul3A_37 = arith.constant 4.800000e+01 : f32
    %mul3A_38 = vector.broadcast %mul3A_37 : f32 to vector<1280x1xf32>
    %mul3A_39 = arith.mulf %mul3A_38, %mul3A_29 : vector<1280x1xf32>
    %add3A_40 = arith.addf %sub3A_36, %mul3A_39 : vector<1280x1xf32>
    %mul3A_41 = arith.constant 2.100000e+01 : f32
    %mul3A_42 = vector.broadcast %mul3A_41 : f32 to vector<1280x1xf32>
    %mul3A_43 = arith.mulf %mul3A_42, %mul3A_30 : vector<1280x1xf32>
    %sub3A_44 = arith.subf %add3A_40, %mul3A_43 : vector<1280x1xf32>
    %iota3A = tpu.iota {dimensions = array<i32: 1>} : vector<1x8xi32>
    %add3A_45 = arith.constant 1 : i32
    %add3A_46 = vector.broadcast %add3A_45 : i32 to vector<1x8xi32>
    %add3A_47 = arith.addi %iota3A, %add3A_46 : vector<1x8xi32>
    %convert_element_type3A = arith.sitofp %add3A_47 : vector<1x8xi32> to vector<1x8xf32>
    %mul3A_48 = arith.constant 0.52359879 : f32
    %mul3A_49 = vector.broadcast %mul3A_48 : f32 to vector<1x8xf32>
    %mul3A_50 = arith.mulf %convert_element_type3A, %mul3A_49 : vector<1x8xf32>
    %mul3A_51 = vector.broadcast %sqrt3A : vector<1280x1xf32> to vector<1280x8xf32>
    %mul3A_52 = vector.broadcast %mul3A_50 : vector<1x8xf32> to vector<1280x8xf32>
    %mul3A_53 = arith.mulf %mul3A_51, %mul3A_52 : vector<1280x8xf32>
    %sin3A = math.sin %mul3A_53 : vector<1280x8xf32>
    %mul3A_54 = arith.constant 0.577350259 : f32
    %mul3A_55 = vector.broadcast %mul3A_54 : f32 to vector<1280x1xf32>
    %mul3A_56 = arith.mulf %mul3A_55, %div3A_19 : vector<1280x1xf32>
    %mul3A_57 = vector.broadcast %mul3A_56 : vector<1280x1xf32> to vector<1280x8xf32>
    %mul3A_58 = arith.mulf %sin3A, %mul3A_57 : vector<1280x8xf32>
    %mul3A_59 = vector.broadcast %sub3A_44 : vector<1280x1xf32> to vector<1280x8xf32>
    %mul3A_60 = arith.mulf %mul3A_58, %mul3A_59 : vector<1280x8xf32>
    %slice3A_61 = vector.extract_strided_slice %get3A_1 {offsets = [0, 3], sizes = [1280, 1], strides = [1, 1]} : vector<1280x16xf32> to vector<1280x1xf32>
    %convert_element_type3A_62 = arith.fptosi %slice3A_61 : vector<1280x1xf32> to vector<1280x1xi32>
    %iota3A_63 = tpu.iota {dimensions = array<i32: 1>} : vector<1280x16xi32>
    %eq3A = vector.broadcast %convert_element_type3A_62 : vector<1280x1xi32> to vector<1280x16xi32>
    %eq3A_64 = arith.cmpi eq, %eq3A, %iota3A_63 : vector<1280x16xi32>
    %convert_element_type3A_65 = arith.extui %eq3A_64 : vector<1280x16xi1> to vector<1280x16xi32>
    %convert_element_type3A_66 = arith.sitofp %convert_element_type3A_65 : vector<1280x16xi32> to vector<1280x16xf32>
    %slice3A_67 = vector.extract_strided_slice %get3A_4 {offsets = [0, 3], sizes = [1280, 1], strides = [1, 1]} : vector<1280x16xf32> to vector<1280x1xf32>
    %convert_element_type3A_68 = arith.fptosi %slice3A_67 : vector<1280x1xf32> to vector<1280x1xi32>
    %iota3A_69 = tpu.iota {dimensions = array<i32: 1>} : vector<1280x16xi32>
    %eq3A_70 = vector.broadcast %convert_element_type3A_68 : vector<1280x1xi32> to vector<1280x16xi32>
    %eq3A_71 = arith.cmpi eq, %eq3A_70, %iota3A_69 : vector<1280x16xi32>
    %convert_element_type3A_72 = arith.extui %eq3A_71 : vector<1280x16xi1> to vector<1280x16xi32>
    %convert_element_type3A_73 = arith.sitofp %convert_element_type3A_72 : vector<1280x16xi32> to vector<1280x16xf32>
    %get3A_74 = arith.constant 0 : index
    %get3A_75 = arith.constant 0 : index
    %get3A_76 = vector.load %arg4[%get3A_74, %get3A_75] : memref<16x32xf32, #tpu.memory_space<vmem>>, vector<16x32xf32>
    %dot_general3A = arith.constant dense<0.000000e+00> : vector<1280x32xf32>
    %dot_general3A_77 = tpu.matmul %convert_element_type3A_66, %get3A_76, %dot_general3A {dimension_numbers = #tpu.dot_dimension_numbers<[1], [0], [0], [1], [0, 0, 1, 1], [], []>, precision = #tpu.contract_precision<fp32>, transpose_lhs_hint = false} : vector<1280x16xf32>, vector<16x32xf32>, vector<1280x32xf32> -> vector<1280x32xf32>
    %get3A_78 = arith.constant 0 : index
    %get3A_79 = arith.constant 0 : index
    %get3A_80 = vector.load %arg4[%get3A_78, %get3A_79] : memref<16x32xf32, #tpu.memory_space<vmem>>, vector<16x32xf32>
    %dot_general3A_81 = arith.constant dense<0.000000e+00> : vector<1280x32xf32>
    %dot_general3A_82 = tpu.matmul %convert_element_type3A_73, %get3A_80, %dot_general3A_81 {dimension_numbers = #tpu.dot_dimension_numbers<[1], [0], [0], [1], [0, 0, 1, 1], [], []>, precision = #tpu.contract_precision<fp32>, transpose_lhs_hint = false} : vector<1280x16xf32>, vector<16x32xf32>, vector<1280x32xf32> -> vector<1280x32xf32>
    %concatenate3A = tpu.concatenate %dot_general3A_77, %dot_general3A_82, %mul3A_60 in 1 : vector<1280x32xf32>, vector<1280x32xf32>, vector<1280x8xf32> -> vector<1280x72xf32>
    %get3A_83 = arith.constant 0 : index
    %get3A_84 = arith.constant 0 : index
    %get3A_85 = vector.load %arg3[%get3A_83, %get3A_84] : memref<72x128xf32, #tpu.memory_space<vmem>>, vector<72x128xf32>
    %dot_general3A_86 = arith.constant dense<0.000000e+00> : vector<1280x128xf32>
    %dot_general3A_87 = tpu.matmul %concatenate3A, %get3A_85, %dot_general3A_86 {dimension_numbers = #tpu.dot_dimension_numbers<[1], [0], [0], [1], [0, 0, 1, 1], [], []>, transpose_lhs_hint = false} : vector<1280x72xf32>, vector<72x128xf32>, vector<1280x128xf32> -> vector<1280x128xf32>
    %get3A_88 = arith.constant 0 : index
    %get3A_89 = arith.constant 0 : index
    %get3A_90 = vector.load %arg5[%get3A_88, %get3A_89] : memref<1x128xf32, #tpu.memory_space<vmem>>, vector<1x128xf32>
    %add3A_91 = vector.broadcast %get3A_90 : vector<1x128xf32> to vector<1280x128xf32>
    %add3A_92 = arith.addf %dot_general3A_87, %add3A_91 : vector<1280x128xf32>
    %neg3A = arith.constant 0.000000e+00 : f32
    %neg3A_93 = vector.broadcast %neg3A : f32 to vector<1280x128xf32>
    %neg3A_94 = arith.subf %neg3A_93, %add3A_92 : vector<1280x128xf32>
    %exp3A = math.exp %neg3A_94 : vector<1280x128xf32>
    %add3A_95 = arith.constant 1.000000e+00 : f32
    %add3A_96 = vector.broadcast %add3A_95 : f32 to vector<1280x128xf32>
    %add3A_97 = arith.addf %add3A_96, %exp3A : vector<1280x128xf32>
    %div3A_98 = arith.constant 1.000000e+00 : f32
    %div3A_99 = vector.broadcast %div3A_98 : f32 to vector<1280x128xf32>
    %div3A_100 = arith.divf %div3A_99, %add3A_97 : vector<1280x128xf32>
    %mul3A_101 = arith.mulf %add3A_92, %div3A_100 : vector<1280x128xf32>
    %get3A_102 = arith.constant 0 : index
    %get3A_103 = arith.constant 0 : index
    %get3A_104 = vector.load %arg6[%get3A_102, %get3A_103] : memref<128x128xf32, #tpu.memory_space<vmem>>, vector<128x128xf32>
    %dot_general3A_105 = arith.constant dense<0.000000e+00> : vector<1280x128xf32>
    %dot_general3A_106 = tpu.matmul %mul3A_101, %get3A_104, %dot_general3A_105 {dimension_numbers = #tpu.dot_dimension_numbers<[1], [0], [0], [1], [0, 0, 1, 1], [], []>, transpose_lhs_hint = false} : vector<1280x128xf32>, vector<128x128xf32>, vector<1280x128xf32> -> vector<1280x128xf32>
    %neg3A_107 = arith.constant 0.000000e+00 : f32
    %neg3A_108 = vector.broadcast %neg3A_107 : f32 to vector<1280x128xf32>
    %neg3A_109 = arith.subf %neg3A_108, %dot_general3A_106 : vector<1280x128xf32>
    %exp3A_110 = math.exp %neg3A_109 : vector<1280x128xf32>
    %add3A_111 = arith.constant 1.000000e+00 : f32
    %add3A_112 = vector.broadcast %add3A_111 : f32 to vector<1280x128xf32>
    %add3A_113 = arith.addf %add3A_112, %exp3A_110 : vector<1280x128xf32>
    %div3A_114 = arith.constant 1.000000e+00 : f32
    %div3A_115 = vector.broadcast %div3A_114 : f32 to vector<1280x128xf32>
    %div3A_116 = arith.divf %div3A_115, %add3A_113 : vector<1280x128xf32>
    %mul3A_117 = arith.mulf %dot_general3A_106, %div3A_116 : vector<1280x128xf32>
    %get3A_118 = arith.constant 0 : index
    %get3A_119 = arith.constant 0 : index
    %get3A_120 = vector.load %arg7[%get3A_118, %get3A_119] : memref<128x128xf32, #tpu.memory_space<vmem>>, vector<128x128xf32>
    %dot_general3A_121 = arith.constant dense<0.000000e+00> : vector<1280x128xf32>
    %dot_general3A_122 = tpu.matmul %mul3A_117, %get3A_120, %dot_general3A_121 {dimension_numbers = #tpu.dot_dimension_numbers<[1], [0], [0], [1], [0, 0, 1, 1], [], []>, transpose_lhs_hint = false} : vector<1280x128xf32>, vector<128x128xf32>, vector<1280x128xf32> -> vector<1280x128xf32>
    %neg3A_123 = arith.constant 0.000000e+00 : f32
    %neg3A_124 = vector.broadcast %neg3A_123 : f32 to vector<1280x128xf32>
    %neg3A_125 = arith.subf %neg3A_124, %dot_general3A_122 : vector<1280x128xf32>
    %exp3A_126 = math.exp %neg3A_125 : vector<1280x128xf32>
    %add3A_127 = arith.constant 1.000000e+00 : f32
    %add3A_128 = vector.broadcast %add3A_127 : f32 to vector<1280x128xf32>
    %add3A_129 = arith.addf %add3A_128, %exp3A_126 : vector<1280x128xf32>
    %div3A_130 = arith.constant 1.000000e+00 : f32
    %div3A_131 = vector.broadcast %div3A_130 : f32 to vector<1280x128xf32>
    %div3A_132 = arith.divf %div3A_131, %add3A_129 : vector<1280x128xf32>
    %mul3A_133 = arith.mulf %dot_general3A_122, %div3A_132 : vector<1280x128xf32>
    %get3A_134 = arith.constant 0 : index
    %get3A_135 = arith.constant 0 : index
    %get3A_136 = vector.load %arg8[%get3A_134, %get3A_135] : memref<128x32xf32, #tpu.memory_space<vmem>>, vector<128x32xf32>
    %dot_general3A_137 = arith.constant dense<0.000000e+00> : vector<1280x32xf32>
    %dot_general3A_138 = tpu.matmul %mul3A_133, %get3A_136, %dot_general3A_137 {dimension_numbers = #tpu.dot_dimension_numbers<[1], [0], [0], [1], [0, 0, 1, 1], [], []>, transpose_lhs_hint = false} : vector<1280x128xf32>, vector<128x32xf32>, vector<1280x32xf32> -> vector<1280x32xf32>
    %get3A_139 = arith.constant 0 : index
    %get3A_140 = arith.constant 0 : index
    %get3A_141 = vector.load %arg9[%get3A_139, %get3A_140] : memref<128x32xf32, #tpu.memory_space<vmem>>, vector<128x32xf32>
    %dot_general3A_142 = arith.constant dense<0.000000e+00> : vector<1280x32xf32>
    %dot_general3A_143 = tpu.matmul %mul3A_133, %get3A_141, %dot_general3A_142 {dimension_numbers = #tpu.dot_dimension_numbers<[1], [0], [0], [1], [0, 0, 1, 1], [], []>, transpose_lhs_hint = false} : vector<1280x128xf32>, vector<128x32xf32>, vector<1280x32xf32> -> vector<1280x32xf32>
    %mul3A_144 = arith.mulf %sub3A, %div3A_19 : vector<1280x1xf32>
    %mul3A_145 = vector.broadcast %mul3A_144 : vector<1280x1xf32> to vector<1280x32xf32>
    %mul3A_146 = arith.mulf %dot_general3A_138, %mul3A_145 : vector<1280x32xf32>
    %mul3A_147 = arith.mulf %sub3A_8, %div3A_19 : vector<1280x1xf32>
    %mul3A_148 = vector.broadcast %mul3A_147 : vector<1280x1xf32> to vector<1280x32xf32>
    %mul3A_149 = arith.mulf %dot_general3A_138, %mul3A_148 : vector<1280x32xf32>
    %mul3A_150 = arith.mulf %sub3A_11, %div3A_19 : vector<1280x1xf32>
    %mul3A_151 = vector.broadcast %mul3A_150 : vector<1280x1xf32> to vector<1280x32xf32>
    %mul3A_152 = arith.mulf %dot_general3A_138, %mul3A_151 : vector<1280x32xf32>
    %concatenate3A_153 = tpu.concatenate %dot_general3A_138, %mul3A_146, %mul3A_149, %mul3A_152 in 1 : vector<1280x32xf32>, vector<1280x32xf32>, vector<1280x32xf32>, vector<1280x32xf32> -> vector<1280x128xf32>
    %concatenate3A_154 = tpu.concatenate %dot_general3A_143, %dot_general3A_143, %dot_general3A_143, %dot_general3A_143 in 1 : vector<1280x32xf32>, vector<1280x32xf32>, vector<1280x32xf32>, vector<1280x32xf32> -> vector<1280x128xf32>
    %mul3A_155 = arith.mulf %concatenate3A_154, %concatenate3A_153 : vector<1280x128xf32>
    %mul3A_156 = arith.constant 3.125000e-02 : f32
    %mul3A_157 = vector.broadcast %mul3A_156 : f32 to vector<1280x128xf32>
    %mul3A_158 = arith.mulf %mul3A_155, %mul3A_157 : vector<1280x128xf32>
    %swap3A = arith.constant 0 : index
    %swap3A_159 = arith.constant 0 : index
    %swap3A_160 = vector.load %arg10[%swap3A, %swap3A_159] : memref<1280x128xf32, #tpu.memory_space<vmem>>, vector<1280x128xf32>
    tpu.vector_store %arg10[%swap3A, %swap3A_159], %mul3A_133 {strides = array<i32>} : memref<1280x128xf32, #tpu.memory_space<vmem>>, vector<1280x128xf32>,
    %swap3A_161 = arith.constant 0 : index
    %swap3A_162 = arith.constant 0 : index
    %swap3A_163 = vector.load %arg11[%swap3A_161, %swap3A_162] : memref<1280x128xf32, #tpu.memory_space<vmem>>, vector<1280x128xf32>
    tpu.vector_store %arg11[%swap3A_161, %swap3A_162], %concatenate3A_153 {strides = array<i32>} : memref<1280x128xf32, #tpu.memory_space<vmem>>, vector<1280x128xf32>,
    %swap3A_164 = arith.constant 0 : index
    %swap3A_165 = arith.constant 0 : index
    %swap3A_166 = vector.load %arg12[%swap3A_164, %swap3A_165] : memref<1280x128xf32, #tpu.memory_space<vmem>>, vector<1280x128xf32>
    tpu.vector_store %arg12[%swap3A_164, %swap3A_165], %mul3A_158 {strides = array<i32>} : memref<1280x128xf32, #tpu.memory_space<vmem>>, vector<1280x128xf32>,
    %broadcast_in_dim3A = arith.constant 0.000000e+00 : f32
    %broadcast_in_dim3A_167 = vector.broadcast %broadcast_in_dim3A : f32 to vector<1280x8xf32>
    %add3A_168 = vector.broadcast %sub3A_44 : vector<1280x1xf32> to vector<1280x8xf32>
    %add3A_169 = arith.addf %add3A_168, %broadcast_in_dim3A_167 : vector<1280x8xf32>
    %swap3A_170 = arith.constant 0 : index
    %swap3A_171 = arith.constant 0 : index
    %swap3A_172 = vector.load %arg13[%swap3A_170, %swap3A_171] : memref<1280x8xf32, #tpu.memory_space<vmem>>, vector<1280x8xf32>
    tpu.vector_store %arg13[%swap3A_170, %swap3A_171], %add3A_169 {strides = array<i32>} : memref<1280x8xf32, #tpu.memory_space<vmem>>, vector<1280x8xf32>,
    return
  }
  func.func @transform_0(%arg0: i32) -> (i32, i32) {
    %c0_i32 = arith.constant 0 : i32
    %c0_i32_0 = arith.constant 0 : i32
    return %arg0, %c0_i32 : i32, i32
  }
  func.func @transform_1(%arg0: i32) -> (i32, i32) {
    %c0_i32 = arith.constant 0 : i32
    %c0_i32_0 = arith.constant 0 : i32
    return %arg0, %c0_i32 : i32, i32
  }
  func.func @transform_2(%arg0: i32) -> (i32, i32) {
    %c0_i32 = arith.constant 0 : i32
    %c0_i32_0 = arith.constant 0 : i32
    %c0_i32_1 = arith.constant 0 : i32
    return %c0_i32, %c0_i32_0 : i32, i32
  }
  func.func @transform_3(%arg0: i32) -> (i32, i32) {
    %c0_i32 = arith.constant 0 : i32
    %c0_i32_0 = arith.constant 0 : i32
    %c0_i32_1 = arith.constant 0 : i32
    return %c0_i32, %c0_i32_0 : i32, i32
  }
  func.func @transform_4(%arg0: i32) -> (i32, i32) {
    %c0_i32 = arith.constant 0 : i32
    %c0_i32_0 = arith.constant 0 : i32
    %c0_i32_1 = arith.constant 0 : i32
    return %c0_i32, %c0_i32_0 : i32, i32
  }
  func.func @transform_5(%arg0: i32) -> (i32, i32) {
    %c0_i32 = arith.constant 0 : i32
    %c0_i32_0 = arith.constant 0 : i32
    %c0_i32_1 = arith.constant 0 : i32
    return %c0_i32, %c0_i32_0 : i32, i32
  }
  func.func @transform_6(%arg0: i32) -> (i32, i32) {
    %c0_i32 = arith.constant 0 : i32
    %c0_i32_0 = arith.constant 0 : i32
    %c0_i32_1 = arith.constant 0 : i32
    return %c0_i32, %c0_i32_0 : i32, i32
  }
  func.func @transform_7(%arg0: i32) -> (i32, i32) {
    %c0_i32 = arith.constant 0 : i32
    %c0_i32_0 = arith.constant 0 : i32
    %c0_i32_1 = arith.constant 0 : i32
    return %c0_i32, %c0_i32_0 : i32, i32
  }
  func.func @transform_8(%arg0: i32) -> (i32, i32) {
    %c0_i32 = arith.constant 0 : i32
    %c0_i32_0 = arith.constant 0 : i32
    %c0_i32_1 = arith.constant 0 : i32
    return %c0_i32, %c0_i32_0 : i32, i32
  }
  func.func @transform_9(%arg0: i32) -> (i32, i32) {
    %c0_i32 = arith.constant 0 : i32
    %c0_i32_0 = arith.constant 0 : i32
    return %arg0, %c0_i32 : i32, i32
  }
  func.func @transform_10(%arg0: i32) -> (i32, i32) {
    %c0_i32 = arith.constant 0 : i32
    %c0_i32_0 = arith.constant 0 : i32
    return %arg0, %c0_i32 : i32, i32
  }
  func.func @transform_11(%arg0: i32) -> (i32, i32) {
    %c0_i32 = arith.constant 0 : i32
    %c0_i32_0 = arith.constant 0 : i32
    return %arg0, %c0_i32 : i32, i32
  }
  func.func @transform_12(%arg0: i32) -> (i32, i32) {
    %c0_i32 = arith.constant 0 : i32
    %c0_i32_0 = arith.constant 0 : i32
    return %arg0, %c0_i32 : i32, i32
  }
}

module attributes {stable_mosaic.version = 14 : i64} {
  func.func @_stage_b(%arg0: i32, %arg1: memref<1280x128xf32, #tpu.memory_space<vmem>>, %arg2: memref<1280x128xf32, #tpu.memory_space<vmem>>, %arg3: memref<1280x128xf32, #tpu.memory_space<vmem>>, %arg4: memref<160x128xf32, #tpu.memory_space<vmem>>, %arg5: memref<128x32xf32, #tpu.memory_space<vmem>>, %arg6: memref<128x32xf32, #tpu.memory_space<vmem>>, %arg7: memref<1280x128xf32, #tpu.memory_space<vmem>>, %arg8: memref<1280x128xf32, #tpu.memory_space<vmem>>, %arg9: memref<1280x128xf32, #tpu.memory_space<vmem>>) attributes {dimension_semantics = [#tpu.dimension_semantics<arbitrary>], iteration_bounds = array<i64: 256>, scalar_prefetch = 0 : i64, scratch_operands = 0 : i64, tpu.core_type = #tpu.core_type<tc>, window_params = [{transform_indices = @transform_0, window_bounds = array<i64: 1280, 128>}, {transform_indices = @transform_1, window_bounds = array<i64: 1280, 128>}, {transform_indices = @transform_2, window_bounds = array<i64: 1280, 128>}, {pipeline_mode = #tpu.pipeline_mode<synchronous>, transform_indices = @transform_3, window_bounds = array<i64: 160, 128>}, {pipeline_mode = #tpu.pipeline_mode<synchronous>, transform_indices = @transform_4, window_bounds = array<i64: 128, 32>}, {pipeline_mode = #tpu.pipeline_mode<synchronous>, transform_indices = @transform_5, window_bounds = array<i64: 128, 32>}, {transform_indices = @transform_6, window_bounds = array<i64: 1280, 128>}, {transform_indices = @transform_7, window_bounds = array<i64: 1280, 128>}, {transform_indices = @transform_8, window_bounds = array<i64: 1280, 128>}]} {
    %get3A = arith.constant 0 : index
    %get3A_0 = arith.constant 0 : index
    %get3A_1 = vector.load %arg1[%get3A, %get3A_0] : memref<1280x128xf32, #tpu.memory_space<vmem>>, vector<1280x128xf32>
    %get3A_2 = arith.constant 0 : index
    %get3A_3 = arith.constant 0 : index
    %get3A_4 = vector.load %arg2[%get3A_2, %get3A_3] : memref<1280x128xf32, #tpu.memory_space<vmem>>, vector<1280x128xf32>
    %get3A_5 = arith.constant 0 : index
    %get3A_6 = arith.constant 0 : index
    %get3A_7 = vector.load %arg3[%get3A_5, %get3A_6] : memref<1280x128xf32, #tpu.memory_space<vmem>>, vector<1280x128xf32>
    %mul3A = arith.mulf %get3A_4, %get3A_7 : vector<1280x128xf32>
    %slice3A = vector.extract_strided_slice %mul3A {offsets = [0, 0], sizes = [1280, 32], strides = [1, 1]} : vector<1280x128xf32> to vector<1280x32xf32>
    %slice3A_8 = vector.extract_strided_slice %mul3A {offsets = [0, 32], sizes = [1280, 32], strides = [1, 1]} : vector<1280x128xf32> to vector<1280x32xf32>
    %add3A = arith.addf %slice3A, %slice3A_8 : vector<1280x32xf32>
    %slice3A_9 = vector.extract_strided_slice %mul3A {offsets = [0, 64], sizes = [1280, 32], strides = [1, 1]} : vector<1280x128xf32> to vector<1280x32xf32>
    %add3A_10 = arith.addf %add3A, %slice3A_9 : vector<1280x32xf32>
    %slice3A_11 = vector.extract_strided_slice %mul3A {offsets = [0, 96], sizes = [1280, 32], strides = [1, 1]} : vector<1280x128xf32> to vector<1280x32xf32>
    %add3A_12 = arith.addf %add3A_10, %slice3A_11 : vector<1280x32xf32>
    %concatenate3A = tpu.concatenate %get3A_1, %add3A_12 in 1 : vector<1280x128xf32>, vector<1280x32xf32> -> vector<1280x160xf32>
    %get3A_13 = arith.constant 0 : index
    %get3A_14 = arith.constant 0 : index
    %get3A_15 = vector.load %arg4[%get3A_13, %get3A_14] : memref<160x128xf32, #tpu.memory_space<vmem>>, vector<160x128xf32>
    %dot_general3A = arith.constant dense<0.000000e+00> : vector<1280x128xf32>
    %dot_general3A_16 = tpu.matmul %concatenate3A, %get3A_15, %dot_general3A {dimension_numbers = #tpu.dot_dimension_numbers<[1], [0], [0], [1], [0, 0, 1, 1], [], []>, transpose_lhs_hint = false} : vector<1280x160xf32>, vector<160x128xf32>, vector<1280x128xf32> -> vector<1280x128xf32>
    %neg3A = arith.constant 0.000000e+00 : f32
    %neg3A_17 = vector.broadcast %neg3A : f32 to vector<1280x128xf32>
    %neg3A_18 = arith.subf %neg3A_17, %dot_general3A_16 : vector<1280x128xf32>
    %exp3A = math.exp %neg3A_18 : vector<1280x128xf32>
    %add3A_19 = arith.constant 1.000000e+00 : f32
    %add3A_20 = vector.broadcast %add3A_19 : f32 to vector<1280x128xf32>
    %add3A_21 = arith.addf %add3A_20, %exp3A : vector<1280x128xf32>
    %div3A = arith.constant 1.000000e+00 : f32
    %div3A_22 = vector.broadcast %div3A : f32 to vector<1280x128xf32>
    %div3A_23 = arith.divf %div3A_22, %add3A_21 : vector<1280x128xf32>
    %mul3A_24 = arith.mulf %dot_general3A_16, %div3A_23 : vector<1280x128xf32>
    %add3A_25 = arith.addf %get3A_1, %mul3A_24 : vector<1280x128xf32>
    %get3A_26 = arith.constant 0 : index
    %get3A_27 = arith.constant 0 : index
    %get3A_28 = vector.load %arg5[%get3A_26, %get3A_27] : memref<128x32xf32, #tpu.memory_space<vmem>>, vector<128x32xf32>
    %dot_general3A_29 = arith.constant dense<0.000000e+00> : vector<1280x32xf32>
    %dot_general3A_30 = tpu.matmul %add3A_25, %get3A_28, %dot_general3A_29 {dimension_numbers = #tpu.dot_dimension_numbers<[1], [0], [0], [1], [0, 0, 1, 1], [], []>, transpose_lhs_hint = false} : vector<1280x128xf32>, vector<128x32xf32>, vector<1280x32xf32> -> vector<1280x32xf32>
    %concatenate3A_31 = tpu.concatenate %dot_general3A_30, %dot_general3A_30, %dot_general3A_30, %dot_general3A_30 in 1 : vector<1280x32xf32>, vector<1280x32xf32>, vector<1280x32xf32>, vector<1280x32xf32> -> vector<1280x128xf32>
    %mul3A_32 = arith.mulf %get3A_4, %concatenate3A_31 : vector<1280x128xf32>
    %add3A_33 = arith.addf %mul3A_32, %get3A_7 : vector<1280x128xf32>
    %get3A_34 = arith.constant 0 : index
    %get3A_35 = arith.constant 0 : index
    %get3A_36 = vector.load %arg6[%get3A_34, %get3A_35] : memref<128x32xf32, #tpu.memory_space<vmem>>, vector<128x32xf32>
    %dot_general3A_37 = arith.constant dense<0.000000e+00> : vector<1280x32xf32>
    %dot_general3A_38 = tpu.matmul %add3A_25, %get3A_36, %dot_general3A_37 {dimension_numbers = #tpu.dot_dimension_numbers<[1], [0], [0], [1], [0, 0, 1, 1], [], []>, transpose_lhs_hint = false} : vector<1280x128xf32>, vector<128x32xf32>, vector<1280x32xf32> -> vector<1280x32xf32>
    %concatenate3A_39 = tpu.concatenate %dot_general3A_38, %dot_general3A_38, %dot_general3A_38, %dot_general3A_38 in 1 : vector<1280x32xf32>, vector<1280x32xf32>, vector<1280x32xf32>, vector<1280x32xf32> -> vector<1280x128xf32>
    %mul3A_40 = arith.mulf %concatenate3A_39, %add3A_33 : vector<1280x128xf32>
    %mul3A_41 = arith.constant 3.125000e-02 : f32
    %mul3A_42 = vector.broadcast %mul3A_41 : f32 to vector<1280x128xf32>
    %mul3A_43 = arith.mulf %mul3A_40, %mul3A_42 : vector<1280x128xf32>
    %swap3A = arith.constant 0 : index
    %swap3A_44 = arith.constant 0 : index
    %swap3A_45 = vector.load %arg7[%swap3A, %swap3A_44] : memref<1280x128xf32, #tpu.memory_space<vmem>>, vector<1280x128xf32>
    tpu.vector_store %arg7[%swap3A, %swap3A_44], %add3A_25 {strides = array<i32>} : memref<1280x128xf32, #tpu.memory_space<vmem>>, vector<1280x128xf32>,
    %swap3A_46 = arith.constant 0 : index
    %swap3A_47 = arith.constant 0 : index
    %swap3A_48 = vector.load %arg8[%swap3A_46, %swap3A_47] : memref<1280x128xf32, #tpu.memory_space<vmem>>, vector<1280x128xf32>
    tpu.vector_store %arg8[%swap3A_46, %swap3A_47], %add3A_33 {strides = array<i32>} : memref<1280x128xf32, #tpu.memory_space<vmem>>, vector<1280x128xf32>,
    %swap3A_49 = arith.constant 0 : index
    %swap3A_50 = arith.constant 0 : index
    %swap3A_51 = vector.load %arg9[%swap3A_49, %swap3A_50] : memref<1280x128xf32, #tpu.memory_space<vmem>>, vector<1280x128xf32>
    tpu.vector_store %arg9[%swap3A_49, %swap3A_50], %mul3A_43 {strides = array<i32>} : memref<1280x128xf32, #tpu.memory_space<vmem>>, vector<1280x128xf32>,
    return
  }
  func.func @transform_0(%arg0: i32) -> (i32, i32) {
    %c0_i32 = arith.constant 0 : i32
    %c0_i32_0 = arith.constant 0 : i32
    return %arg0, %c0_i32 : i32, i32
  }
  func.func @transform_1(%arg0: i32) -> (i32, i32) {
    %c0_i32 = arith.constant 0 : i32
    %c0_i32_0 = arith.constant 0 : i32
    return %arg0, %c0_i32 : i32, i32
  }
  func.func @transform_2(%arg0: i32) -> (i32, i32) {
    %c0_i32 = arith.constant 0 : i32
    %c0_i32_0 = arith.constant 0 : i32
    return %arg0, %c0_i32 : i32, i32
  }
  func.func @transform_3(%arg0: i32) -> (i32, i32) {
    %c0_i32 = arith.constant 0 : i32
    %c0_i32_0 = arith.constant 0 : i32
    %c0_i32_1 = arith.constant 0 : i32
    return %c0_i32, %c0_i32_0 : i32, i32
  }
  func.func @transform_4(%arg0: i32) -> (i32, i32) {
    %c0_i32 = arith.constant 0 : i32
    %c0_i32_0 = arith.constant 0 : i32
    %c0_i32_1 = arith.constant 0 : i32
    return %c0_i32, %c0_i32_0 : i32, i32
  }
  func.func @transform_5(%arg0: i32) -> (i32, i32) {
    %c0_i32 = arith.constant 0 : i32
    %c0_i32_0 = arith.constant 0 : i32
    %c0_i32_1 = arith.constant 0 : i32
    return %c0_i32, %c0_i32_0 : i32, i32
  }
  func.func @transform_6(%arg0: i32) -> (i32, i32) {
    %c0_i32 = arith.constant 0 : i32
    %c0_i32_0 = arith.constant 0 : i32
    return %arg0, %c0_i32 : i32, i32
  }
  func.func @transform_7(%arg0: i32) -> (i32, i32) {
    %c0_i32 = arith.constant 0 : i32
    %c0_i32_0 = arith.constant 0 : i32
    return %arg0, %c0_i32 : i32, i32
  }
  func.func @transform_8(%arg0: i32) -> (i32, i32) {
    %c0_i32 = arith.constant 0 : i32
    %c0_i32_0 = arith.constant 0 : i32
    return %arg0, %c0_i32 : i32, i32
  }
}

module attributes {stable_mosaic.version = 14 : i64} {
  func.func @_atom_shift(%arg0: i32, %arg1: memref<2048x16xf32, #tpu.memory_space<vmem>>, %arg2: memref<16x1xf32, #tpu.memory_space<vmem>>, %arg3: memref<1x64xf32, #tpu.memory_space<vmem>>) attributes {dimension_semantics = [#tpu.dimension_semantics<arbitrary>], iteration_bounds = array<i64: 5>, scalar_prefetch = 0 : i64, scratch_operands = 0 : i64, tpu.core_type = #tpu.core_type<tc>, window_params = [{transform_indices = @transform_0, window_bounds = array<i64: 2048, 16>}, {pipeline_mode = #tpu.pipeline_mode<synchronous>, transform_indices = @transform_1, window_bounds = array<i64: 16, 1>}, {pipeline_mode = #tpu.pipeline_mode<synchronous>, transform_indices = @transform_2, window_bounds = array<i64: 1, 64>}]} {
    %get3A = arith.constant 0 : index
    %get3A_0 = arith.constant 3 : index
    %get3A_1 = vector.load %arg1[%get3A, %get3A_0] : memref<2048x16xf32, #tpu.memory_space<vmem>>, vector<2048x1xf32>
    %get3A_2 = arith.constant 0 : index
    %get3A_3 = arith.constant 4 : index
    %get3A_4 = vector.load %arg1[%get3A_2, %get3A_3] : memref<2048x16xf32, #tpu.memory_space<vmem>>, vector<2048x1xf32>
    %convert_element_type3A = arith.fptosi %get3A_1 : vector<2048x1xf32> to vector<2048x1xi32>
    %iota3A = tpu.iota {dimensions = array<i32: 1>} : vector<2048x16xi32>
    %eq3A = vector.broadcast %convert_element_type3A : vector<2048x1xi32> to vector<2048x16xi32>
    %eq3A_5 = arith.cmpi eq, %eq3A, %iota3A : vector<2048x16xi32>
    %convert_element_type3A_6 = arith.extui %eq3A_5 : vector<2048x16xi1> to vector<2048x16xi32>
    %convert_element_type3A_7 = arith.sitofp %convert_element_type3A_6 : vector<2048x16xi32> to vector<2048x16xf32>
    %get3A_8 = arith.constant 0 : index
    %get3A_9 = arith.constant 0 : index
    %get3A_10 = vector.load %arg2[%get3A_8, %get3A_9] : memref<16x1xf32, #tpu.memory_space<vmem>>, vector<16x1xf32>
    %dot_general3A = arith.constant dense<0.000000e+00> : vector<2048x1xf32>
    %dot_general3A_11 = tpu.matmul %convert_element_type3A_7, %get3A_10, %dot_general3A {dimension_numbers = #tpu.dot_dimension_numbers<[1], [0], [0], [1], [0, 0, 1, 1], [], []>, precision = #tpu.contract_precision<fp32>, transpose_lhs_hint = false} : vector<2048x16xf32>, vector<16x1xf32>, vector<2048x1xf32> -> vector<2048x1xf32>
    %convert_element_type3A_12 = arith.fptosi %get3A_4 : vector<2048x1xf32> to vector<2048x1xi32>
    %iota3A_13 = tpu.iota {dimensions = array<i32: 1>} : vector<2048x64xi32>
    %eq3A_14 = vector.broadcast %convert_element_type3A_12 : vector<2048x1xi32> to vector<2048x64xi32>
    %eq3A_15 = arith.cmpi eq, %eq3A_14, %iota3A_13 : vector<2048x64xi32>
    %convert_element_type3A_16 = arith.extui %eq3A_15 : vector<2048x64xi1> to vector<2048x64xi32>
    %convert_element_type3A_17 = arith.sitofp %convert_element_type3A_16 : vector<2048x64xi32> to vector<2048x64xf32>
    %dot_general3A_18 = arith.constant dense<0.000000e+00> : vector<64x1xf32>
    %dot_general3A_19 = tpu.matmul %convert_element_type3A_17, %dot_general3A_11, %dot_general3A_18 {dimension_numbers = #tpu.dot_dimension_numbers<[0], [0], [1], [1], [0, 1, 1, 1], [], []>, precision = #tpu.contract_precision<fp32>, transpose_lhs_hint = false} : vector<2048x64xf32>, vector<2048x1xf32>, vector<64x1xf32> -> vector<64x1xf32>
    %eq3A_20 = arith.constant 0 : i32
    %eq3A_21 = arith.cmpi eq, %arg0, %eq3A_20 : i32
    %convert_element_type3A_22 = arith.extui %eq3A_21 : i1 to i32
    %cond3A = arith.constant 0 : i32
    %cond3A_23 = arith.cmpi ne, %convert_element_type3A_22, %cond3A : i32
    scf.if %cond3A_23 {
      %broadcast_in_dim3A = arith.constant 0.000000e+00 : f32
      %broadcast_in_dim3A_29 = vector.broadcast %broadcast_in_dim3A : f32 to vector<1x64xf32>
      %swap3A_30 = arith.constant 0 : index
      %swap3A_31 = arith.constant 0 : index
      %swap3A_32 = vector.load %arg3[%swap3A_30, %swap3A_31] : memref<1x64xf32, #tpu.memory_space<vmem>>, vector<1x64xf32>
      tpu.vector_store %arg3[%swap3A_30, %swap3A_31], %broadcast_in_dim3A_29 {strides = array<i32>} : memref<1x64xf32, #tpu.memory_space<vmem>>, vector<1x64xf32>,
    } else {
    }
    %get3A_24 = arith.constant 0 : index
    %get3A_25 = arith.constant 0 : index
    %get3A_26 = vector.load %arg3[%get3A_24, %get3A_25] : memref<1x64xf32, #tpu.memory_space<vmem>>, vector<1x64xf32>
    %reshape3A = vector.shape_cast %dot_general3A_19 : vector<64x1xf32> to vector<1x64xf32>
    %add3A = arith.addf %get3A_26, %reshape3A : vector<1x64xf32>
    %swap3A = arith.constant 0 : index
    %swap3A_27 = arith.constant 0 : index
    %swap3A_28 = vector.load %arg3[%swap3A, %swap3A_27] : memref<1x64xf32, #tpu.memory_space<vmem>>, vector<1x64xf32>
    tpu.vector_store %arg3[%swap3A, %swap3A_27], %add3A {strides = array<i32>} : memref<1x64xf32, #tpu.memory_space<vmem>>, vector<1x64xf32>,
    return
  }
  func.func @transform_0(%arg0: i32) -> (i32, i32) {
    %c0_i32 = arith.constant 0 : i32
    %c0_i32_0 = arith.constant 0 : i32
    return %arg0, %c0_i32 : i32, i32
  }
  func.func @transform_1(%arg0: i32) -> (i32, i32) {
    %c0_i32 = arith.constant 0 : i32
    %c0_i32_0 = arith.constant 0 : i32
    %c0_i32_1 = arith.constant 0 : i32
    return %c0_i32, %c0_i32_0 : i32, i32
  }
  func.func @transform_2(%arg0: i32) -> (i32, i32) {
    %c0_i32 = arith.constant 0 : i32
    %c0_i32_0 = arith.constant 0 : i32
    %c0_i32_1 = arith.constant 0 : i32
    return %c0_i32, %c0_i32_0 : i32, i32
  }
}

module attributes {stable_mosaic.version = 14 : i64} {
  func.func @_stage_c(%arg0: i32, %arg1: memref<1280x128xf32, #tpu.memory_space<vmem>>, %arg2: memref<1280x128xf32, #tpu.memory_space<vmem>>, %arg3: memref<1280x128xf32, #tpu.memory_space<vmem>>, %arg4: memref<1280x16xf32, #tpu.memory_space<vmem>>, %arg5: memref<1280x8xf32, #tpu.memory_space<vmem>>, %arg6: memref<160x128xf32, #tpu.memory_space<vmem>>, %arg7: memref<128x1xf32, #tpu.memory_space<vmem>>, %arg8: memref<16x1xf32, #tpu.memory_space<vmem>>, %arg9: memref<1x64xf32, #tpu.memory_space<vmem>>) attributes {dimension_semantics = [#tpu.dimension_semantics<arbitrary>], iteration_bounds = array<i64: 256>, scalar_prefetch = 0 : i64, scratch_operands = 0 : i64, tpu.core_type = #tpu.core_type<tc>, window_params = [{transform_indices = @transform_0, window_bounds = array<i64: 1280, 128>}, {transform_indices = @transform_1, window_bounds = array<i64: 1280, 128>}, {transform_indices = @transform_2, window_bounds = array<i64: 1280, 128>}, {transform_indices = @transform_3, window_bounds = array<i64: 1280, 16>}, {transform_indices = @transform_4, window_bounds = array<i64: 1280, 8>}, {pipeline_mode = #tpu.pipeline_mode<synchronous>, transform_indices = @transform_5, window_bounds = array<i64: 160, 128>}, {pipeline_mode = #tpu.pipeline_mode<synchronous>, transform_indices = @transform_6, window_bounds = array<i64: 128, 1>}, {pipeline_mode = #tpu.pipeline_mode<synchronous>, transform_indices = @transform_7, window_bounds = array<i64: 16, 1>}, {pipeline_mode = #tpu.pipeline_mode<synchronous>, transform_indices = @transform_8, window_bounds = array<i64: 1, 64>}]} {
    %get3A = arith.constant 0 : index
    %get3A_0 = arith.constant 0 : index
    %get3A_1 = vector.load %arg1[%get3A, %get3A_0] : memref<1280x128xf32, #tpu.memory_space<vmem>>, vector<1280x128xf32>
    %get3A_2 = arith.constant 0 : index
    %get3A_3 = arith.constant 0 : index
    %get3A_4 = vector.load %arg2[%get3A_2, %get3A_3] : memref<1280x128xf32, #tpu.memory_space<vmem>>, vector<1280x128xf32>
    %get3A_5 = arith.constant 0 : index
    %get3A_6 = arith.constant 0 : index
    %get3A_7 = vector.load %arg3[%get3A_5, %get3A_6] : memref<1280x128xf32, #tpu.memory_space<vmem>>, vector<1280x128xf32>
    %mul3A = arith.mulf %get3A_4, %get3A_7 : vector<1280x128xf32>
    %slice3A = vector.extract_strided_slice %mul3A {offsets = [0, 0], sizes = [1280, 32], strides = [1, 1]} : vector<1280x128xf32> to vector<1280x32xf32>
    %slice3A_8 = vector.extract_strided_slice %mul3A {offsets = [0, 32], sizes = [1280, 32], strides = [1, 1]} : vector<1280x128xf32> to vector<1280x32xf32>
    %add3A = arith.addf %slice3A, %slice3A_8 : vector<1280x32xf32>
    %slice3A_9 = vector.extract_strided_slice %mul3A {offsets = [0, 64], sizes = [1280, 32], strides = [1, 1]} : vector<1280x128xf32> to vector<1280x32xf32>
    %add3A_10 = arith.addf %add3A, %slice3A_9 : vector<1280x32xf32>
    %slice3A_11 = vector.extract_strided_slice %mul3A {offsets = [0, 96], sizes = [1280, 32], strides = [1, 1]} : vector<1280x128xf32> to vector<1280x32xf32>
    %add3A_12 = arith.addf %add3A_10, %slice3A_11 : vector<1280x32xf32>
    %concatenate3A = tpu.concatenate %get3A_1, %add3A_12 in 1 : vector<1280x128xf32>, vector<1280x32xf32> -> vector<1280x160xf32>
    %get3A_13 = arith.constant 0 : index
    %get3A_14 = arith.constant 0 : index
    %get3A_15 = vector.load %arg6[%get3A_13, %get3A_14] : memref<160x128xf32, #tpu.memory_space<vmem>>, vector<160x128xf32>
    %dot_general3A = arith.constant dense<0.000000e+00> : vector<1280x128xf32>
    %dot_general3A_16 = tpu.matmul %concatenate3A, %get3A_15, %dot_general3A {dimension_numbers = #tpu.dot_dimension_numbers<[1], [0], [0], [1], [0, 0, 1, 1], [], []>, transpose_lhs_hint = false} : vector<1280x160xf32>, vector<160x128xf32>, vector<1280x128xf32> -> vector<1280x128xf32>
    %neg3A = arith.constant 0.000000e+00 : f32
    %neg3A_17 = vector.broadcast %neg3A : f32 to vector<1280x128xf32>
    %neg3A_18 = arith.subf %neg3A_17, %dot_general3A_16 : vector<1280x128xf32>
    %exp3A = math.exp %neg3A_18 : vector<1280x128xf32>
    %add3A_19 = arith.constant 1.000000e+00 : f32
    %add3A_20 = vector.broadcast %add3A_19 : f32 to vector<1280x128xf32>
    %add3A_21 = arith.addf %add3A_20, %exp3A : vector<1280x128xf32>
    %div3A = arith.constant 1.000000e+00 : f32
    %div3A_22 = vector.broadcast %div3A : f32 to vector<1280x128xf32>
    %div3A_23 = arith.divf %div3A_22, %add3A_21 : vector<1280x128xf32>
    %mul3A_24 = arith.mulf %dot_general3A_16, %div3A_23 : vector<1280x128xf32>
    %add3A_25 = arith.addf %get3A_1, %mul3A_24 : vector<1280x128xf32>
    %get3A_26 = arith.constant 0 : index
    %get3A_27 = arith.constant 0 : index
    %get3A_28 = vector.load %arg7[%get3A_26, %get3A_27] : memref<128x1xf32, #tpu.memory_space<vmem>>, vector<128x1xf32>
    %dot_general3A_29 = arith.constant dense<0.000000e+00> : vector<1280x1xf32>
    %dot_general3A_30 = tpu.matmul %add3A_25, %get3A_28, %dot_general3A_29 {dimension_numbers = #tpu.dot_dimension_numbers<[1], [0], [0], [1], [0, 0, 1, 1], [], []>, transpose_lhs_hint = false} : vector<1280x128xf32>, vector<128x1xf32>, vector<1280x1xf32> -> vector<1280x1xf32>
    %get3A_31 = arith.constant 0 : index
    %get3A_32 = arith.constant 0 : index
    %get3A_33 = vector.load %arg5[%get3A_31, %get3A_32] : memref<1280x8xf32, #tpu.memory_space<vmem>>, vector<1280x1xf32>
    %get3A_34 = arith.constant 0 : index
    %get3A_35 = arith.constant 3 : index
    %get3A_36 = vector.load %arg4[%get3A_34, %get3A_35] : memref<1280x16xf32, #tpu.memory_space<vmem>>, vector<1280x1xf32>
    %get3A_37 = arith.constant 0 : index
    %get3A_38 = arith.constant 4 : index
    %get3A_39 = vector.load %arg4[%get3A_37, %get3A_38] : memref<1280x16xf32, #tpu.memory_space<vmem>>, vector<1280x1xf32>
    %convert_element_type3A = arith.fptosi %get3A_36 : vector<1280x1xf32> to vector<1280x1xi32>
    %iota3A = tpu.iota {dimensions = array<i32: 1>} : vector<1280x16xi32>
    %eq3A = vector.broadcast %convert_element_type3A : vector<1280x1xi32> to vector<1280x16xi32>
    %eq3A_40 = arith.cmpi eq, %eq3A, %iota3A : vector<1280x16xi32>
    %convert_element_type3A_41 = arith.extui %eq3A_40 : vector<1280x16xi1> to vector<1280x16xi32>
    %convert_element_type3A_42 = arith.sitofp %convert_element_type3A_41 : vector<1280x16xi32> to vector<1280x16xf32>
    %get3A_43 = arith.constant 0 : index
    %get3A_44 = arith.constant 0 : index
    %get3A_45 = vector.load %arg8[%get3A_43, %get3A_44] : memref<16x1xf32, #tpu.memory_space<vmem>>, vector<16x1xf32>
    %dot_general3A_46 = arith.constant dense<0.000000e+00> : vector<1280x1xf32>
    %dot_general3A_47 = tpu.matmul %convert_element_type3A_42, %get3A_45, %dot_general3A_46 {dimension_numbers = #tpu.dot_dimension_numbers<[1], [0], [0], [1], [0, 0, 1, 1], [], []>, precision = #tpu.contract_precision<fp32>, transpose_lhs_hint = false} : vector<1280x16xf32>, vector<16x1xf32>, vector<1280x1xf32> -> vector<1280x1xf32>
    %mul3A_48 = arith.mulf %dot_general3A_30, %get3A_33 : vector<1280x1xf32>
    %mul3A_49 = arith.mulf %mul3A_48, %dot_general3A_47 : vector<1280x1xf32>
    %convert_element_type3A_50 = arith.fptosi %get3A_39 : vector<1280x1xf32> to vector<1280x1xi32>
    %iota3A_51 = tpu.iota {dimensions = array<i32: 1>} : vector<1280x64xi32>
    %eq3A_52 = vector.broadcast %convert_element_type3A_50 : vector<1280x1xi32> to vector<1280x64xi32>
    %eq3A_53 = arith.cmpi eq, %eq3A_52, %iota3A_51 : vector<1280x64xi32>
    %convert_element_type3A_54 = arith.extui %eq3A_53 : vector<1280x64xi1> to vector<1280x64xi32>
    %convert_element_type3A_55 = arith.sitofp %convert_element_type3A_54 : vector<1280x64xi32> to vector<1280x64xf32>
    %dot_general3A_56 = arith.constant dense<0.000000e+00> : vector<64x1xf32>
    %dot_general3A_57 = tpu.matmul %convert_element_type3A_55, %mul3A_49, %dot_general3A_56 {dimension_numbers = #tpu.dot_dimension_numbers<[0], [0], [1], [1], [0, 1, 1, 1], [], []>, precision = #tpu.contract_precision<fp32>, transpose_lhs_hint = false} : vector<1280x64xf32>, vector<1280x1xf32>, vector<64x1xf32> -> vector<64x1xf32>
    %eq3A_58 = arith.constant 0 : i32
    %eq3A_59 = arith.cmpi eq, %arg0, %eq3A_58 : i32
    %convert_element_type3A_60 = arith.extui %eq3A_59 : i1 to i32
    %cond3A = arith.constant 0 : i32
    %cond3A_61 = arith.cmpi ne, %convert_element_type3A_60, %cond3A : i32
    scf.if %cond3A_61 {
      %broadcast_in_dim3A = arith.constant 0.000000e+00 : f32
      %broadcast_in_dim3A_68 = vector.broadcast %broadcast_in_dim3A : f32 to vector<1x64xf32>
      %swap3A_69 = arith.constant 0 : index
      %swap3A_70 = arith.constant 0 : index
      %swap3A_71 = vector.load %arg9[%swap3A_69, %swap3A_70] : memref<1x64xf32, #tpu.memory_space<vmem>>, vector<1x64xf32>
      tpu.vector_store %arg9[%swap3A_69, %swap3A_70], %broadcast_in_dim3A_68 {strides = array<i32>} : memref<1x64xf32, #tpu.memory_space<vmem>>, vector<1x64xf32>,
    } else {
    }
    %get3A_62 = arith.constant 0 : index
    %get3A_63 = arith.constant 0 : index
    %get3A_64 = vector.load %arg9[%get3A_62, %get3A_63] : memref<1x64xf32, #tpu.memory_space<vmem>>, vector<1x64xf32>
    %reshape3A = vector.shape_cast %dot_general3A_57 : vector<64x1xf32> to vector<1x64xf32>
    %add3A_65 = arith.addf %get3A_64, %reshape3A : vector<1x64xf32>
    %swap3A = arith.constant 0 : index
    %swap3A_66 = arith.constant 0 : index
    %swap3A_67 = vector.load %arg9[%swap3A, %swap3A_66] : memref<1x64xf32, #tpu.memory_space<vmem>>, vector<1x64xf32>
    tpu.vector_store %arg9[%swap3A, %swap3A_66], %add3A_65 {strides = array<i32>} : memref<1x64xf32, #tpu.memory_space<vmem>>, vector<1x64xf32>,
    return
  }
  func.func @transform_0(%arg0: i32) -> (i32, i32) {
    %c0_i32 = arith.constant 0 : i32
    %c0_i32_0 = arith.constant 0 : i32
    return %arg0, %c0_i32 : i32, i32
  }
  func.func @transform_1(%arg0: i32) -> (i32, i32) {
    %c0_i32 = arith.constant 0 : i32
    %c0_i32_0 = arith.constant 0 : i32
    return %arg0, %c0_i32 : i32, i32
  }
  func.func @transform_2(%arg0: i32) -> (i32, i32) {
    %c0_i32 = arith.constant 0 : i32
    %c0_i32_0 = arith.constant 0 : i32
    return %arg0, %c0_i32 : i32, i32
  }
  func.func @transform_3(%arg0: i32) -> (i32, i32) {
    %c0_i32 = arith.constant 0 : i32
    %c0_i32_0 = arith.constant 0 : i32
    return %arg0, %c0_i32 : i32, i32
  }
  func.func @transform_4(%arg0: i32) -> (i32, i32) {
    %c0_i32 = arith.constant 0 : i32
    %c0_i32_0 = arith.constant 0 : i32
    return %arg0, %c0_i32 : i32, i32
  }
  func.func @transform_5(%arg0: i32) -> (i32, i32) {
    %c0_i32 = arith.constant 0 : i32
    %c0_i32_0 = arith.constant 0 : i32
    %c0_i32_1 = arith.constant 0 : i32
    return %c0_i32, %c0_i32_0 : i32, i32
  }
  func.func @transform_6(%arg0: i32) -> (i32, i32) {
    %c0_i32 = arith.constant 0 : i32
    %c0_i32_0 = arith.constant 0 : i32
    %c0_i32_1 = arith.constant 0 : i32
    return %c0_i32, %c0_i32_0 : i32, i32
  }
  func.func @transform_7(%arg0: i32) -> (i32, i32) {
    %c0_i32 = arith.constant 0 : i32
    %c0_i32_0 = arith.constant 0 : i32
    %c0_i32_1 = arith.constant 0 : i32
    return %c0_i32, %c0_i32_0 : i32, i32
  }
  func.func @transform_8(%arg0: i32) -> (i32, i32) {
    %c0_i32 = arith.constant 0 : i32
    %c0_i32_0 = arith.constant 0 : i32
    %c0_i32_1 = arith.constant 0 : i32
    return %c0_i32, %c0_i32_0 : i32, i32
  }
}

</mosaic_0001>

<sc_bundles>
// kernel: kernel.12.cloned.1.call-start
scs
__scs_entry_jumppad:
0x0: {  	(pc) =	sbr.rel $0x88, $3  }
0x1: {  	(tag) =	ssettag $0x0;
	lr =	simm.s32 $0x1  }
0x2: {  	[smem:$0x3F8F] =	sst lr;
	_ =	strace $0xD0000000  }
0x3: {  	_ = 	snop  }
0x4: {  	_ = 	snop  }
0x5: {  	_ = 	snop  }
0x6: {  	_ = 	snop  }
0x7: {  	_ = 	snop  }
__scs_overlays_trampoline_lowered:
0x8: {  	[smem:$0x3F9E] =	sst s0  }
0x9: {  	[smem:$0x3F9F] =	sst s1  }
0xa: {  	[smem:$0x3FA0] =	sst s2  }
0xb: {  	[smem:$0x3FA1] =	sst s3  }
0xc: {  	[smem:$0x3FA2] =	sst s4  }
0xd: {  	[smem:$0x3FA3] =	sst s5  }
0xe: {  	[smem:$0x3FA4] =	sst s6  }
0xf: {  	[smem:$0x3FA5] =	sst s7  }
0x10: {  	[smem:$0x3FA6] =	sst s8  }
0x11: {  	[smem:$0x3FA7] =	sst s9;
	s0 =	simm.s32 @!p0 $0x0  }
0x12: {  	s1 =	sld [smem:$0x3F8D];
	s0 =	simm.s32 @p0 $0x1  }
0x13: {  	[smem:$0x3FA8] =	sst s0;
	s0 =	simm.s32 @!p1 $0x0  }
0x14: {  	s2 =	sld [smem:$0x3F8C];
	s0 =	simm.s32 @p1 $0x1  }
0x15: {  	[smem:$0x3FA9] =	sst s0;
	s0 =	simm.s32 @!p2 $0x0  }
0x16: {  	s3 =	sld [smem:$0x3FDB];
	s0 =	simm.s32 @p2 $0x1  }
0x17: {  	s4 =	simm.s32 $0x1BF5;
	[smem:$0x3FAB] =	sst s0  }
0x18: {  	s0 =	sld [smem:$0x3F8E];
	_ =	swait.ge [sflag:s4], $0x0  }
0x19: {  	s7 =	sld [smem:$0x3F8F]  }
0x1a: {  	s8 =	sadd.s32 $0xFFFFE003, lr  }
0x1b: {  	s9 =	sadd.s32 $0xFFFFFEF7, lr;
	s5 =	simm.s32 $0xFFFFFFFF;
	p2 =	slt.u32 s8, $0xFFFFF086  }
0x1c: {  	p1 =	slt.u32 s9, $0xF7A;
	s5 =	simm.s32 @!p2 $0x0  }
0x1d: {  	s5 =	simm.s32 @p1 $0x1;
	p0 =	seq.s32 s7, s2  }
0x1e: {  	s7 =	smul.u32 @!p0 $0xF7A, s2;
	p2 =	seq.s32 @!p0 s5, $0x0  }
0x1f: {  	s9 =	smul.u32 $0xF7A, s1;
	s8 =	simm.s32 @!p0 $0x1BF5;
	p2 =	por !p2, p0  }
0x20: {  	[sflag:s8] =	ssyncset.s32 @!p0 $0xFFFFF086;
	s6 =	sadd.s32 @!p0 s3, s7;
	s7 =	simm.s32 @!p0 $0x108  }
0x21: {  	s3 =	sadd.s32 s3, s9;
	s6 =	sadd.s32 @!p0 $0x88, s6;
	s7 =	simm.s32 @p2 $0x1082  }
0x22: {  	[simem:s7], [sflag:s8] =	dma.local @!p0 [hbm:s6], $0xF7A  }
0x23: {  	s9 =	sor.u32 $0xD0000000, s2;
	s6 =	simm.s32 $0x108;
	_ =	swait.ge @!p0 [sflag:s8], $0x0  }
0x24: {  	s3 =	sadd.s32 $0x88, s3;
	s6 =	simm.s32 @!p1 $0x1082;
	[sflag:s4] =	ssyncset.s32 $0xFFFFF086  }
0x25: {  	[simem:s6], [sflag:s4] =	dma.local [hbm:s3], $0xF7A  }
0x26: {  	[smem:$0x3F8F] =	sst s1;
	(tag) =	ssettag s2;
	_ =	strace s9  }
0x27: {  	s1 =	sld [smem:$0x3F9F]  }
0x28: {  	s2 =	sld [smem:$0x3FA0]  }
0x29: {  	s4 =	sld [smem:$0x3FA2]  }
0x2a: {  	p0 =	seq.s32 s5, $0x0;
	s5 =	sld [smem:$0x3FA3]  }
0x2b: {  	s6 =	sld [smem:$0x3FA4]  }
0x2c: {  	s7 =	sld [smem:$0x3FA5]  }
0x2d: {  	s3 =	simm.s32 $0x108;
	s8 =	sld [smem:$0x3FA6]  }
0x2e: {  	s3 =	simm.s32 @!p0 $0x1082;
	s9 =	sld [smem:$0x3FA7]  }
0x2f: {  	lr =	sadd.s32 s0, s3;
	s0 =	sld [smem:$0x3F9E]  }
0x30: {  	s3 =	sld [smem:$0x3FA1]  }
0x31: {  	[smem:$0x3FAA] =	sst s10  }
0x32: {  	s10 =	sld [smem:$0x3FA8];
	_ =	sdelay $0x3  }
0x33: {  	p0 =	seq.s32 s10, $0x1;
	s10 =	sld [smem:$0x3FAA];
	_ =	sdelay $0x3  }
0x34: {  	[smem:$0x3FAA] =	sst s10  }
0x35: {  	s10 =	sld [smem:$0x3FA9];
	_ =	sdelay $0x3  }
0x36: {  	p1 =	seq.s32 s10, $0x1;
	s10 =	sld [smem:$0x3FAA];
	_ =	sdelay $0x3  }
0x37: {  	[smem:$0x3FAA] =	sst s10  }
0x38: {  	s10 =	sld [smem:$0x3FAB]  }
0x39: {  	_ = 	snop;
	(pc) =	sbr.ind lr, $3  }
0x3a: {  	_ = 	snop  }
0x3b: {  	_ = 	snop  }
0x3c: {  	p2 =	seq.s32 s10, $0x1;
	s10 =	sld [smem:$0x3FAA]  }
0x3d: {  	_ =	shalt  }
0x3e: {  	_ =	shalt  }
0x3f: {  	_ =	shalt  }
0x40: {  	_ =	shalt  }
0x41: {  	_ =	shalt  }
0x42: {  	_ =	shalt  }
0x43: {  	_ =	shalt  }
0x44: {  	_ =	shalt  }
0x45: {  	_ =	shalt  }
0x46: {  	_ =	shalt  }
0x47: {  	_ =	shalt  }
0x48: {  	_ =	shalt  }
0x49: {  	_ =	shalt  }
0x4a: {  	_ =	shalt  }
0x4b: {  	_ =	shalt  }
0x4c: {  	_ =	shalt  }
0x4d: {  	_ =	shalt  }
0x4e: {  	_ =	shalt  }
0x4f: {  	_ =	shalt  }
0x50: {  	_ =	shalt  }
0x51: {  	_ =	shalt  }
0x52: {  	_ =	shalt  }
0x53: {  	_ =	shalt  }
0x54: {  	_ =	shalt  }
0x55: {  	_ =	shalt  }
0x56: {  	_ =	shalt  }
0x57: {  	_ =	shalt  }
0x58: {  	_ =	shalt  }
0x59: {  	_ =	shalt  }
0x5a: {  	_ =	shalt  }
0x5b: {  	_ =	shalt  }
0x5c: {  	_ =	shalt  }
0x5d: {  	_ =	shalt  }
0x5e: {  	_ =	shalt  }
0x5f: {  	_ =	shalt  }
0x60: {  	_ =	shalt  }
0x61: {  	_ =	shalt  }
0x62: {  	_ =	shalt  }
0x63: {  	_ =	shalt  }
0x64: {  	_ =	shalt  }
0x65: {  	_ =	shalt  }
0x66: {  	_ =	shalt  }
0x67: {  	_ =	shalt  }
0x68: {  	_ =	shalt  }
0x69: {  	_ =	shalt  }
0x6a: {  	_ =	shalt  }
0x6b: {  	_ =	shalt  }
0x6c: {  	_ =	shalt  }
0x6d: {  	_ =	shalt  }
0x6e: {  	_ =	shalt  }
0x6f: {  	_ =	shalt  }
0x70: {  	_ =	shalt  }
0x71: {  	_ =	shalt  }
0x72: {  	_ =	shalt  }
0x73: {  	_ =	shalt  }
0x74: {  	_ =	shalt  }
0x75: {  	_ =	shalt  }
0x76: {  	_ =	shalt  }
0x77: {  	_ =	shalt  }
0x78: {  	_ =	shalt  }
0x79: {  	_ =	shalt  }
0x7a: {  	_ =	shalt  }
0x7b: {  	_ =	shalt  }
0x7c: {  	_ =	shalt  }
0x7d: {  	_ =	shalt  }
0x7e: {  	_ =	shalt  }
0x7f: {  	_ =	shalt  }
0x80: {  	_ =	shalt  }
0x81: {  	_ =	shalt  }
0x82: {  	_ =	shalt  }
0x83: {  	_ =	shalt  }
0x84: {  	_ =	shalt  }
0x85: {  	_ =	shalt  }
0x86: {  	_ =	shalt  }
0x87: {  	_ =	shalt  }
.Lfunc_end0:
.L_simem_size_0:
called_computation.1_lowered:
.L_overlay_start_0:
0x88: {  	s2 =	sld [smem:$0x3FD9]  }
0x89: {  	s3 =	sld [smem:$0x3FFE];
	_ =	sdelay $0x1  }
0x8a: {  	s1 =	srdreg.scid  }
0x8b: {  	s0 =	sand.u32 $0x1, s1  }
0x8c: {  	s16 =	sshll.u32 s0, $0xA;
	s2 =	sadd.s32 s3, s2  }
0x8d: {  	s2 =	sadd.s32 s2, s16  }
0x8e: {  	[smem:$0x3FB6] =	sst s2  }
0x8f: {  	_ = 	snop  }
0x90: {  	(tm) =	ssettm $0x1  }
0x91: {  	s17 =	sld [smem:$0x3FFB];
	_ =	sdelay $0x3  }
0x92: {  	_ =	strace s17  }
0x93: {  	s2 =	sld [smem:$0x3FFC];
	_ =	sdelay $0x3  }
0x94: {  	_ =	strace s2  }
0x95: {  	s2 =	sld [smem:$0x3FFD];
	_ =	sdelay $0x3  }
0x96: {  	_ =	strace s2  }
0x97: {  	_ =	strace $0x8FFFFFFF  }
0x98: {  	s18 =	sld [smem:$0x3FDB];
	_ =	sdelay $0x1  }
0x99: {  	s19 =	simm.s32 $_scs_section_size  }
0x9a: {  	s4 =	simm.s32 $_size__tile_overlayer_lowered;
	s5 =	simm.s32 $_tile_overlayer_lowered  }
0x9b: {  	s22 =	simm.s32 $0x1BFF;
	s21 =	sshll.u32 s5, $0x1;
	s2 =	sadd.s32 s19, s18  }
0x9c: {  	s6 =	simm.s32 $0x0;
	s20 =	sshll.u32 s4, $0x1;
	s4 =	sadd.s32 s21, s2  }
0x9d: {  	[timem:s6], [sflag:s22] =	dma.local [hbm:s4], s20  }
0x9e: {  	_ =	swait.ge [sflag:s22], s20  }
0x9f: {  	s3 =	ssub.s32 $0x0, s20;
	[sflag:s22] =	ssyncset.done $0x0  }
0xa0: {  	[sflag:s22] =	ssyncadd.s32 s3;
	_ =	sdelay $0x1  }
0xa1: {  	s23 =	simm.s32 $0x1B8B  }
0xa2: {  	_ =	swait.ge [sflag:s23], $0x1  }
0xa3: {  	[sflag:s23] =	ssyncset.done $0x0  }
0xa4: {  	s25 =	simm.s32 $0x1B8E;
	s24 =	sld [smem:$0x3FFE];
	[sflag:s23] =	ssyncadd.s32 $0xFFFFFFFF  }
0xa5: {  	s26 =	simm.s32 $execute0_lowered;
	[smem:$0x3FD2] =	sst s25  }
0xa6: {  	s4 =	sshll.u32 s26, $0x1;
	_ =	strace $0x80000049;
	[dreg:$0x1] =	wrdreg $0xFFFFFFFF  }
0xa7: {  	s28 =	simm.s32 $_size_execute0_lowered;
	s2 =	sadd.s32 s2, s4;
	[dreg:$0x0] =	wrdreg $0x0  }
0xa8: {  	s4 =	sshll.u32 s28, $0x1;
	[dreg:$0x2] =	wrdreg s2  }
0xa9: {  	[dreg:$0x3] =	wrdreg s4  }
0xaa: {  	[dreg:$0x4] =	wrdreg $0xC0  }
0xab: {  	_ =	task [dreg:s6], $0x5FFFF  }
0xac: {  	[dreg:$0x1] =	wrdreg $0xFFFFFFFF  }
0xad: {  	[dreg:$0x0] =	wrdreg $0x60  }
0xae: {  	[dreg:$0x2] =	wrdreg s24  }
0xaf: {  	[dreg:$0x3] =	wrdreg $0xC1000  }
0xb0: {  	[dreg:$0x4] =	wrdreg $0x9  }
0xb1: {  	_ =	task.clear_ibuf [dreg:s6], $0x5FFFF;
	_ =	strace $0x90000049  }
0xb2: {  	s29 =	simm.s32 $0x9;
	_ =	strace $0x8000004B  }
0xb3: {  	_ =	swait.ge [sflag:s29], $0x1  }
0xb4: {  	[sflag:s29] =	ssyncadd.s32 $0xFFFFFFFF  }
0xb5: {  	_ =	strace $0x9000004B  }
0xb6: {  	_ =	sfence  }
0xb7: {  	s30 =	sld [smem:$0x0];
	_ =	sdelay $0x2  }
0xb8: {  	s31 =	sshll.u32 s1, $0xD;
	s1 =	sshrl.u32 s1, $0x2  }
0xb9: {  	s3 =	sand.u32 $0x4000, s31;
	s1 =	sadd.s32 s1, s30  }
0xba: {  	s0 =	sor.u32 s3, s0;
	s1 =	sshll.u32 s1, $0x11  }
0xbb: {  	s0 =	sor.u32 s1, s0  }
0xbc: {  	s0 =	sadd.s32 $0x8F2B, s0  }
0xbd: {  	[sflag:s0] =	ssyncadd.remote.s32 $0x1  }
0xbe: {  	_ =	sfence.sel $0xFFFF  }
0xbf: {  	[dreg:$0x0] =	wrdreg $0xFFFFFFFF;
	(pc) =	sbr.abs _section_cstart, $3  }
0xc0: {  	[dreg:$0x1] =	wrdreg $0xFFFFFFFF  }
0xc1: {  	_ =	task.clear_ibuf [dreg:s6], $0x2FFFF;
	_ =	strace $0x9FFFFFFF  }
0xc2: {  	(tm) =	ssettm $0x7FFFFFFF  }
0xc3: {  	_ =	shalt  }
tec
execute0_lowered:
.L_overlay_start_1:
0x0: {  	(tag) =	ssettag $0x1  }
0x1: {  	s0 =	rddreg [dreg:$0x0]  }
0x2: {  	s1 =	rddreg [dreg:$0x1];
	s2 =	simm.s32 $0x0;
	s3 =	srdreg.scid  }
0x3: {  	s11 =	stileid.u32;
	s20 =	simm.s32 $0x8100;
	s21 =	simm.s32 $0x6  }
0x4: {  	s23 =	simm.s32 $0x1;
	s24 =	simm.s32 $0x3;
	s25 =	simm.s32 $0x4  }
0x5: {  	[smem:$0x7FF] =	sst s2;
	s3 =	sand.u32 $0x1, s3;
	s10 =	smul.u32 $0xA00, s11  }
0x6: {  	s4 =	sadd.s32 $0xB8DE00, s0;
	s5 =	sadd.s32 $0xCE00, s0;
	s15 =	smul.u32 $0x50000, s11  }
0x7: {  	s7 =	sadd.s32 $0x2E00, s0;
	s9 =	sshll.u32 s11, $0xE;
	s31 =	smul.u32 $0x28000, s11  }
0x8: {  	p0 =	seq.s32 s11, $0xF;
	_ =	strace $0x8000004A;
	s6 =	ssub.s32 $0x2, s3  }
0x9: {  	[dreg:$0x3] =	wrdreg s7;
	s7 =	sadd.s32 $0x68DE00, s0;
	s28 =	sshll.u32 s3, $0x4  }
0xa: {  	s9 =	sadd.s32 s9, s1;
	s3 =	smul.u32 $0x280000, s3;
	s8 =	sshrl.u32 s6, $0x1  }
0xb: {  	s12 =	sadd.s32 $0x40000, s9;
	s29 =	sadd.s32 $0x80000, s9;
	s30 =	sadd.s32 $0xC0000, s9  }
0xc: {  	s13 =	sadd.s32 $0x100000, s9;
	s14 =	sadd.s32 s5, s10;
	s26 =	ssub.s32 s6, s8  }
0xd: {  	s8 =	smul.u32 $0xA0, s11;
	s6 =	sor.u32 s11, s28;
	[dreg:$0x4] =	wrdreg s12  }
0xe: {  	s15 =	sadd.s32 s4, s15;
	[dreg:$0x5] =	wrdreg s29;
	s17 =	smul.u32 $0x500, s6  }
0xf: {  	[dreg:$0x6] =	wrdreg s30;
	s0 =	sadd.s32 s31, s3;
	s16 =	smul.u32 $0x50, s6  }
0x10: {  	s18 =	smax.u32 s26, $0x1;
	s26 =	simm.s32 $0x0;
	s17 =	sadd.s32 s5, s17  }
.LBB2_1:
0x11: {  	s3 =	rddreg [dreg:$0x3]  }
0x12: {  	[tilespmem:s20], [sflag:$0x6] =	stream.linear.gather [hbm4b:s3+s2], $0x4000, $0x38;
	[tilespmem:$0x1FD00] =	vst v63  }
0x13: {  	_ =	swait.ge [sflag:s21], $0x4000  }
0x14: {  	[sflag:s21] =	ssyncset.done $0x0  }
0x15: {  	[sflag:s21] =	ssyncadd.s32 $0xFFFFC000  }
0x16: {  	[spmem:s9] =	stream.linear.scatter [tilespmem:s20], [sflag:$0x6], $0x4000, $0x38;
	[tilespmem:$0x1FD00] =	vst v63  }
0x17: {  	_ =	swait.ge [sflag:s21], $0x4000  }
0x18: {  	[sflag:s21] =	ssyncset.done $0x0  }
0x19: {  	s12 =	rddreg [dreg:$0x4];
	[sflag:s21] =	ssyncadd.s32 $0xFFFFC000  }
0x1a: {  	[spmem:s12] =	stream.linear.scatter [tilespmem:s20], [sflag:$0x6], $0x4000, $0x38;
	[tilespmem:$0x1FD00] =	vst v63  }
0x1b: {  	_ =	swait.ge [sflag:s21], $0x4000  }
0x1c: {  	[sflag:s21] =	ssyncset.done $0x0  }
0x1d: {  	s19 =	rddreg [dreg:$0x5];
	[sflag:s21] =	ssyncadd.s32 $0xFFFFC000  }
0x1e: {  	[spmem:s19] =	stream.linear.scatter [tilespmem:s20], [sflag:$0x6], $0x4000, $0x38;
	[tilespmem:$0x1FD00] =	vst v63  }
0x1f: {  	_ =	swait.ge [sflag:s21], $0x4000  }
0x20: {  	[sflag:s21] =	ssyncset.done $0x0  }
0x21: {  	s22 =	rddreg [dreg:$0x6];
	[sflag:s21] =	ssyncadd.s32 $0xFFFFC000  }
0x22: {  	[spmem:s22] =	stream.linear.scatter [tilespmem:s20], [sflag:$0x6], $0x4000, $0x38;
	[tilespmem:$0x1FD00] =	vst v63  }
0x23: {  	_ =	swait.ge [sflag:s21], $0x4000  }
0x24: {  	[sflag:s21] =	ssyncset.done $0x0  }
0x25: {  	s3 =	simm.s32 @!p0 $0x8100;
	[sflag:s21] =	ssyncadd.s32 $0xFFFFC000  }
0x26: {  	[spmem:s13] =	stream.linear.scatter @!p0 [tilespmem:s3], [sflag:$0x6], $0x4000, $0x38;
	[tilespmem:$0x1FD00] =	vst v63  }
0x27: {  	s3 =	simm.s32 @!p0 $0x6  }
0x28: {  	_ =	swait.ge @!p0 [sflag:s3], $0x4000  }
0x29: {  	[sflag:s3] =	ssyncset.done @!p0 $0x0  }
0x2a: {  	[sflag:s3] =	ssyncadd.s32 @!p0 $0xFFFFC000  }
0x2b: {  	[bflag:$0x0] =	sbarrier.arrive $0xFFFF  }
0x2c: {  	[tilespmem:s2], [sflag:$0x1] =	stream.linear.gather [hbm4b:s14+s2], $0x80, $0x38;
	[tilespmem:$0x1FD00] =	vst v63  }
0x2d: {  	s6 =	simm.s32 $0x100;
	s10 =	smin.u32 s23, $0x9F  }
0x2e: {  	[tilespmem:s6], [sflag:$0x3] =	stream.linear.gather [hbm4b:s15+s2], $0x4000, $0x38;
	[tilespmem:$0x1FD00] =	vst v63  }
0x2f: {  	s3 =	sshll.u32 s10, $0x4;
	s6 =	sadd.s32 s8, s10  }
0x30: {  	s19 =	sand.u32 $0x1, s23;
	s3 =	sand.u32 $0x70, s3;
	s10 =	sshll.u32 s6, $0x4  }
0x31: {  	p1 =	seq.s32 s19, $0x0;
	s3 =	sadd.s32 s5, s3;
	s10 =	sand.u32 $0x1FF80, s10  }
0x32: {  	s6 =	sshll.u32 s6, $0xB;
	s3 =	sadd.s32 s10, s3;
	s10 =	simm.s32 @p1 $0x0  }
0x33: {  	[tilespmem:s10], [sflag:$0x1] =	stream.linear.gather @p1 [hbm4b:s3+s10], $0x80, $0x38;
	[tilespmem:$0x1FD00] =	vst v63  }
0x34: {  	s19 =	simm.s32 @p1 $0x100;
	s22 =	simm.s32 @p1 $0x2;
	s6 =	sadd.s32 s4, s6  }
0x35: {  	[tilespmem:s19], [sflag:$0x3] =	stream.linear.gather @p1 [hbm4b:s6+s10], $0x4000, $0x38;
	[tilespmem:$0x1FD00] =	vst v63  }
0x36: {  	_ =	swait.ge @p1 [sflag:s22], $0x80  }
0x37: {  	[sflag:s22] =	ssyncset.done @p1 $0x0  }
0x38: {  	s10 =	simm.s32 @p1 $0x4;
	[sflag:s22] =	ssyncadd.s32 @p1 $0xFFFFFF80  }
0x39: {  	_ =	swait.ge @p1 [sflag:s10], $0x4000  }
0x3a: {  	[sflag:s10] =	ssyncset.done @p1 $0x0  }
0x3b: {  	s19 =	simm.s32 @p1 $0x4100;
	[sflag:s10] =	ssyncadd.s32 @p1 $0xFFFFC000;
	s10 =	simm.s32 @p1 $0x80  }
0x3c: {  	[spmem:s1] =	stream.indirect.scatter.add.f32 @p1 [tilespmem:s19], [sflag:$0x6], $0x80, s10, s10, $0xb8;
	[tilespmem:$0x1FD00] =	vst v63  }
0x3d: {  	s30 =	simm.s32 @!p1 $0x80;
	s19 =	simm.s32 @!p1 $0x0  }
0x3e: {  	[tilespmem:s30], [sflag:$0x2] =	stream.linear.gather @!p1 [hbm4b:s3+s19], $0x80, $0x38;
	[tilespmem:$0x1FD00] =	vst v63  }
0x3f: {  	s28 =	simm.s32 $0x3;
	s10 =	simm.s32 @!p1 $0x1;
	s3 =	simm.s32 @!p1 $0x4100  }
0x40: {  	[tilespmem:s3], [sflag:$0x4] =	stream.linear.gather @!p1 [hbm4b:s6+s19], $0x4000, $0x38;
	[tilespmem:$0x1FD00] =	vst v63  }
0x41: {  	s29 =	simm.s32 @!p1 $0x7;
	s31 =	simm.s32 @!p1 $0x100;
	_ =	swait.ge @!p1 [sflag:s10], $0x80  }
0x42: {  	s29 =	simm.s32 @p1 $0x6;
	s3 =	simm.s32 $0x2;
	[sflag:s10] =	ssyncset.done @!p1 $0x0  }
0x43: {  	s6 =	simm.s32 @!p1 $0x3;
	s11 =	smin.u32 s3, $0x9F;
	[sflag:s10] =	ssyncadd.s32 @!p1 $0xFFFFFF80  }
0x44: {  	s22 =	sadd.s32 s8, s11;
	s10 =	sshll.u32 s11, $0x4;
	_ =	swait.ge @!p1 [sflag:s6], $0x4000  }
0x45: {  	s12 =	sshll.u32 s22, $0x4;
	s10 =	sand.u32 $0x70, s10;
	[sflag:s6] =	ssyncset.done @!p1 $0x0  }
0x46: {  	s10 =	sadd.s32 s5, s10;
	[sflag:s6] =	ssyncadd.s32 @!p1 $0xFFFFC000;
	s6 =	sand.u32 $0x1FF80, s12  }
.LBB2_2:
0x47: {  	[spmem:s1] =	stream.indirect.scatter.add.f32 @!p1 [tilespmem:s31], [sflag:$0x7], $0x80, s19, s30, $0xb8;
	[tilespmem:$0x1FD00] =	vst v63  }
0x48: {  	s19 =	smov.u32 s28  }
0x49: {  	s3 =	sand.u32 $0x1, s3;
	s22 =	sshll.u32 s22, $0xB;
	_ =	swait.ge [sflag:s29], $0x4000  }
0x4a: {  	s28 =	sadd.s32 $0x1, s28;
	p1 =	seq.s32 s3, $0x0;
	[sflag:s29] =	ssyncset.done $0x0  }
0x4b: {  	s6 =	sadd.s32 s6, s10;
	s3 =	simm.s32 @p1 $0x0;
	[sflag:s29] =	ssyncadd.s32 $0xFFFFC000  }
0x4c: {  	[tilespmem:s3], [sflag:$0x1] =	stream.linear.gather @p1 [hbm4b:s6+s3], $0x80, $0x38;
	[tilespmem:$0x1FD00] =	vst v63  }
0x4d: {  	s10 =	sadd.s32 s4, s22;
	s22 =	simm.s32 @p1 $0x100;
	s30 =	simm.s32 @p1 $0x2  }
0x4e: {  	[tilespmem:s22], [sflag:$0x3] =	stream.linear.gather @p1 [hbm4b:s10+s3], $0x4000, $0x38;
	[tilespmem:$0x1FD00] =	vst v63  }
0x4f: {  	p2 =	sne.s32 s28, $0xA1;
	s29 =	simm.s32 @!p1 $0x7;
	_ =	swait.ge @p1 [sflag:s30], $0x80  }
0x50: {  	s3 =	smov.u32 s19;
	[sflag:s30] =	ssyncset.done @p1 $0x0  }
0x51: {  	s19 =	simm.s32 @p1 $0x4;
	[sflag:s30] =	ssyncadd.s32 @p1 $0xFFFFFF80  }
0x52: {  	_ =	swait.ge @p1 [sflag:s19], $0x4000  }
0x53: {  	[sflag:s19] =	ssyncset.done @p1 $0x0  }
0x54: {  	s22 =	simm.s32 @p1 $0x4100;
	[sflag:s19] =	ssyncadd.s32 @p1 $0xFFFFC000;
	s19 =	simm.s32 @p1 $0x80  }
0x55: {  	[spmem:s1] =	stream.indirect.scatter.add.f32 @p1 [tilespmem:s22], [sflag:$0x6], $0x80, s19, s19, $0xb8;
	[tilespmem:$0x1FD00] =	vst v63  }
0x56: {  	s30 =	simm.s32 @!p1 $0x80;
	s19 =	simm.s32 @!p1 $0x0  }
0x57: {  	[tilespmem:s30], [sflag:$0x2] =	stream.linear.gather @!p1 [hbm4b:s6+s19], $0x80, $0x38;
	[tilespmem:$0x1FD00] =	vst v63  }
0x58: {  	s22 =	simm.s32 @!p1 $0x1;
	s6 =	simm.s32 @!p1 $0x4100  }
0x59: {  	[tilespmem:s6], [sflag:$0x4] =	stream.linear.gather @!p1 [hbm4b:s10+s19], $0x4000, $0x38;
	[tilespmem:$0x1FD00] =	vst v63  }
0x5a: {  	s31 =	simm.s32 @!p1 $0x100;
	_ =	swait.ge @!p1 [sflag:s22], $0x80  }
.Ltmp0:
0x5b: {  	s29 =	simm.s32 @p1 $0x6;
	[sflag:s22] =	ssyncset.done @!p1 $0x0;
	(pc) =	sbr.rel @p2 .LBB2_2-.Ltmp0, $4  }
0x5c: {  	s11 =	simm.s32 @!p1 $0x3;
	s6 =	smin.u32 s3, $0x9F;
	[sflag:s22] =	ssyncadd.s32 @!p1 $0xFFFFFF80  }
0x5d: {  	s22 =	sadd.s32 s8, s6;
	s6 =	sshll.u32 s6, $0x4;
	_ =	swait.ge @!p1 [sflag:s11], $0x4000  }
0x5e: {  	s10 =	sshll.u32 s22, $0x4;
	s12 =	sand.u32 $0x70, s6;
	[sflag:s11] =	ssyncset.done @!p1 $0x0  }
0x5f: {  	s6 =	sand.u32 $0x1FF80, s10;
	s10 =	sadd.s32 s5, s12;
	[sflag:s11] =	ssyncadd.s32 @!p1 $0xFFFFC000  }
0x60: {  	[spmem:s1] =	stream.indirect.scatter.add.f32 @!p1 [tilespmem:s31], [sflag:$0x7], $0x80, s19, s30, $0xb8;
	[tilespmem:$0x1FD00] =	vst v63  }
0x61: {  	s3 =	sand.u32 $0x1, s3;
	_ =	swait.ge [sflag:s29], $0x4000  }
0x62: {  	s11 =	sshll.u32 s22, $0xB;
	p1 =	seq.s32 s3, $0x0;
	[sflag:s29] =	ssyncset.done $0x0  }
0x63: {  	s3 =	sadd.s32 s6, s10;
	s6 =	simm.s32 @p1 $0x0;
	[sflag:s29] =	ssyncadd.s32 $0xFFFFC000  }
0x64: {  	[tilespmem:s6], [sflag:$0x1] =	stream.linear.gather @p1 [hbm4b:s3+s6], $0x80, $0x38;
	[tilespmem:$0x1FD00] =	vst v63  }
0x65: {  	s10 =	sadd.s32 s4, s11;
	s11 =	simm.s32 @p1 $0x100;
	s12 =	simm.s32 @p1 $0x2  }
0x66: {  	[tilespmem:s11], [sflag:$0x3] =	stream.linear.gather @p1 [hbm4b:s10+s6], $0x4000, $0x38;
	[tilespmem:$0x1FD00] =	vst v63  }
0x67: {  	_ =	swait.ge @p1 [sflag:s12], $0x80  }
0x68: {  	[sflag:s12] =	ssyncset.done @p1 $0x0  }
0x69: {  	s6 =	simm.s32 @p1 $0x4;
	[sflag:s12] =	ssyncadd.s32 @p1 $0xFFFFFF80  }
0x6a: {  	_ =	swait.ge @p1 [sflag:s6], $0x4000  }
0x6b: {  	[sflag:s6] =	ssyncset.done @p1 $0x0  }
0x6c: {  	s11 =	simm.s32 @p1 $0x4100;
	[sflag:s6] =	ssyncadd.s32 @p1 $0xFFFFC000;
	s6 =	simm.s32 @p1 $0x80  }
0x6d: {  	[spmem:s1] =	stream.indirect.scatter.add.f32 @p1 [tilespmem:s11], [sflag:$0x6], $0x80, s6, s6, $0xb8;
	[tilespmem:$0x1FD00] =	vst v63  }
0x6e: {  	s6 =	simm.s32 @!p1 $0x0;
	s11 =	simm.s32 @!p1 $0x80  }
0x6f: {  	[tilespmem:s11], [sflag:$0x2] =	stream.linear.gather @!p1 [hbm4b:s3+s6], $0x80, $0x38;
	[tilespmem:$0x1FD00] =	vst v63  }
0x70: {  	s12 =	simm.s32 @!p1 $0x1;
	s3 =	simm.s32 @!p1 $0x4100  }
0x71: {  	[tilespmem:s3], [sflag:$0x4] =	stream.linear.gather @!p1 [hbm4b:s10+s6], $0x4000, $0x38;
	[tilespmem:$0x1FD00] =	vst v63  }
0x72: {  	_ =	swait.ge @!p1 [sflag:s12], $0x80  }
0x73: {  	[sflag:s12] =	ssyncset.done @!p1 $0x0  }
0x74: {  	s3 =	simm.s32 @!p1 $0x3;
	[sflag:s12] =	ssyncadd.s32 @!p1 $0xFFFFFF80  }
0x75: {  	_ =	swait.ge @!p1 [sflag:s3], $0x4000  }
0x76: {  	s10 =	simm.s32 @!p1 $0x7;
	[sflag:s3] =	ssyncset.done @!p1 $0x0  }
0x77: {  	s10 =	simm.s32 @p1 $0x6;
	s12 =	simm.s32 @!p1 $0x100;
	[sflag:s3] =	ssyncadd.s32 @!p1 $0xFFFFC000  }
0x78: {  	[spmem:s1] =	stream.indirect.scatter.add.f32 @!p1 [tilespmem:s12], [sflag:$0x7], $0x80, s6, s11, $0xb8;
	[tilespmem:$0x1FD00] =	vst v63  }
0x79: {  	_ =	swait.ge [sflag:s10], $0x4000  }
0x7a: {  	[sflag:s10] =	ssyncset.done $0x0  }
0x7b: {  	[sflag:s10] =	ssyncadd.s32 $0xFFFFC000  }
0x7c: {  	s28 =	simm.s32 $0x1;
	_ =	swait.ge [sflag:s23], $0x80  }
0x7d: {  	s11 =	simm.s32 $0x0;
	s12 =	smin.u32 s28, $0x4F;
	[sflag:s23] =	ssyncset.done $0x0  }
0x7e: {  	s19 =	sadd.s32 s16, s12;
	s6 =	sshll.u32 s12, $0x4;
	[sflag:s23] =	ssyncadd.s32 $0xFFFFFF80  }
0x7f: {  	s3 =	sand.u32 $0x1, s11;
	s6 =	sand.u32 $0x70, s6;
	_ =	swait.ge [sflag:s24], $0x4000  }
0x80: {  	p3 =	seq.s32 s3, $0x1;
	s10 =	sshll.u32 s19, $0x4;
	[sflag:s24] =	ssyncset.done $0x0  }
0x81: {  	s6 =	sadd.s32 s5, s6;
	p1 =	por @p3 $0x1, $0x1;
	[sflag:s24] =	ssyncadd.s32 $0xFFFFC000  }
0x82: {  	s22 =	sand.u32 $0x1FF80, s10;
	p2 =	por p1, !p3;
	[bflag:$0x0] =	sbarrier.arrive $0xFFFF  }
0x83: {  	[tilespmem:s11], [sflag:$0x1] =	stream.linear.gather [hbm4b:s17+s11], $0x80, $0x38;
	[tilespmem:$0x1FD00] =	vst v63  }
0x84: {  	s3 =	sadd.s32 s22, s6;
	s6 =	simm.s32 @p3 $0x0;
	s10 =	simm.s32 @!p2 $0x4  }
0x85: {  	[tilespmem:s6], [sflag:$0x1] =	stream.linear.gather @p3 [hbm4b:s3+s6], $0x80, $0x38;
	[tilespmem:$0x1FD00] =	vst v63  }
0x86: {  	_ =	swait.ge @!p2 [sflag:s10], $0x4000  }
0x87: {  	[sflag:s10] =	ssyncset.done @!p2 $0x0  }
0x88: {  	p1 =	por p3, p3;
	s11 =	simm.s32 @p3 $0x2;
	[sflag:s10] =	ssyncadd.s32 @!p2 $0xFFFFC000  }
0x89: {  	_ =	swait.ge @p1 [sflag:s11], $0x80  }
0x8a: {  	s12 =	simm.s32 @p1 $0x80;
	[sflag:s11] =	ssyncset.done @p1 $0x0  }
0x8b: {  	s19 =	simm.s32 @p1 $0x4100;
	s10 =	simm.s32 @p1 $0x5;
	[sflag:s11] =	ssyncadd.s32 @p1 $0xFFFFFF80  }
0x8c: {  	[tilespmem:s19], [sflag:$0x5] =	stream.indirect.gather @p1 [spmem:s1], $0x80, s12, s12, $0xb8;
	[tilespmem:$0x1FD00] =	vst v63  }
0x8d: {  	_ =	swait.ge @p1 [sflag:s10], $0x4000  }
0x8e: {  	[sflag:s10] =	ssyncset.done @p1 $0x0  }
0x8f: {  	s30 =	simm.s32 @!p3 $0x0;
	s11 =	sadd.s32 @p1 s0, s7;
	[sflag:s10] =	ssyncadd.s32 @p1 $0xFFFFC000  }
0x90: {  	[hbm4b:s11+s6] =	stream.linear.scatter @p1 [tilespmem:s19], [sflag:$0x4], $0x4000, $0x38;
	[tilespmem:$0x1FD00] =	vst v63  }
0x91: {  	s31 =	simm.s32 @!p3 $0x80;
	p2 =	por @!p3 $0x1, $0x1;
	s6 =	sand.u32 @!p3 $0x1FFFF000, s0  }
0x92: {  	p2 =	por p2, p3;
	s19 =	smov.u32 s0;
	s29 =	sadd.s32 @!p3 s7, s6  }
.LBB2_4:
0x93: {  	s6 =	simm.s32 @!p2 $0x3  }
0x94: {  	s19 =	sadd.s32 $0x800, s19;
	s10 =	smov.u32 s28;
	s28 =	sadd.s32 $0x1, s28  }
0x95: {  	[tilespmem:s31], [sflag:$0x2] =	stream.linear.gather @!p1 [hbm4b:s3+s30], $0x80, $0x38;
	[tilespmem:$0x1FD00] =	vst v63  }
0x96: {  	s11 =	simm.s32 @!p1 $0x1;
	s3 =	smin.u32 s28, $0x4F;
	_ =	swait.ge @!p2 [sflag:s6], $0x4000  }
0x97: {  	s12 =	sadd.s32 s16, s3;
	s3 =	sshll.u32 s3, $0x4;
	[sflag:s6] =	ssyncset.done @!p2 $0x0  }
0x98: {  	s12 =	sshll.u32 s12, $0x4;
	s3 =	sand.u32 $0x70, s3;
	[sflag:s6] =	ssyncadd.s32 @!p2 $0xFFFFC000  }
0x99: {  	s6 =	sand.u32 $0x1FF80, s12;
	s3 =	sadd.s32 s5, s3;
	_ =	swait.ge @!p1 [sflag:s11], $0x80  }
0x9a: {  	s22 =	simm.s32 @!p1 $0x5;
	s12 =	sand.u32 $0x1, s10;
	[sflag:s11] =	ssyncset.done @!p1 $0x0  }
0x9b: {  	p3 =	seq.s32 s12, $0x1;
	[sflag:s11] =	ssyncadd.s32 @!p1 $0xFFFFFF80;
	s11 =	simm.s32 @!p1 $0x100  }
0x9c: {  	[tilespmem:s11], [sflag:$0x5] =	stream.indirect.gather @!p1 [spmem:s1], $0x80, s30, s31, $0xb8;
	[tilespmem:$0x1FD00] =	vst v63  }
0x9d: {  	p4 =	slt.u32 @p3 s10, $0x2;
	p2 =	slt.u32 @!p3 s10, $0x2;
	_ =	swait.ge @!p1 [sflag:s22], $0x4000  }
0x9e: {  	s10 =	simm.s32 @!p3 $0x0;
	p2 =	por p2, p3;
	[sflag:s22] =	ssyncset.done @!p1 $0x0  }
0x9f: {  	s12 =	sand.u32 @!p3 $0x1FFFF000, s19;
	s31 =	simm.s32 @!p3 $0x80;
	[sflag:s22] =	ssyncadd.s32 @!p1 $0xFFFFC000  }
0xa0: {  	[hbm4b:s29+s30] =	stream.linear.scatter @!p1 [tilespmem:s11], [sflag:$0x3], $0x4000, $0x38;
	[tilespmem:$0x1FD00] =	vst v63  }
0xa1: {  	s3 =	sadd.s32 s6, s3;
	s6 =	simm.s32 @p3 $0x0;
	p5 =	por p4, !p3  }
0xa2: {  	[tilespmem:s6], [sflag:$0x1] =	stream.linear.gather @p3 [hbm4b:s3+s6], $0x80, $0x38;
	[tilespmem:$0x1FD00] =	vst v63  }
0xa3: {  	p4 =	sne.s32 s28, $0x50;
	s11 =	simm.s32 @!p5 $0x4;
	s29 =	sadd.s32 @!p3 s7, s12  }
0xa4: {  	s12 =	simm.s32 @p3 $0x2;
	s30 =	smov.u32 s10;
	_ =	swait.ge @!p5 [sflag:s11], $0x4000  }
0xa5: {  	p1 =	por p3, p3;
	[sflag:s11] =	ssyncset.done @!p5 $0x0  }
0xa6: {  	s10 =	simm.s32 @p1 $0x5;
	[sflag:s11] =	ssyncadd.s32 @!p5 $0xFFFFC000  }
0xa7: {  	s22 =	simm.s32 @p1 $0x4100;
	s11 =	simm.s32 @p1 $0x80;
	_ =	swait.ge @p1 [sflag:s12], $0x80  }
0xa8: {  	[sflag:s12] =	ssyncset.done @p1 $0x0  }
0xa9: {  	[sflag:s12] =	ssyncadd.s32 @p1 $0xFFFFFF80  }
0xaa: {  	[tilespmem:s22], [sflag:$0x5] =	stream.indirect.gather @p1 [spmem:s1], $0x80, s11, s11, $0xb8;
	[tilespmem:$0x1FD00] =	vst v63  }
.Ltmp1:
0xab: {  	_ = 	snop;
	(pc) =	sbr.rel @p4 .LBB2_4-.Ltmp1, $4  }
0xac: {  	s11 =	sadd.s32 @p1 s19, s7;
	_ =	swait.ge @p1 [sflag:s10], $0x4000  }
0xad: {  	[sflag:s10] =	ssyncset.done @p1 $0x0  }
0xae: {  	[sflag:s10] =	ssyncadd.s32 @p1 $0xFFFFC000  }
0xaf: {  	[hbm4b:s11+s6] =	stream.linear.scatter @p1 [tilespmem:s22], [sflag:$0x4], $0x4000, $0x38;
	[tilespmem:$0x1FD00] =	vst v63  }
0xb0: {  	s6 =	simm.s32 @!p2 $0x3  }
0xb1: {  	[tilespmem:s31], [sflag:$0x2] =	stream.linear.gather @!p1 [hbm4b:s3+s30], $0x80, $0x38;
	[tilespmem:$0x1FD00] =	vst v63  }
0xb2: {  	_ =	swait.ge @!p2 [sflag:s6], $0x4000  }
0xb3: {  	[sflag:s6] =	ssyncset.done @!p2 $0x0  }
0xb4: {  	s3 =	simm.s32 @!p1 $0x1;
	[sflag:s6] =	ssyncadd.s32 @!p2 $0xFFFFC000  }
0xb5: {  	_ =	swait.ge @!p1 [sflag:s3], $0x80  }
0xb6: {  	[sflag:s3] =	ssyncset.done @!p1 $0x0  }
0xb7: {  	s6 =	simm.s32 @!p1 $0x5;
	[sflag:s3] =	ssyncadd.s32 @!p1 $0xFFFFFF80;
	s3 =	simm.s32 @!p1 $0x100  }
0xb8: {  	[tilespmem:s3], [sflag:$0x5] =	stream.indirect.gather @!p1 [spmem:s1], $0x80, s30, s31, $0xb8;
	[tilespmem:$0x1FD00] =	vst v63  }
0xb9: {  	_ =	swait.ge @!p1 [sflag:s6], $0x4000  }
0xba: {  	[sflag:s6] =	ssyncset.done @!p1 $0x0  }
0xbb: {  	[sflag:s6] =	ssyncadd.s32 @!p1 $0xFFFFC000  }
0xbc: {  	[hbm4b:s29+s30] =	stream.linear.scatter @!p1 [tilespmem:s3], [sflag:$0x3], $0x4000, $0x38;
	[tilespmem:$0x1FD00] =	vst v63  }
0xbd: {  	_ =	swait.ge [sflag:s23], $0x80  }
0xbe: {  	[sflag:s23] =	ssyncset.done $0x0  }
0xbf: {  	s26 =	sadd.s32 $0x1, s26;
	[sflag:s23] =	ssyncadd.s32 $0xFFFFFF80  }
0xc0: {  	p1 =	sne.s32 s26, s18;
	_ =	swait.ge [sflag:s24], $0x4000  }
.Ltmp2:
0xc1: {  	[sflag:s24] =	ssyncset.done $0x0;
	(pc) =	sbr.rel @p1 .LBB2_1-.Ltmp2, $4  }
0xc2: {  	[sflag:s24] =	ssyncadd.s32 $0xFFFFC000  }
0xc3: {  	_ =	swait.ge [sflag:s25], $0x4000  }
0xc4: {  	[sflag:s25] =	ssyncset.done $0x0  }
0xc5: {  	[sflag:s25] =	ssyncadd.s32 $0xFFFFC000  }
0xc6: {  	_ =	sfence.sel $0x180000  }
0xc7: {  	[bflag:$0x0] =	sbarrier.arrive $0xFFFF  }
0xc8: {  	_ =	strace $0x9000004A  }
0xc9: {  	s0 =	stileid.u32;
	[bflag:$0x2] =	sbarrier.arrive $0xFFFF  }
0xca: {  	p0 =	sne.s32 s0, $0x0;
	s0 =	rddreg [dreg:$0x2]  }
0xcb: {  	s0 =	sadd.s32 @!p0 $0x100000, s0  }
0xcc: {  	[sflag:s0] =	ssyncadd.tile.s32 @!p0 $0x1;
	_ =	shalt  }
.Lfunc_end2:
_tile_overlayer_lowered:
.L_overlay_start_2:
0xcd: {  	(tag) =	ssettag $0x2  }
0xce: {  	s0 =	rddreg [dreg:$0x0];
	s2 =	stileid.u32  }
0xcf: {  	s1 =	rddreg [dreg:$0x1];
	p0 =	sne.s32 s2, $0x0  }
0xd0: {  	s3 =	rddreg [dreg:$0x2];
	[bflag:$0x3] =	sbarrier.arrive $0xFFFF;
	s2 =	simm.s32 @!p0 $0x1C06  }
0xd1: {  	[timem:s3], [sflag:s2] =	dma.local @!p0 [hbm:s0], s1  }
0xd2: {  	s0 =	simm.s32 @!p0 $0x6  }
0xd3: {  	_ =	swait.ge @!p0 [sflag:s0], s1  }
0xd4: {  	s1 =	ssub.s32 @!p0 $0x0, s1;
	[sflag:s0] =	ssyncset.done @!p0 $0x0  }
0xd5: {  	[sflag:s0] =	ssyncadd.s32 @!p0 s1  }
0xd6: {  	[bflag:$0x3] =	sbarrier.arrive $0xFFFF  }
0xd7: {  	_ =	shalt  }

// kernel: kernel.15.cloned.1.call-start
scs
__scs_entry_jumppad:
0x0: {  	(pc) =	sbr.rel $0x88, $3  }
0x1: {  	(tag) =	ssettag $0x0;
	lr =	simm.s32 $0x1  }
0x2: {  	[smem:$0x3F8F] =	sst lr;
	_ =	strace $0xD0000000  }
0x3: {  	_ = 	snop  }
0x4: {  	_ = 	snop  }
0x5: {  	_ = 	snop  }
0x6: {  	_ = 	snop  }
0x7: {  	_ = 	snop  }
__scs_overlays_trampoline_lowered:
0x8: {  	[smem:$0x3F9E] =	sst s0  }
0x9: {  	[smem:$0x3F9F] =	sst s1  }
0xa: {  	[smem:$0x3FA0] =	sst s2  }
0xb: {  	[smem:$0x3FA1] =	sst s3  }
0xc: {  	[smem:$0x3FA2] =	sst s4  }
0xd: {  	[smem:$0x3FA3] =	sst s5  }
0xe: {  	[smem:$0x3FA4] =	sst s6  }
0xf: {  	[smem:$0x3FA5] =	sst s7  }
0x10: {  	[smem:$0x3FA6] =	sst s8  }
0x11: {  	[smem:$0x3FA7] =	sst s9;
	s0 =	simm.s32 @!p0 $0x0  }
0x12: {  	s1 =	sld [smem:$0x3F8D];
	s0 =	simm.s32 @p0 $0x1  }
0x13: {  	[smem:$0x3FA8] =	sst s0;
	s0 =	simm.s32 @!p1 $0x0  }
0x14: {  	s2 =	sld [smem:$0x3F8C];
	s0 =	simm.s32 @p1 $0x1  }
0x15: {  	[smem:$0x3FA9] =	sst s0;
	s0 =	simm.s32 @!p2 $0x0  }
0x16: {  	s3 =	sld [smem:$0x3FDB];
	s0 =	simm.s32 @p2 $0x1  }
0x17: {  	s4 =	simm.s32 $0x1BF5;
	[smem:$0x3FAB] =	sst s0  }
0x18: {  	s0 =	sld [smem:$0x3F8E];
	_ =	swait.ge [sflag:s4], $0x0  }
0x19: {  	s7 =	sld [smem:$0x3F8F]  }
0x1a: {  	s8 =	sadd.s32 $0xFFFFE003, lr  }
0x1b: {  	s9 =	sadd.s32 $0xFFFFFEF7, lr;
	s5 =	simm.s32 $0xFFFFFFFF;
	p2 =	slt.u32 s8, $0xFFFFF086  }
0x1c: {  	p1 =	slt.u32 s9, $0xF7A;
	s5 =	simm.s32 @!p2 $0x0  }
0x1d: {  	s5 =	simm.s32 @p1 $0x1;
	p0 =	seq.s32 s7, s2  }
0x1e: {  	s7 =	smul.u32 @!p0 $0xF7A, s2;
	p2 =	seq.s32 @!p0 s5, $0x0  }
0x1f: {  	s9 =	smul.u32 $0xF7A, s1;
	s8 =	simm.s32 @!p0 $0x1BF5;
	p2 =	por !p2, p0  }
0x20: {  	[sflag:s8] =	ssyncset.s32 @!p0 $0xFFFFF086;
	s6 =	sadd.s32 @!p0 s3, s7;
	s7 =	simm.s32 @!p0 $0x108  }
0x21: {  	s3 =	sadd.s32 s3, s9;
	s6 =	sadd.s32 @!p0 $0x88, s6;
	s7 =	simm.s32 @p2 $0x1082  }
0x22: {  	[simem:s7], [sflag:s8] =	dma.local @!p0 [hbm:s6], $0xF7A  }
0x23: {  	s9 =	sor.u32 $0xD0000000, s2;
	s6 =	simm.s32 $0x108;
	_ =	swait.ge @!p0 [sflag:s8], $0x0  }
0x24: {  	s3 =	sadd.s32 $0x88, s3;
	s6 =	simm.s32 @!p1 $0x1082;
	[sflag:s4] =	ssyncset.s32 $0xFFFFF086  }
0x25: {  	[simem:s6], [sflag:s4] =	dma.local [hbm:s3], $0xF7A  }
0x26: {  	[smem:$0x3F8F] =	sst s1;
	(tag) =	ssettag s2;
	_ =	strace s9  }
0x27: {  	s1 =	sld [smem:$0x3F9F]  }
0x28: {  	s2 =	sld [smem:$0x3FA0]  }
0x29: {  	s4 =	sld [smem:$0x3FA2]  }
0x2a: {  	p0 =	seq.s32 s5, $0x0;
	s5 =	sld [smem:$0x3FA3]  }
0x2b: {  	s6 =	sld [smem:$0x3FA4]  }
0x2c: {  	s7 =	sld [smem:$0x3FA5]  }
0x2d: {  	s3 =	simm.s32 $0x108;
	s8 =	sld [smem:$0x3FA6]  }
0x2e: {  	s3 =	simm.s32 @!p0 $0x1082;
	s9 =	sld [smem:$0x3FA7]  }
0x2f: {  	lr =	sadd.s32 s0, s3;
	s0 =	sld [smem:$0x3F9E]  }
0x30: {  	s3 =	sld [smem:$0x3FA1]  }
0x31: {  	[smem:$0x3FAA] =	sst s10  }
0x32: {  	s10 =	sld [smem:$0x3FA8];
	_ =	sdelay $0x3  }
0x33: {  	p0 =	seq.s32 s10, $0x1;
	s10 =	sld [smem:$0x3FAA];
	_ =	sdelay $0x3  }
0x34: {  	[smem:$0x3FAA] =	sst s10  }
0x35: {  	s10 =	sld [smem:$0x3FA9];
	_ =	sdelay $0x3  }
0x36: {  	p1 =	seq.s32 s10, $0x1;
	s10 =	sld [smem:$0x3FAA];
	_ =	sdelay $0x3  }
0x37: {  	[smem:$0x3FAA] =	sst s10  }
0x38: {  	s10 =	sld [smem:$0x3FAB]  }
0x39: {  	_ = 	snop;
	(pc) =	sbr.ind lr, $3  }
0x3a: {  	_ = 	snop  }
0x3b: {  	_ = 	snop  }
0x3c: {  	p2 =	seq.s32 s10, $0x1;
	s10 =	sld [smem:$0x3FAA]  }
0x3d: {  	_ =	shalt  }
0x3e: {  	_ =	shalt  }
0x3f: {  	_ =	shalt  }
0x40: {  	_ =	shalt  }
0x41: {  	_ =	shalt  }
0x42: {  	_ =	shalt  }
0x43: {  	_ =	shalt  }
0x44: {  	_ =	shalt  }
0x45: {  	_ =	shalt  }
0x46: {  	_ =	shalt  }
0x47: {  	_ =	shalt  }
0x48: {  	_ =	shalt  }
0x49: {  	_ =	shalt  }
0x4a: {  	_ =	shalt  }
0x4b: {  	_ =	shalt  }
0x4c: {  	_ =	shalt  }
0x4d: {  	_ =	shalt  }
0x4e: {  	_ =	shalt  }
0x4f: {  	_ =	shalt  }
0x50: {  	_ =	shalt  }
0x51: {  	_ =	shalt  }
0x52: {  	_ =	shalt  }
0x53: {  	_ =	shalt  }
0x54: {  	_ =	shalt  }
0x55: {  	_ =	shalt  }
0x56: {  	_ =	shalt  }
0x57: {  	_ =	shalt  }
0x58: {  	_ =	shalt  }
0x59: {  	_ =	shalt  }
0x5a: {  	_ =	shalt  }
0x5b: {  	_ =	shalt  }
0x5c: {  	_ =	shalt  }
0x5d: {  	_ =	shalt  }
0x5e: {  	_ =	shalt  }
0x5f: {  	_ =	shalt  }
0x60: {  	_ =	shalt  }
0x61: {  	_ =	shalt  }
0x62: {  	_ =	shalt  }
0x63: {  	_ =	shalt  }
0x64: {  	_ =	shalt  }
0x65: {  	_ =	shalt  }
0x66: {  	_ =	shalt  }
0x67: {  	_ =	shalt  }
0x68: {  	_ =	shalt  }
0x69: {  	_ =	shalt  }
0x6a: {  	_ =	shalt  }
0x6b: {  	_ =	shalt  }
0x6c: {  	_ =	shalt  }
0x6d: {  	_ =	shalt  }
0x6e: {  	_ =	shalt  }
0x6f: {  	_ =	shalt  }
0x70: {  	_ =	shalt  }
0x71: {  	_ =	shalt  }
0x72: {  	_ =	shalt  }
0x73: {  	_ =	shalt  }
0x74: {  	_ =	shalt  }
0x75: {  	_ =	shalt  }
0x76: {  	_ =	shalt  }
0x77: {  	_ =	shalt  }
0x78: {  	_ =	shalt  }
0x79: {  	_ =	shalt  }
0x7a: {  	_ =	shalt  }
0x7b: {  	_ =	shalt  }
0x7c: {  	_ =	shalt  }
0x7d: {  	_ =	shalt  }
0x7e: {  	_ =	shalt  }
0x7f: {  	_ =	shalt  }
0x80: {  	_ =	shalt  }
0x81: {  	_ =	shalt  }
0x82: {  	_ =	shalt  }
0x83: {  	_ =	shalt  }
0x84: {  	_ =	shalt  }
0x85: {  	_ =	shalt  }
0x86: {  	_ =	shalt  }
0x87: {  	_ =	shalt  }
.Lfunc_end0:
.L_simem_size_0:
called_computation.2_lowered:
.L_overlay_start_0:
0x88: {  	s2 =	sld [smem:$0x3FD9]  }
0x89: {  	s3 =	sld [smem:$0x3FFE];
	_ =	sdelay $0x1  }
0x8a: {  	s1 =	srdreg.scid  }
0x8b: {  	s0 =	sand.u32 $0x1, s1  }
0x8c: {  	s16 =	sshll.u32 s0, $0xA;
	s2 =	sadd.s32 s3, s2  }
0x8d: {  	s2 =	sadd.s32 s2, s16  }
0x8e: {  	[smem:$0x3FB6] =	sst s2  }
0x8f: {  	_ = 	snop  }
0x90: {  	(tm) =	ssettm $0x1  }
0x91: {  	s17 =	sld [smem:$0x3FFB];
	_ =	sdelay $0x3  }
0x92: {  	_ =	strace s17  }
0x93: {  	s2 =	sld [smem:$0x3FFC];
	_ =	sdelay $0x3  }
0x94: {  	_ =	strace s2  }
0x95: {  	s2 =	sld [smem:$0x3FFD];
	_ =	sdelay $0x3  }
0x96: {  	_ =	strace s2  }
0x97: {  	_ =	strace $0x8FFFFFFF  }
0x98: {  	s18 =	sld [smem:$0x3FDB];
	_ =	sdelay $0x1  }
0x99: {  	s19 =	simm.s32 $_scs_section_size  }
0x9a: {  	s4 =	simm.s32 $_size__tile_overlayer_lowered;
	s5 =	simm.s32 $_tile_overlayer_lowered  }
0x9b: {  	s22 =	simm.s32 $0x1BFF;
	s21 =	sshll.u32 s5, $0x1;
	s2 =	sadd.s32 s19, s18  }
0x9c: {  	s6 =	simm.s32 $0x0;
	s20 =	sshll.u32 s4, $0x1;
	s4 =	sadd.s32 s21, s2  }
0x9d: {  	[timem:s6], [sflag:s22] =	dma.local [hbm:s4], s20  }
0x9e: {  	_ =	swait.ge [sflag:s22], s20  }
0x9f: {  	s3 =	ssub.s32 $0x0, s20;
	[sflag:s22] =	ssyncset.done $0x0  }
0xa0: {  	[sflag:s22] =	ssyncadd.s32 s3;
	_ =	sdelay $0x1  }
0xa1: {  	s23 =	simm.s32 $0x1B8B  }
0xa2: {  	_ =	swait.ge [sflag:s23], $0x1  }
0xa3: {  	[sflag:s23] =	ssyncset.done $0x0  }
0xa4: {  	s25 =	simm.s32 $0x1B8E;
	s24 =	sld [smem:$0x3FFE];
	[sflag:s23] =	ssyncadd.s32 $0xFFFFFFFF  }
0xa5: {  	s26 =	simm.s32 $execute0_lowered;
	[smem:$0x3FD2] =	sst s25  }
0xa6: {  	s4 =	sshll.u32 s26, $0x1;
	_ =	strace $0x8000004C;
	[dreg:$0x1] =	wrdreg $0xFFFFFFFF  }
0xa7: {  	s28 =	simm.s32 $_size_execute0_lowered;
	s2 =	sadd.s32 s2, s4;
	[dreg:$0x0] =	wrdreg $0x0  }
0xa8: {  	s4 =	sshll.u32 s28, $0x1;
	[dreg:$0x2] =	wrdreg s2  }
0xa9: {  	[dreg:$0x3] =	wrdreg s4  }
0xaa: {  	[dreg:$0x4] =	wrdreg $0xC0  }
0xab: {  	_ =	task [dreg:s6], $0x5FFFF  }
0xac: {  	[dreg:$0x1] =	wrdreg $0xFFFFFFFF  }
0xad: {  	[dreg:$0x0] =	wrdreg $0x60  }
0xae: {  	[dreg:$0x2] =	wrdreg s24  }
0xaf: {  	[dreg:$0x3] =	wrdreg $0xC1000  }
0xb0: {  	[dreg:$0x4] =	wrdreg $0x9  }
0xb1: {  	_ =	task.clear_ibuf [dreg:s6], $0x5FFFF;
	_ =	strace $0x9000004C  }
0xb2: {  	s29 =	simm.s32 $0x9;
	_ =	strace $0x8000004E  }
0xb3: {  	_ =	swait.ge [sflag:s29], $0x1  }
0xb4: {  	[sflag:s29] =	ssyncadd.s32 $0xFFFFFFFF  }
0xb5: {  	_ =	strace $0x9000004E  }
0xb6: {  	_ =	sfence  }
0xb7: {  	s30 =	sld [smem:$0x0];
	_ =	sdelay $0x2  }
0xb8: {  	s31 =	sshll.u32 s1, $0xD;
	s1 =	sshrl.u32 s1, $0x2  }
0xb9: {  	s3 =	sand.u32 $0x4000, s31;
	s1 =	sadd.s32 s1, s30  }
0xba: {  	s0 =	sor.u32 s3, s0;
	s1 =	sshll.u32 s1, $0x11  }
0xbb: {  	s0 =	sor.u32 s1, s0  }
0xbc: {  	s0 =	sadd.s32 $0x8F2B, s0  }
0xbd: {  	[sflag:s0] =	ssyncadd.remote.s32 $0x1  }
0xbe: {  	_ =	sfence.sel $0xFFFF  }
0xbf: {  	[dreg:$0x0] =	wrdreg $0xFFFFFFFF;
	(pc) =	sbr.abs _section_cstart, $3  }
0xc0: {  	[dreg:$0x1] =	wrdreg $0xFFFFFFFF  }
0xc1: {  	_ =	task.clear_ibuf [dreg:s6], $0x2FFFF;
	_ =	strace $0x9FFFFFFF  }
0xc2: {  	(tm) =	ssettm $0x7FFFFFFF  }
0xc3: {  	_ =	shalt  }
tec
execute0_lowered:
.L_overlay_start_1:
0x0: {  	(tag) =	ssettag $0x1  }
0x1: {  	s0 =	rddreg [dreg:$0x0]  }
0x2: {  	s1 =	rddreg [dreg:$0x1];
	s2 =	simm.s32 $0x0;
	s3 =	srdreg.scid  }
0x3: {  	s11 =	stileid.u32;
	s20 =	simm.s32 $0x8100;
	s21 =	simm.s32 $0x6  }
0x4: {  	s23 =	simm.s32 $0x1;
	s24 =	simm.s32 $0x3;
	s25 =	simm.s32 $0x4  }
0x5: {  	[smem:$0x7FF] =	sst s2;
	s3 =	sand.u32 $0x1, s3;
	s10 =	smul.u32 $0xA00, s11  }
0x6: {  	s4 =	sadd.s32 $0xB8DE00, s0;
	s5 =	sadd.s32 $0xCE00, s0;
	s15 =	smul.u32 $0x50000, s11  }
0x7: {  	s7 =	sadd.s32 $0x2E00, s0;
	s9 =	sshll.u32 s11, $0xE;
	s31 =	smul.u32 $0x28000, s11  }
0x8: {  	p0 =	seq.s32 s11, $0xF;
	_ =	strace $0x8000004D;
	s6 =	ssub.s32 $0x2, s3  }
0x9: {  	[dreg:$0x3] =	wrdreg s7;
	s7 =	sadd.s32 $0x68DE00, s0;
	s28 =	sshll.u32 s3, $0x4  }
0xa: {  	s9 =	sadd.s32 s9, s1;
	s3 =	smul.u32 $0x280000, s3;
	s8 =	sshrl.u32 s6, $0x1  }
0xb: {  	s12 =	sadd.s32 $0x40000, s9;
	s29 =	sadd.s32 $0x80000, s9;
	s30 =	sadd.s32 $0xC0000, s9  }
0xc: {  	s13 =	sadd.s32 $0x100000, s9;
	s14 =	sadd.s32 s5, s10;
	s26 =	ssub.s32 s6, s8  }
0xd: {  	s8 =	smul.u32 $0xA0, s11;
	s6 =	sor.u32 s11, s28;
	[dreg:$0x4] =	wrdreg s12  }
0xe: {  	s15 =	sadd.s32 s4, s15;
	[dreg:$0x5] =	wrdreg s29;
	s17 =	smul.u32 $0x500, s6  }
0xf: {  	[dreg:$0x6] =	wrdreg s30;
	s0 =	sadd.s32 s31, s3;
	s16 =	smul.u32 $0x50, s6  }
0x10: {  	s18 =	smax.u32 s26, $0x1;
	s26 =	simm.s32 $0x0;
	s17 =	sadd.s32 s5, s17  }
.LBB2_1:
0x11: {  	s3 =	rddreg [dreg:$0x3]  }
0x12: {  	[tilespmem:s20], [sflag:$0x6] =	stream.linear.gather [hbm4b:s3+s2], $0x4000, $0x38;
	[tilespmem:$0x1FD00] =	vst v63  }
0x13: {  	_ =	swait.ge [sflag:s21], $0x4000  }
0x14: {  	[sflag:s21] =	ssyncset.done $0x0  }
0x15: {  	[sflag:s21] =	ssyncadd.s32 $0xFFFFC000  }
0x16: {  	[spmem:s9] =	stream.linear.scatter [tilespmem:s20], [sflag:$0x6], $0x4000, $0x38;
	[tilespmem:$0x1FD00] =	vst v63  }
0x17: {  	_ =	swait.ge [sflag:s21], $0x4000  }
0x18: {  	[sflag:s21] =	ssyncset.done $0x0  }
0x19: {  	s12 =	rddreg [dreg:$0x4];
	[sflag:s21] =	ssyncadd.s32 $0xFFFFC000  }
0x1a: {  	[spmem:s12] =	stream.linear.scatter [tilespmem:s20], [sflag:$0x6], $0x4000, $0x38;
	[tilespmem:$0x1FD00] =	vst v63  }
0x1b: {  	_ =	swait.ge [sflag:s21], $0x4000  }
0x1c: {  	[sflag:s21] =	ssyncset.done $0x0  }
0x1d: {  	s19 =	rddreg [dreg:$0x5];
	[sflag:s21] =	ssyncadd.s32 $0xFFFFC000  }
0x1e: {  	[spmem:s19] =	stream.linear.scatter [tilespmem:s20], [sflag:$0x6], $0x4000, $0x38;
	[tilespmem:$0x1FD00] =	vst v63  }
0x1f: {  	_ =	swait.ge [sflag:s21], $0x4000  }
0x20: {  	[sflag:s21] =	ssyncset.done $0x0  }
0x21: {  	s22 =	rddreg [dreg:$0x6];
	[sflag:s21] =	ssyncadd.s32 $0xFFFFC000  }
0x22: {  	[spmem:s22] =	stream.linear.scatter [tilespmem:s20], [sflag:$0x6], $0x4000, $0x38;
	[tilespmem:$0x1FD00] =	vst v63  }
0x23: {  	_ =	swait.ge [sflag:s21], $0x4000  }
0x24: {  	[sflag:s21] =	ssyncset.done $0x0  }
0x25: {  	s3 =	simm.s32 @!p0 $0x8100;
	[sflag:s21] =	ssyncadd.s32 $0xFFFFC000  }
0x26: {  	[spmem:s13] =	stream.linear.scatter @!p0 [tilespmem:s3], [sflag:$0x6], $0x4000, $0x38;
	[tilespmem:$0x1FD00] =	vst v63  }
0x27: {  	s3 =	simm.s32 @!p0 $0x6  }
0x28: {  	_ =	swait.ge @!p0 [sflag:s3], $0x4000  }
0x29: {  	[sflag:s3] =	ssyncset.done @!p0 $0x0  }
0x2a: {  	[sflag:s3] =	ssyncadd.s32 @!p0 $0xFFFFC000  }
0x2b: {  	[bflag:$0x0] =	sbarrier.arrive $0xFFFF  }
0x2c: {  	[tilespmem:s2], [sflag:$0x1] =	stream.linear.gather [hbm4b:s14+s2], $0x80, $0x38;
	[tilespmem:$0x1FD00] =	vst v63  }
0x2d: {  	s6 =	simm.s32 $0x100;
	s10 =	smin.u32 s23, $0x9F  }
0x2e: {  	[tilespmem:s6], [sflag:$0x3] =	stream.linear.gather [hbm4b:s15+s2], $0x4000, $0x38;
	[tilespmem:$0x1FD00] =	vst v63  }
0x2f: {  	s3 =	sshll.u32 s10, $0x4;
	s6 =	sadd.s32 s8, s10  }
0x30: {  	s19 =	sand.u32 $0x1, s23;
	s3 =	sand.u32 $0x70, s3;
	s10 =	sshll.u32 s6, $0x4  }
0x31: {  	p1 =	seq.s32 s19, $0x0;
	s3 =	sadd.s32 s5, s3;
	s10 =	sand.u32 $0x1FF80, s10  }
0x32: {  	s6 =	sshll.u32 s6, $0xB;
	s3 =	sadd.s32 s10, s3;
	s10 =	simm.s32 @p1 $0x0  }
0x33: {  	[tilespmem:s10], [sflag:$0x1] =	stream.linear.gather @p1 [hbm4b:s3+s10], $0x80, $0x38;
	[tilespmem:$0x1FD00] =	vst v63  }
0x34: {  	s19 =	simm.s32 @p1 $0x100;
	s22 =	simm.s32 @p1 $0x2;
	s6 =	sadd.s32 s4, s6  }
0x35: {  	[tilespmem:s19], [sflag:$0x3] =	stream.linear.gather @p1 [hbm4b:s6+s10], $0x4000, $0x38;
	[tilespmem:$0x1FD00] =	vst v63  }
0x36: {  	_ =	swait.ge @p1 [sflag:s22], $0x80  }
0x37: {  	[sflag:s22] =	ssyncset.done @p1 $0x0  }
0x38: {  	s10 =	simm.s32 @p1 $0x4;
	[sflag:s22] =	ssyncadd.s32 @p1 $0xFFFFFF80  }
0x39: {  	_ =	swait.ge @p1 [sflag:s10], $0x4000  }
0x3a: {  	[sflag:s10] =	ssyncset.done @p1 $0x0  }
0x3b: {  	s19 =	simm.s32 @p1 $0x4100;
	[sflag:s10] =	ssyncadd.s32 @p1 $0xFFFFC000;
	s10 =	simm.s32 @p1 $0x80  }
0x3c: {  	[spmem:s1] =	stream.indirect.scatter.add.f32 @p1 [tilespmem:s19], [sflag:$0x6], $0x80, s10, s10, $0xb8;
	[tilespmem:$0x1FD00] =	vst v63  }
0x3d: {  	s30 =	simm.s32 @!p1 $0x80;
	s19 =	simm.s32 @!p1 $0x0  }
0x3e: {  	[tilespmem:s30], [sflag:$0x2] =	stream.linear.gather @!p1 [hbm4b:s3+s19], $0x80, $0x38;
	[tilespmem:$0x1FD00] =	vst v63  }
0x3f: {  	s28 =	simm.s32 $0x3;
	s10 =	simm.s32 @!p1 $0x1;
	s3 =	simm.s32 @!p1 $0x4100  }
0x40: {  	[tilespmem:s3], [sflag:$0x4] =	stream.linear.gather @!p1 [hbm4b:s6+s19], $0x4000, $0x38;
	[tilespmem:$0x1FD00] =	vst v63  }
0x41: {  	s29 =	simm.s32 @!p1 $0x7;
	s31 =	simm.s32 @!p1 $0x100;
	_ =	swait.ge @!p1 [sflag:s10], $0x80  }
0x42: {  	s29 =	simm.s32 @p1 $0x6;
	s3 =	simm.s32 $0x2;
	[sflag:s10] =	ssyncset.done @!p1 $0x0  }
0x43: {  	s6 =	simm.s32 @!p1 $0x3;
	s11 =	smin.u32 s3, $0x9F;
	[sflag:s10] =	ssyncadd.s32 @!p1 $0xFFFFFF80  }
0x44: {  	s22 =	sadd.s32 s8, s11;
	s10 =	sshll.u32 s11, $0x4;
	_ =	swait.ge @!p1 [sflag:s6], $0x4000  }
0x45: {  	s12 =	sshll.u32 s22, $0x4;
	s10 =	sand.u32 $0x70, s10;
	[sflag:s6] =	ssyncset.done @!p1 $0x0  }
0x46: {  	s10 =	sadd.s32 s5, s10;
	[sflag:s6] =	ssyncadd.s32 @!p1 $0xFFFFC000;
	s6 =	sand.u32 $0x1FF80, s12  }
.LBB2_2:
0x47: {  	[spmem:s1] =	stream.indirect.scatter.add.f32 @!p1 [tilespmem:s31], [sflag:$0x7], $0x80, s19, s30, $0xb8;
	[tilespmem:$0x1FD00] =	vst v63  }
0x48: {  	s19 =	smov.u32 s28  }
0x49: {  	s3 =	sand.u32 $0x1, s3;
	s22 =	sshll.u32 s22, $0xB;
	_ =	swait.ge [sflag:s29], $0x4000  }
0x4a: {  	s28 =	sadd.s32 $0x1, s28;
	p1 =	seq.s32 s3, $0x0;
	[sflag:s29] =	ssyncset.done $0x0  }
0x4b: {  	s6 =	sadd.s32 s6, s10;
	s3 =	simm.s32 @p1 $0x0;
	[sflag:s29] =	ssyncadd.s32 $0xFFFFC000  }
0x4c: {  	[tilespmem:s3], [sflag:$0x1] =	stream.linear.gather @p1 [hbm4b:s6+s3], $0x80, $0x38;
	[tilespmem:$0x1FD00] =	vst v63  }
0x4d: {  	s10 =	sadd.s32 s4, s22;
	s22 =	simm.s32 @p1 $0x100;
	s30 =	simm.s32 @p1 $0x2  }
0x4e: {  	[tilespmem:s22], [sflag:$0x3] =	stream.linear.gather @p1 [hbm4b:s10+s3], $0x4000, $0x38;
	[tilespmem:$0x1FD00] =	vst v63  }
0x4f: {  	p2 =	sne.s32 s28, $0xA1;
	s29 =	simm.s32 @!p1 $0x7;
	_ =	swait.ge @p1 [sflag:s30], $0x80  }
0x50: {  	s3 =	smov.u32 s19;
	[sflag:s30] =	ssyncset.done @p1 $0x0  }
0x51: {  	s19 =	simm.s32 @p1 $0x4;
	[sflag:s30] =	ssyncadd.s32 @p1 $0xFFFFFF80  }
0x52: {  	_ =	swait.ge @p1 [sflag:s19], $0x4000  }
0x53: {  	[sflag:s19] =	ssyncset.done @p1 $0x0  }
0x54: {  	s22 =	simm.s32 @p1 $0x4100;
	[sflag:s19] =	ssyncadd.s32 @p1 $0xFFFFC000;
	s19 =	simm.s32 @p1 $0x80  }
0x55: {  	[spmem:s1] =	stream.indirect.scatter.add.f32 @p1 [tilespmem:s22], [sflag:$0x6], $0x80, s19, s19, $0xb8;
	[tilespmem:$0x1FD00] =	vst v63  }
0x56: {  	s30 =	simm.s32 @!p1 $0x80;
	s19 =	simm.s32 @!p1 $0x0  }
0x57: {  	[tilespmem:s30], [sflag:$0x2] =	stream.linear.gather @!p1 [hbm4b:s6+s19], $0x80, $0x38;
	[tilespmem:$0x1FD00] =	vst v63  }
0x58: {  	s22 =	simm.s32 @!p1 $0x1;
	s6 =	simm.s32 @!p1 $0x4100  }
0x59: {  	[tilespmem:s6], [sflag:$0x4] =	stream.linear.gather @!p1 [hbm4b:s10+s19], $0x4000, $0x38;
	[tilespmem:$0x1FD00] =	vst v63  }
0x5a: {  	s31 =	simm.s32 @!p1 $0x100;
	_ =	swait.ge @!p1 [sflag:s22], $0x80  }
.Ltmp0:
0x5b: {  	s29 =	simm.s32 @p1 $0x6;
	[sflag:s22] =	ssyncset.done @!p1 $0x0;
	(pc) =	sbr.rel @p2 .LBB2_2-.Ltmp0, $4  }
0x5c: {  	s11 =	simm.s32 @!p1 $0x3;
	s6 =	smin.u32 s3, $0x9F;
	[sflag:s22] =	ssyncadd.s32 @!p1 $0xFFFFFF80  }
0x5d: {  	s22 =	sadd.s32 s8, s6;
	s6 =	sshll.u32 s6, $0x4;
	_ =	swait.ge @!p1 [sflag:s11], $0x4000  }
0x5e: {  	s10 =	sshll.u32 s22, $0x4;
	s12 =	sand.u32 $0x70, s6;
	[sflag:s11] =	ssyncset.done @!p1 $0x0  }
0x5f: {  	s6 =	sand.u32 $0x1FF80, s10;
	s10 =	sadd.s32 s5, s12;
	[sflag:s11] =	ssyncadd.s32 @!p1 $0xFFFFC000  }
0x60: {  	[spmem:s1] =	stream.indirect.scatter.add.f32 @!p1 [tilespmem:s31], [sflag:$0x7], $0x80, s19, s30, $0xb8;
	[tilespmem:$0x1FD00] =	vst v63  }
0x61: {  	s3 =	sand.u32 $0x1, s3;
	_ =	swait.ge [sflag:s29], $0x4000  }
0x62: {  	s11 =	sshll.u32 s22, $0xB;
	p1 =	seq.s32 s3, $0x0;
	[sflag:s29] =	ssyncset.done $0x0  }
0x63: {  	s3 =	sadd.s32 s6, s10;
	s6 =	simm.s32 @p1 $0x0;
	[sflag:s29] =	ssyncadd.s32 $0xFFFFC000  }
0x64: {  	[tilespmem:s6], [sflag:$0x1] =	stream.linear.gather @p1 [hbm4b:s3+s6], $0x80, $0x38;
	[tilespmem:$0x1FD00] =	vst v63  }
0x65: {  	s10 =	sadd.s32 s4, s11;
	s11 =	simm.s32 @p1 $0x100;
	s12 =	simm.s32 @p1 $0x2  }
0x66: {  	[tilespmem:s11], [sflag:$0x3] =	stream.linear.gather @p1 [hbm4b:s10+s6], $0x4000, $0x38;
	[tilespmem:$0x1FD00] =	vst v63  }
0x67: {  	_ =	swait.ge @p1 [sflag:s12], $0x80  }
0x68: {  	[sflag:s12] =	ssyncset.done @p1 $0x0  }
0x69: {  	s6 =	simm.s32 @p1 $0x4;
	[sflag:s12] =	ssyncadd.s32 @p1 $0xFFFFFF80  }
0x6a: {  	_ =	swait.ge @p1 [sflag:s6], $0x4000  }
0x6b: {  	[sflag:s6] =	ssyncset.done @p1 $0x0  }
0x6c: {  	s11 =	simm.s32 @p1 $0x4100;
	[sflag:s6] =	ssyncadd.s32 @p1 $0xFFFFC000;
	s6 =	simm.s32 @p1 $0x80  }
0x6d: {  	[spmem:s1] =	stream.indirect.scatter.add.f32 @p1 [tilespmem:s11], [sflag:$0x6], $0x80, s6, s6, $0xb8;
	[tilespmem:$0x1FD00] =	vst v63  }
0x6e: {  	s6 =	simm.s32 @!p1 $0x0;
	s11 =	simm.s32 @!p1 $0x80  }
0x6f: {  	[tilespmem:s11], [sflag:$0x2] =	stream.linear.gather @!p1 [hbm4b:s3+s6], $0x80, $0x38;
	[tilespmem:$0x1FD00] =	vst v63  }
0x70: {  	s12 =	simm.s32 @!p1 $0x1;
	s3 =	simm.s32 @!p1 $0x4100  }
0x71: {  	[tilespmem:s3], [sflag:$0x4] =	stream.linear.gather @!p1 [hbm4b:s10+s6], $0x4000, $0x38;
	[tilespmem:$0x1FD00] =	vst v63  }
0x72: {  	_ =	swait.ge @!p1 [sflag:s12], $0x80  }
0x73: {  	[sflag:s12] =	ssyncset.done @!p1 $0x0  }
0x74: {  	s3 =	simm.s32 @!p1 $0x3;
	[sflag:s12] =	ssyncadd.s32 @!p1 $0xFFFFFF80  }
0x75: {  	_ =	swait.ge @!p1 [sflag:s3], $0x4000  }
0x76: {  	s10 =	simm.s32 @!p1 $0x7;
	[sflag:s3] =	ssyncset.done @!p1 $0x0  }
0x77: {  	s10 =	simm.s32 @p1 $0x6;
	s12 =	simm.s32 @!p1 $0x100;
	[sflag:s3] =	ssyncadd.s32 @!p1 $0xFFFFC000  }
0x78: {  	[spmem:s1] =	stream.indirect.scatter.add.f32 @!p1 [tilespmem:s12], [sflag:$0x7], $0x80, s6, s11, $0xb8;
	[tilespmem:$0x1FD00] =	vst v63  }
0x79: {  	_ =	swait.ge [sflag:s10], $0x4000  }
0x7a: {  	[sflag:s10] =	ssyncset.done $0x0  }
0x7b: {  	[sflag:s10] =	ssyncadd.s32 $0xFFFFC000  }
0x7c: {  	s28 =	simm.s32 $0x1;
	_ =	swait.ge [sflag:s23], $0x80  }
0x7d: {  	s11 =	simm.s32 $0x0;
	s12 =	smin.u32 s28, $0x4F;
	[sflag:s23] =	ssyncset.done $0x0  }
0x7e: {  	s19 =	sadd.s32 s16, s12;
	s6 =	sshll.u32 s12, $0x4;
	[sflag:s23] =	ssyncadd.s32 $0xFFFFFF80  }
0x7f: {  	s3 =	sand.u32 $0x1, s11;
	s6 =	sand.u32 $0x70, s6;
	_ =	swait.ge [sflag:s24], $0x4000  }
0x80: {  	p3 =	seq.s32 s3, $0x1;
	s10 =	sshll.u32 s19, $0x4;
	[sflag:s24] =	ssyncset.done $0x0  }
0x81: {  	s6 =	sadd.s32 s5, s6;
	p1 =	por @p3 $0x1, $0x1;
	[sflag:s24] =	ssyncadd.s32 $0xFFFFC000  }
0x82: {  	s22 =	sand.u32 $0x1FF80, s10;
	p2 =	por p1, !p3;
	[bflag:$0x0] =	sbarrier.arrive $0xFFFF  }
0x83: {  	[tilespmem:s11], [sflag:$0x1] =	stream.linear.gather [hbm4b:s17+s11], $0x80, $0x38;
	[tilespmem:$0x1FD00] =	vst v63  }
0x84: {  	s3 =	sadd.s32 s22, s6;
	s6 =	simm.s32 @p3 $0x0;
	s10 =	simm.s32 @!p2 $0x4  }
0x85: {  	[tilespmem:s6], [sflag:$0x1] =	stream.linear.gather @p3 [hbm4b:s3+s6], $0x80, $0x38;
	[tilespmem:$0x1FD00] =	vst v63  }
0x86: {  	_ =	swait.ge @!p2 [sflag:s10], $0x4000  }
0x87: {  	[sflag:s10] =	ssyncset.done @!p2 $0x0  }
0x88: {  	p1 =	por p3, p3;
	s11 =	simm.s32 @p3 $0x2;
	[sflag:s10] =	ssyncadd.s32 @!p2 $0xFFFFC000  }
0x89: {  	_ =	swait.ge @p1 [sflag:s11], $0x80  }
0x8a: {  	s12 =	simm.s32 @p1 $0x80;
	[sflag:s11] =	ssyncset.done @p1 $0x0  }
0x8b: {  	s19 =	simm.s32 @p1 $0x4100;
	s10 =	simm.s32 @p1 $0x5;
	[sflag:s11] =	ssyncadd.s32 @p1 $0xFFFFFF80  }
0x8c: {  	[tilespmem:s19], [sflag:$0x5] =	stream.indirect.gather @p1 [spmem:s1], $0x80, s12, s12, $0xb8;
	[tilespmem:$0x1FD00] =	vst v63  }
0x8d: {  	_ =	swait.ge @p1 [sflag:s10], $0x4000  }
0x8e: {  	[sflag:s10] =	ssyncset.done @p1 $0x0  }
0x8f: {  	s30 =	simm.s32 @!p3 $0x0;
	s11 =	sadd.s32 @p1 s0, s7;
	[sflag:s10] =	ssyncadd.s32 @p1 $0xFFFFC000  }
0x90: {  	[hbm4b:s11+s6] =	stream.linear.scatter @p1 [tilespmem:s19], [sflag:$0x4], $0x4000, $0x38;
	[tilespmem:$0x1FD00] =	vst v63  }
0x91: {  	s31 =	simm.s32 @!p3 $0x80;
	p2 =	por @!p3 $0x1, $0x1;
	s6 =	sand.u32 @!p3 $0x1FFFF000, s0  }
0x92: {  	p2 =	por p2, p3;
	s19 =	smov.u32 s0;
	s29 =	sadd.s32 @!p3 s7, s6  }
.LBB2_4:
0x93: {  	s6 =	simm.s32 @!p2 $0x3  }
0x94: {  	s19 =	sadd.s32 $0x800, s19;
	s10 =	smov.u32 s28;
	s28 =	sadd.s32 $0x1, s28  }
0x95: {  	[tilespmem:s31], [sflag:$0x2] =	stream.linear.gather @!p1 [hbm4b:s3+s30], $0x80, $0x38;
	[tilespmem:$0x1FD00] =	vst v63  }
0x96: {  	s11 =	simm.s32 @!p1 $0x1;
	s3 =	smin.u32 s28, $0x4F;
	_ =	swait.ge @!p2 [sflag:s6], $0x4000  }
0x97: {  	s12 =	sadd.s32 s16, s3;
	s3 =	sshll.u32 s3, $0x4;
	[sflag:s6] =	ssyncset.done @!p2 $0x0  }
0x98: {  	s12 =	sshll.u32 s12, $0x4;
	s3 =	sand.u32 $0x70, s3;
	[sflag:s6] =	ssyncadd.s32 @!p2 $0xFFFFC000  }
0x99: {  	s6 =	sand.u32 $0x1FF80, s12;
	s3 =	sadd.s32 s5, s3;
	_ =	swait.ge @!p1 [sflag:s11], $0x80  }
0x9a: {  	s22 =	simm.s32 @!p1 $0x5;
	s12 =	sand.u32 $0x1, s10;
	[sflag:s11] =	ssyncset.done @!p1 $0x0  }
0x9b: {  	p3 =	seq.s32 s12, $0x1;
	[sflag:s11] =	ssyncadd.s32 @!p1 $0xFFFFFF80;
	s11 =	simm.s32 @!p1 $0x100  }
0x9c: {  	[tilespmem:s11], [sflag:$0x5] =	stream.indirect.gather @!p1 [spmem:s1], $0x80, s30, s31, $0xb8;
	[tilespmem:$0x1FD00] =	vst v63  }
0x9d: {  	p4 =	slt.u32 @p3 s10, $0x2;
	p2 =	slt.u32 @!p3 s10, $0x2;
	_ =	swait.ge @!p1 [sflag:s22], $0x4000  }
0x9e: {  	s10 =	simm.s32 @!p3 $0x0;
	p2 =	por p2, p3;
	[sflag:s22] =	ssyncset.done @!p1 $0x0  }
0x9f: {  	s12 =	sand.u32 @!p3 $0x1FFFF000, s19;
	s31 =	simm.s32 @!p3 $0x80;
	[sflag:s22] =	ssyncadd.s32 @!p1 $0xFFFFC000  }
0xa0: {  	[hbm4b:s29+s30] =	stream.linear.scatter @!p1 [tilespmem:s11], [sflag:$0x3], $0x4000, $0x38;
	[tilespmem:$0x1FD00] =	vst v63  }
0xa1: {  	s3 =	sadd.s32 s6, s3;
	s6 =	simm.s32 @p3 $0x0;
	p5 =	por p4, !p3  }
0xa2: {  	[tilespmem:s6], [sflag:$0x1] =	stream.linear.gather @p3 [hbm4b:s3+s6], $0x80, $0x38;
	[tilespmem:$0x1FD00] =	vst v63  }
0xa3: {  	p4 =	sne.s32 s28, $0x50;
	s11 =	simm.s32 @!p5 $0x4;
	s29 =	sadd.s32 @!p3 s7, s12  }
0xa4: {  	s12 =	simm.s32 @p3 $0x2;
	s30 =	smov.u32 s10;
	_ =	swait.ge @!p5 [sflag:s11], $0x4000  }
0xa5: {  	p1 =	por p3, p3;
	[sflag:s11] =	ssyncset.done @!p5 $0x0  }
0xa6: {  	s10 =	simm.s32 @p1 $0x5;
	[sflag:s11] =	ssyncadd.s32 @!p5 $0xFFFFC000  }
0xa7: {  	s22 =	simm.s32 @p1 $0x4100;
	s11 =	simm.s32 @p1 $0x80;
	_ =	swait.ge @p1 [sflag:s12], $0x80  }
0xa8: {  	[sflag:s12] =	ssyncset.done @p1 $0x0  }
0xa9: {  	[sflag:s12] =	ssyncadd.s32 @p1 $0xFFFFFF80  }
0xaa: {  	[tilespmem:s22], [sflag:$0x5] =	stream.indirect.gather @p1 [spmem:s1], $0x80, s11, s11, $0xb8;
	[tilespmem:$0x1FD00] =	vst v63  }
.Ltmp1:
0xab: {  	_ = 	snop;
	(pc) =	sbr.rel @p4 .LBB2_4-.Ltmp1, $4  }
0xac: {  	s11 =	sadd.s32 @p1 s19, s7;
	_ =	swait.ge @p1 [sflag:s10], $0x4000  }
0xad: {  	[sflag:s10] =	ssyncset.done @p1 $0x0  }
0xae: {  	[sflag:s10] =	ssyncadd.s32 @p1 $0xFFFFC000  }
0xaf: {  	[hbm4b:s11+s6] =	stream.linear.scatter @p1 [tilespmem:s22], [sflag:$0x4], $0x4000, $0x38;
	[tilespmem:$0x1FD00] =	vst v63  }
0xb0: {  	s6 =	simm.s32 @!p2 $0x3  }
0xb1: {  	[tilespmem:s31], [sflag:$0x2] =	stream.linear.gather @!p1 [hbm4b:s3+s30], $0x80, $0x38;
	[tilespmem:$0x1FD00] =	vst v63  }
0xb2: {  	_ =	swait.ge @!p2 [sflag:s6], $0x4000  }
0xb3: {  	[sflag:s6] =	ssyncset.done @!p2 $0x0  }
0xb4: {  	s3 =	simm.s32 @!p1 $0x1;
	[sflag:s6] =	ssyncadd.s32 @!p2 $0xFFFFC000  }
0xb5: {  	_ =	swait.ge @!p1 [sflag:s3], $0x80  }
0xb6: {  	[sflag:s3] =	ssyncset.done @!p1 $0x0  }
0xb7: {  	s6 =	simm.s32 @!p1 $0x5;
	[sflag:s3] =	ssyncadd.s32 @!p1 $0xFFFFFF80;
	s3 =	simm.s32 @!p1 $0x100  }
0xb8: {  	[tilespmem:s3], [sflag:$0x5] =	stream.indirect.gather @!p1 [spmem:s1], $0x80, s30, s31, $0xb8;
	[tilespmem:$0x1FD00] =	vst v63  }
0xb9: {  	_ =	swait.ge @!p1 [sflag:s6], $0x4000  }
0xba: {  	[sflag:s6] =	ssyncset.done @!p1 $0x0  }
0xbb: {  	[sflag:s6] =	ssyncadd.s32 @!p1 $0xFFFFC000  }
0xbc: {  	[hbm4b:s29+s30] =	stream.linear.scatter @!p1 [tilespmem:s3], [sflag:$0x3], $0x4000, $0x38;
	[tilespmem:$0x1FD00] =	vst v63  }
0xbd: {  	_ =	swait.ge [sflag:s23], $0x80  }
0xbe: {  	[sflag:s23] =	ssyncset.done $0x0  }
0xbf: {  	s26 =	sadd.s32 $0x1, s26;
	[sflag:s23] =	ssyncadd.s32 $0xFFFFFF80  }
0xc0: {  	p1 =	sne.s32 s26, s18;
	_ =	swait.ge [sflag:s24], $0x4000  }
.Ltmp2:
0xc1: {  	[sflag:s24] =	ssyncset.done $0x0;
	(pc) =	sbr.rel @p1 .LBB2_1-.Ltmp2, $4  }
0xc2: {  	[sflag:s24] =	ssyncadd.s32 $0xFFFFC000  }
0xc3: {  	_ =	swait.ge [sflag:s25], $0x4000  }
0xc4: {  	[sflag:s25] =	ssyncset.done $0x0  }
0xc5: {  	[sflag:s25] =	ssyncadd.s32 $0xFFFFC000  }
0xc6: {  	_ =	sfence.sel $0x180000  }
0xc7: {  	[bflag:$0x0] =	sbarrier.arrive $0xFFFF  }
0xc8: {  	_ =	strace $0x9000004D  }
0xc9: {  	s0 =	stileid.u32;
	[bflag:$0x2] =	sbarrier.arrive $0xFFFF  }
0xca: {  	p0 =	sne.s32 s0, $0x0;
	s0 =	rddreg [dreg:$0x2]  }
0xcb: {  	s0 =	sadd.s32 @!p0 $0x100000, s0  }
0xcc: {  	[sflag:s0] =	ssyncadd.tile.s32 @!p0 $0x1;
	_ =	shalt  }
.Lfunc_end2:
_tile_overlayer_lowered:
.L_overlay_start_2:
0xcd: {  	(tag) =	ssettag $0x2  }
0xce: {  	s0 =	rddreg [dreg:$0x0];
	s2 =	stileid.u32  }
0xcf: {  	s1 =	rddreg [dreg:$0x1];
	p0 =	sne.s32 s2, $0x0  }
0xd0: {  	s3 =	rddreg [dreg:$0x2];
	[bflag:$0x3] =	sbarrier.arrive $0xFFFF;
	s2 =	simm.s32 @!p0 $0x1C06  }
0xd1: {  	[timem:s3], [sflag:s2] =	dma.local @!p0 [hbm:s0], s1  }
0xd2: {  	s0 =	simm.s32 @!p0 $0x6  }
0xd3: {  	_ =	swait.ge @!p0 [sflag:s0], s1  }
0xd4: {  	s1 =	ssub.s32 @!p0 $0x0, s1;
	[sflag:s0] =	ssyncset.done @!p0 $0x0  }
0xd5: {  	[sflag:s0] =	ssyncadd.s32 @!p0 s1  }
0xd6: {  	[bflag:$0x3] =	sbarrier.arrive $0xFFFF  }
0xd7: {  	_ =	shalt  }

// kernel: kernel.9.cloned.1.call-start
scs
__scs_entry_jumppad:
0x0: {  	(pc) =	sbr.rel $0x88, $3  }
0x1: {  	(tag) =	ssettag $0x0;
	lr =	simm.s32 $0x1  }
0x2: {  	[smem:$0x3F8F] =	sst lr;
	_ =	strace $0xD0000000  }
0x3: {  	_ = 	snop  }
0x4: {  	_ = 	snop  }
0x5: {  	_ = 	snop  }
0x6: {  	_ = 	snop  }
0x7: {  	_ = 	snop  }
__scs_overlays_trampoline_lowered:
0x8: {  	[smem:$0x3F9E] =	sst s0  }
0x9: {  	[smem:$0x3F9F] =	sst s1  }
0xa: {  	[smem:$0x3FA0] =	sst s2  }
0xb: {  	[smem:$0x3FA1] =	sst s3  }
0xc: {  	[smem:$0x3FA2] =	sst s4  }
0xd: {  	[smem:$0x3FA3] =	sst s5  }
0xe: {  	[smem:$0x3FA4] =	sst s6  }
0xf: {  	[smem:$0x3FA5] =	sst s7  }
0x10: {  	[smem:$0x3FA6] =	sst s8  }
0x11: {  	[smem:$0x3FA7] =	sst s9;
	s0 =	simm.s32 @!p0 $0x0  }
0x12: {  	s1 =	sld [smem:$0x3F8D];
	s0 =	simm.s32 @p0 $0x1  }
0x13: {  	[smem:$0x3FA8] =	sst s0;
	s0 =	simm.s32 @!p1 $0x0  }
0x14: {  	s2 =	sld [smem:$0x3F8C];
	s0 =	simm.s32 @p1 $0x1  }
0x15: {  	[smem:$0x3FA9] =	sst s0;
	s0 =	simm.s32 @!p2 $0x0  }
0x16: {  	s3 =	sld [smem:$0x3FDB];
	s0 =	simm.s32 @p2 $0x1  }
0x17: {  	s4 =	simm.s32 $0x1BF5;
	[smem:$0x3FAB] =	sst s0  }
0x18: {  	s0 =	sld [smem:$0x3F8E];
	_ =	swait.ge [sflag:s4], $0x0  }
0x19: {  	s7 =	sld [smem:$0x3F8F]  }
0x1a: {  	s8 =	sadd.s32 $0xFFFFE003, lr  }
0x1b: {  	s9 =	sadd.s32 $0xFFFFFEF7, lr;
	s5 =	simm.s32 $0xFFFFFFFF;
	p2 =	slt.u32 s8, $0xFFFFF086  }
0x1c: {  	p1 =	slt.u32 s9, $0xF7A;
	s5 =	simm.s32 @!p2 $0x0  }
0x1d: {  	s5 =	simm.s32 @p1 $0x1;
	p0 =	seq.s32 s7, s2  }
0x1e: {  	s7 =	smul.u32 @!p0 $0xF7A, s2;
	p2 =	seq.s32 @!p0 s5, $0x0  }
0x1f: {  	s9 =	smul.u32 $0xF7A, s1;
	s8 =	simm.s32 @!p0 $0x1BF5;
	p2 =	por !p2, p0  }
0x20: {  	[sflag:s8] =	ssyncset.s32 @!p0 $0xFFFFF086;
	s6 =	sadd.s32 @!p0 s3, s7;
	s7 =	simm.s32 @!p0 $0x108  }
0x21: {  	s3 =	sadd.s32 s3, s9;
	s6 =	sadd.s32 @!p0 $0x88, s6;
	s7 =	simm.s32 @p2 $0x1082  }
0x22: {  	[simem:s7], [sflag:s8] =	dma.local @!p0 [hbm:s6], $0xF7A  }
0x23: {  	s9 =	sor.u32 $0xD0000000, s2;
	s6 =	simm.s32 $0x108;
	_ =	swait.ge @!p0 [sflag:s8], $0x0  }
0x24: {  	s3 =	sadd.s32 $0x88, s3;
	s6 =	simm.s32 @!p1 $0x1082;
	[sflag:s4] =	ssyncset.s32 $0xFFFFF086  }
0x25: {  	[simem:s6], [sflag:s4] =	dma.local [hbm:s3], $0xF7A  }
0x26: {  	[smem:$0x3F8F] =	sst s1;
	(tag) =	ssettag s2;
	_ =	strace s9  }
0x27: {  	s1 =	sld [smem:$0x3F9F]  }
0x28: {  	s2 =	sld [smem:$0x3FA0]  }
0x29: {  	s4 =	sld [smem:$0x3FA2]  }
0x2a: {  	p0 =	seq.s32 s5, $0x0;
	s5 =	sld [smem:$0x3FA3]  }
0x2b: {  	s6 =	sld [smem:$0x3FA4]  }
0x2c: {  	s7 =	sld [smem:$0x3FA5]  }
0x2d: {  	s3 =	simm.s32 $0x108;
	s8 =	sld [smem:$0x3FA6]  }
0x2e: {  	s3 =	simm.s32 @!p0 $0x1082;
	s9 =	sld [smem:$0x3FA7]  }
0x2f: {  	lr =	sadd.s32 s0, s3;
	s0 =	sld [smem:$0x3F9E]  }
0x30: {  	s3 =	sld [smem:$0x3FA1]  }
0x31: {  	[smem:$0x3FAA] =	sst s10  }
0x32: {  	s10 =	sld [smem:$0x3FA8];
	_ =	sdelay $0x3  }
0x33: {  	p0 =	seq.s32 s10, $0x1;
	s10 =	sld [smem:$0x3FAA];
	_ =	sdelay $0x3  }
0x34: {  	[smem:$0x3FAA] =	sst s10  }
0x35: {  	s10 =	sld [smem:$0x3FA9];
	_ =	sdelay $0x3  }
0x36: {  	p1 =	seq.s32 s10, $0x1;
	s10 =	sld [smem:$0x3FAA];
	_ =	sdelay $0x3  }
0x37: {  	[smem:$0x3FAA] =	sst s10  }
0x38: {  	s10 =	sld [smem:$0x3FAB]  }
0x39: {  	_ = 	snop;
	(pc) =	sbr.ind lr, $3  }
0x3a: {  	_ = 	snop  }
0x3b: {  	_ = 	snop  }
0x3c: {  	p2 =	seq.s32 s10, $0x1;
	s10 =	sld [smem:$0x3FAA]  }
0x3d: {  	_ =	shalt  }
0x3e: {  	_ =	shalt  }
0x3f: {  	_ =	shalt  }
0x40: {  	_ =	shalt  }
0x41: {  	_ =	shalt  }
0x42: {  	_ =	shalt  }
0x43: {  	_ =	shalt  }
0x44: {  	_ =	shalt  }
0x45: {  	_ =	shalt  }
0x46: {  	_ =	shalt  }
0x47: {  	_ =	shalt  }
0x48: {  	_ =	shalt  }
0x49: {  	_ =	shalt  }
0x4a: {  	_ =	shalt  }
0x4b: {  	_ =	shalt  }
0x4c: {  	_ =	shalt  }
0x4d: {  	_ =	shalt  }
0x4e: {  	_ =	shalt  }
0x4f: {  	_ =	shalt  }
0x50: {  	_ =	shalt  }
0x51: {  	_ =	shalt  }
0x52: {  	_ =	shalt  }
0x53: {  	_ =	shalt  }
0x54: {  	_ =	shalt  }
0x55: {  	_ =	shalt  }
0x56: {  	_ =	shalt  }
0x57: {  	_ =	shalt  }
0x58: {  	_ =	shalt  }
0x59: {  	_ =	shalt  }
0x5a: {  	_ =	shalt  }
0x5b: {  	_ =	shalt  }
0x5c: {  	_ =	shalt  }
0x5d: {  	_ =	shalt  }
0x5e: {  	_ =	shalt  }
0x5f: {  	_ =	shalt  }
0x60: {  	_ =	shalt  }
0x61: {  	_ =	shalt  }
0x62: {  	_ =	shalt  }
0x63: {  	_ =	shalt  }
0x64: {  	_ =	shalt  }
0x65: {  	_ =	shalt  }
0x66: {  	_ =	shalt  }
0x67: {  	_ =	shalt  }
0x68: {  	_ =	shalt  }
0x69: {  	_ =	shalt  }
0x6a: {  	_ =	shalt  }
0x6b: {  	_ =	shalt  }
0x6c: {  	_ =	shalt  }
0x6d: {  	_ =	shalt  }
0x6e: {  	_ =	shalt  }
0x6f: {  	_ =	shalt  }
0x70: {  	_ =	shalt  }
0x71: {  	_ =	shalt  }
0x72: {  	_ =	shalt  }
0x73: {  	_ =	shalt  }
0x74: {  	_ =	shalt  }
0x75: {  	_ =	shalt  }
0x76: {  	_ =	shalt  }
0x77: {  	_ =	shalt  }
0x78: {  	_ =	shalt  }
0x79: {  	_ =	shalt  }
0x7a: {  	_ =	shalt  }
0x7b: {  	_ =	shalt  }
0x7c: {  	_ =	shalt  }
0x7d: {  	_ =	shalt  }
0x7e: {  	_ =	shalt  }
0x7f: {  	_ =	shalt  }
0x80: {  	_ =	shalt  }
0x81: {  	_ =	shalt  }
0x82: {  	_ =	shalt  }
0x83: {  	_ =	shalt  }
0x84: {  	_ =	shalt  }
0x85: {  	_ =	shalt  }
0x86: {  	_ =	shalt  }
0x87: {  	_ =	shalt  }
.Lfunc_end0:
.L_simem_size_0:
called_computation_lowered:
.L_overlay_start_0:
0x88: {  	s2 =	sld [smem:$0x3FD9]  }
0x89: {  	s3 =	sld [smem:$0x3FFE];
	_ =	sdelay $0x1  }
0x8a: {  	s1 =	srdreg.scid  }
0x8b: {  	s0 =	sand.u32 $0x1, s1  }
0x8c: {  	s16 =	sshll.u32 s0, $0xA;
	s2 =	sadd.s32 s3, s2  }
0x8d: {  	s2 =	sadd.s32 s2, s16  }
0x8e: {  	[smem:$0x3FB6] =	sst s2  }
0x8f: {  	_ = 	snop  }
0x90: {  	(tm) =	ssettm $0x1  }
0x91: {  	s17 =	sld [smem:$0x3FFB];
	_ =	sdelay $0x3  }
0x92: {  	_ =	strace s17  }
0x93: {  	s2 =	sld [smem:$0x3FFC];
	_ =	sdelay $0x3  }
0x94: {  	_ =	strace s2  }
0x95: {  	s2 =	sld [smem:$0x3FFD];
	_ =	sdelay $0x3  }
0x96: {  	_ =	strace s2  }
0x97: {  	_ =	strace $0x8FFFFFFF  }
0x98: {  	s18 =	sld [smem:$0x3FDB];
	_ =	sdelay $0x1  }
0x99: {  	s19 =	simm.s32 $_scs_section_size  }
0x9a: {  	s4 =	simm.s32 $_size__tile_overlayer_lowered;
	s5 =	simm.s32 $_tile_overlayer_lowered  }
0x9b: {  	s22 =	simm.s32 $0x1BFF;
	s21 =	sshll.u32 s5, $0x1;
	s2 =	sadd.s32 s19, s18  }
0x9c: {  	s6 =	simm.s32 $0x0;
	s20 =	sshll.u32 s4, $0x1;
	s4 =	sadd.s32 s21, s2  }
0x9d: {  	[timem:s6], [sflag:s22] =	dma.local [hbm:s4], s20  }
0x9e: {  	_ =	swait.ge [sflag:s22], s20  }
0x9f: {  	s3 =	ssub.s32 $0x0, s20;
	[sflag:s22] =	ssyncset.done $0x0  }
0xa0: {  	[sflag:s22] =	ssyncadd.s32 s3;
	_ =	sdelay $0x1  }
0xa1: {  	s23 =	simm.s32 $0x1B8B  }
0xa2: {  	_ =	swait.ge [sflag:s23], $0x1  }
0xa3: {  	[sflag:s23] =	ssyncset.done $0x0  }
0xa4: {  	s25 =	simm.s32 $0x1B8E;
	s24 =	sld [smem:$0x3FFE];
	[sflag:s23] =	ssyncadd.s32 $0xFFFFFFFF  }
0xa5: {  	s26 =	simm.s32 $execute0_lowered;
	[smem:$0x3FD2] =	sst s25  }
0xa6: {  	s4 =	sshll.u32 s26, $0x1;
	_ =	strace $0x80000046;
	[dreg:$0x1] =	wrdreg $0xFFFFFFFF  }
0xa7: {  	s28 =	simm.s32 $_size_execute0_lowered;
	s2 =	sadd.s32 s2, s4;
	[dreg:$0x0] =	wrdreg $0x0  }
0xa8: {  	s4 =	sshll.u32 s28, $0x1;
	[dreg:$0x2] =	wrdreg s2  }
0xa9: {  	[dreg:$0x3] =	wrdreg s4  }
0xaa: {  	[dreg:$0x4] =	wrdreg $0xC0  }
0xab: {  	_ =	task [dreg:s6], $0x5FFFF  }
0xac: {  	[dreg:$0x1] =	wrdreg $0xFFFFFFFF  }
0xad: {  	[dreg:$0x0] =	wrdreg $0x60  }
0xae: {  	[dreg:$0x2] =	wrdreg s24  }
0xaf: {  	[dreg:$0x3] =	wrdreg $0x9  }
0xb0: {  	_ =	task.clear_ibuf [dreg:s6], $0x4FFFF;
	_ =	strace $0x90000046  }
0xb1: {  	s29 =	simm.s32 $0x9;
	_ =	strace $0x80000048  }
0xb2: {  	_ =	swait.ge [sflag:s29], $0x1  }
0xb3: {  	[sflag:s29] =	ssyncadd.s32 $0xFFFFFFFF  }
0xb4: {  	_ =	strace $0x90000048  }
0xb5: {  	_ =	sfence  }
0xb6: {  	s30 =	sld [smem:$0x0];
	_ =	sdelay $0x2  }
0xb7: {  	s31 =	sshll.u32 s1, $0xD;
	s1 =	sshrl.u32 s1, $0x2  }
0xb8: {  	s3 =	sand.u32 $0x4000, s31;
	s1 =	sadd.s32 s1, s30  }
0xb9: {  	s0 =	sor.u32 s3, s0;
	s1 =	sshll.u32 s1, $0x11  }
0xba: {  	s0 =	sor.u32 s1, s0  }
0xbb: {  	s0 =	sadd.s32 $0x8F2B, s0  }
0xbc: {  	[sflag:s0] =	ssyncadd.remote.s32 $0x1  }
0xbd: {  	_ =	sfence.sel $0xFFFF  }
0xbe: {  	[dreg:$0x0] =	wrdreg $0xFFFFFFFF;
	(pc) =	sbr.abs _section_cstart, $3  }
0xbf: {  	[dreg:$0x1] =	wrdreg $0xFFFFFFFF  }
0xc0: {  	_ =	task.clear_ibuf [dreg:s6], $0x2FFFF;
	_ =	strace $0x9FFFFFFF  }
0xc1: {  	(tm) =	ssettm $0x7FFFFFFF  }
tec
execute0_lowered:
.L_overlay_start_1:
0x0: {  	(tag) =	ssettag $0x1  }
0x1: {  	s7 =	rddreg [dreg:$0x0];
	s1 =	srdreg.scid;
	s2 =	simm.s32 $0x0  }
0x2: {  	s0 =	stileid.u32;
	s14 =	simm.s32 $0x3;
	s15 =	simm.s32 $0x7  }
0x3: {  	s16 =	simm.s32 $0x9;
	s17 =	simm.s32 $0x8;
	s18 =	simm.s32 $0xA  }
0x4: {  	s19 =	simm.s32 $0x0;
	s8 =	sand.u32 $0x1, s1;
	[smem:$0x7FF] =	sst s2  }
0x5: {  	s3 =	sadd.s32 $0x3EE00, s7;
	s31 =	smul.u32 $0x5000, s0;
	s4 =	sshll.u32 s8, $0x4  }
0x6: {  	s5 =	sadd.s32 $0x43E00, s7;
	s13 =	smul.u32 $0x50000, s8;
	s9 =	sor.u32 s0, s4  }
0x7: {  	s6 =	sadd.s32 $0xEDE00, s7;
	s11 =	ssub.s32 $0x2, s8;
	s10 =	smul.u32 $0x50, s9  }
0x8: {  	_ =	strace $0x80000047;
	s12 =	sshrl.u32 s11, $0x1;
	s9 =	smul.u32 $0x500, s9  }
0x9: {  	s4 =	sadd.s32 $0x2E00, s7;
	s7 =	sadd.s32 $0x4DE00, s7;
	s11 =	ssub.s32 s11, s12  }
0xa: {  	[dreg:$0x2] =	wrdreg s10;
	s8 =	sadd.s32 s4, s9;
	s9 =	sadd.s32 s5, s9  }
0xb: {  	s10 =	smax.u32 s11, $0x1;
	s11 =	sadd.s32 s31, s13;
	s13 =	simm.s32 $0x1  }
.LBB2_1:
0xc: {  	[tilespmem:s2], [sflag:$0x1] =	stream.linear.gather [hbm4b:s8+s2], $0x80, $0x38;
	[tilespmem:$0x2200] =	vst v63  }
0xd: {  	s20 =	simm.s32 $0x1  }
0xe: {  	s0 =	simm.s32 $0x100;
	s21 =	rddreg [dreg:$0x2];
	s22 =	smin.u32 s20, $0x4F  }
0xf: {  	[tilespmem:s0], [sflag:$0x3] =	stream.linear.gather [hbm4b:s9+s2], $0x80, $0x38;
	[tilespmem:$0x2200] =	vst v63  }
0x10: {  	s31 =	sand.u32 $0x1, s2;
	s21 =	sadd.s32 s21, s22  }
0x11: {  	p0 =	seq.s32 s31, $0x1;
	s21 =	sshll.u32 s21, $0x4  }
0x12: {  	p1 =	por @p0 $0x1, $0x1;
	s23 =	simm.s32 @p0 $0x0;
	s22 =	sadd.s32 s4, s21  }
0x13: {  	[tilespmem:s23], [sflag:$0x1] =	stream.linear.gather @p0 [hbm4b:s22+s23], $0x80, $0x38;
	[tilespmem:$0x2200] =	vst v63  }
0x14: {  	s24 =	simm.s32 @p0 $0x100;
	p1 =	por p1, !p0;
	s21 =	sadd.s32 s5, s21  }
0x15: {  	[tilespmem:s24], [sflag:$0x3] =	stream.linear.gather @p0 [hbm4b:s21+s23], $0x80, $0x38;
	[tilespmem:$0x2200] =	vst v63  }
0x16: {  	s24 =	simm.s32 @!p1 $0x8  }
0x17: {  	_ =	swait.ge @!p1 [sflag:s24], $0x800  }
0x18: {  	[sflag:s24] =	ssyncset.done @!p1 $0x0  }
0x19: {  	s25 =	simm.s32 @!p1 $0xA;
	[sflag:s24] =	ssyncadd.s32 @!p1 $0xFFFFF800  }
0x1a: {  	_ =	swait.ge @!p1 [sflag:s25], $0x800  }
0x1b: {  	[sflag:s25] =	ssyncset.done @!p1 $0x0  }
0x1c: {  	s24 =	simm.s32 @p0 $0x2;
	[sflag:s25] =	ssyncadd.s32 @!p1 $0xFFFFF800  }
0x1d: {  	_ =	swait.ge @p0 [sflag:s24], $0x80  }
0x1e: {  	[sflag:s24] =	ssyncset.done @p0 $0x0  }
0x1f: {  	s25 =	simm.s32 @p0 $0x4;
	[sflag:s24] =	ssyncadd.s32 @p0 $0xFFFFFF80  }
0x20: {  	_ =	swait.ge @p0 [sflag:s25], $0x80  }
0x21: {  	[sflag:s25] =	ssyncset.done @p0 $0x0  }
0x22: {  	s26 =	simm.s32 @p0 $0xA00;
	s24 =	simm.s32 @p0 $0x80;
	[sflag:s25] =	ssyncadd.s32 @p0 $0xFFFFFF80  }
0x23: {  	[tilespmem:s26], [sflag:$0x5] =	stream.indirect.gather @p0 [hbm4b:s3+s24], $0x10, s24, s24, $0xb8;
	[tilespmem:$0x2200] =	vst v63  }
0x24: {  	s28 =	simm.s32 @p0 $0x1A00;
	s29 =	simm.s32 @p0 $0x5;
	s25 =	simm.s32 @p0 $0x180  }
0x25: {  	[tilespmem:s28], [sflag:$0x6] =	stream.indirect.gather @p0 [hbm4b:s3+s24], $0x10, s25, s24, $0xb8;
	[tilespmem:$0x2200] =	vst v63  }
0x26: {  	_ =	swait.ge @p0 [sflag:s29], $0x800  }
0x27: {  	[sflag:s29] =	ssyncset.done @p0 $0x0  }
0x28: {  	s24 =	simm.s32 @p0 $0x6;
	[sflag:s29] =	ssyncadd.s32 @p0 $0xFFFFF800  }
0x29: {  	_ =	swait.ge @p0 [sflag:s24], $0x800  }
0x2a: {  	[sflag:s24] =	ssyncset.done @p0 $0x0  }
0x2b: {  	s25 =	sadd.s32 @p0 s11, s6;
	[sflag:s24] =	ssyncadd.s32 @p0 $0xFFFFF800  }
0x2c: {  	[hbm4b:s25+s23] =	stream.linear.scatter @p0 [tilespmem:s26], [sflag:$0x8], $0x800, $0x38;
	[tilespmem:$0x2200] =	vst v63  }
0x2d: {  	p1 =	por @!p0 $0x1, $0x1;
	s24 =	sadd.s32 @p0 s11, s7  }
0x2e: {  	[hbm4b:s24+s23] =	stream.linear.scatter @p0 [tilespmem:s28], [sflag:$0xA], $0x800, $0x38;
	[tilespmem:$0x2200] =	vst v63  }
0x2f: {  	p1 =	por p1, p0;
	s26 =	simm.s32 @!p0 $0x0;
	s23 =	simm.s32 @!p0 $0x80  }
0x30: {  	[tilespmem:s23], [sflag:$0x2] =	stream.linear.gather @!p0 [hbm4b:s22+s26], $0x80, $0x38;
	[tilespmem:$0x2200] =	vst v63  }
0x31: {  	s24 =	simm.s32 @!p1 $0x7;
	s22 =	simm.s32 @!p0 $0x180  }
0x32: {  	[tilespmem:s22], [sflag:$0x4] =	stream.linear.gather @!p0 [hbm4b:s21+s26], $0x80, $0x38;
	[tilespmem:$0x2200] =	vst v63  }
0x33: {  	_ =	swait.ge @!p1 [sflag:s24], $0x800  }
0x34: {  	[sflag:s24] =	ssyncset.done @!p1 $0x0  }
0x35: {  	s21 =	simm.s32 @!p1 $0x9;
	[sflag:s24] =	ssyncadd.s32 @!p1 $0xFFFFF800  }
0x36: {  	_ =	swait.ge @!p1 [sflag:s21], $0x800  }
0x37: {  	[sflag:s21] =	ssyncset.done @!p1 $0x0  }
0x38: {  	s22 =	simm.s32 @!p0 $0x1;
	[sflag:s21] =	ssyncadd.s32 @!p1 $0xFFFFF800  }
0x39: {  	_ =	swait.ge @!p0 [sflag:s22], $0x80  }
0x3a: {  	[sflag:s22] =	ssyncset.done @!p0 $0x0  }
0x3b: {  	s21 =	simm.s32 @!p0 $0x3;
	[sflag:s22] =	ssyncadd.s32 @!p0 $0xFFFFFF80  }
0x3c: {  	_ =	swait.ge @!p0 [sflag:s21], $0x80  }
0x3d: {  	[sflag:s21] =	ssyncset.done @!p0 $0x0  }
0x3e: {  	s24 =	simm.s32 @!p0 $0x200;
	[sflag:s21] =	ssyncadd.s32 @!p0 $0xFFFFFF80  }
0x3f: {  	[tilespmem:s24], [sflag:$0x5] =	stream.indirect.gather @!p0 [hbm4b:s3+s23], $0x10, s26, s23, $0xb8;
	[tilespmem:$0x2200] =	vst v63  }
0x40: {  	s28 =	simm.s32 @!p0 $0x1200;
	s22 =	simm.s32 @!p0 $0x5;
	s21 =	simm.s32 @!p0 $0x100  }
0x41: {  	[tilespmem:s28], [sflag:$0x6] =	stream.indirect.gather @!p0 [hbm4b:s3+s23], $0x10, s21, s23, $0xb8;
	[tilespmem:$0x2200] =	vst v63  }
0x42: {  	_ =	swait.ge @!p0 [sflag:s22], $0x800  }
0x43: {  	[sflag:s22] =	ssyncset.done @!p0 $0x0  }
0x44: {  	s21 =	simm.s32 @!p0 $0x6;
	[sflag:s22] =	ssyncadd.s32 @!p0 $0xFFFFF800  }
0x45: {  	s25 =	sand.u32 @!p0 $0x1FFFFE00, s11;
	_ =	swait.ge @!p0 [sflag:s21], $0x800  }
0x46: {  	s23 =	sadd.s32 @!p0 s6, s25;
	[sflag:s21] =	ssyncset.done @!p0 $0x0  }
0x47: {  	s22 =	simm.s32 $0x2;
	s29 =	rddreg [dreg:$0x2];
	[sflag:s21] =	ssyncadd.s32 @!p0 $0xFFFFF800  }
0x48: {  	[hbm4b:s23+s26] =	stream.linear.scatter @!p0 [tilespmem:s24], [sflag:$0x7], $0x800, $0x38;
	[tilespmem:$0x2200] =	vst v63  }
0x49: {  	s21 =	sadd.s32 $0x100, s11;
	s23 =	smin.u32 s22, $0x4F;
	s24 =	sadd.s32 @!p0 s7, s25  }
.LBB2_2:
0x4a: {  	s25 =	sadd.s32 s29, s23;
	s29 =	sand.u32 $0x1, s20  }
0x4b: {  	[hbm4b:s24+s26] =	stream.linear.scatter @!p0 [tilespmem:s28], [sflag:$0x9], $0x800, $0x38;
	[tilespmem:$0x2200] =	vst v63  }
0x4c: {  	p0 =	seq.s32 s29, $0x1;
	s26 =	sshll.u32 s25, $0x4  }
0x4d: {  	s28 =	sadd.s32 s4, s26;
	p1 =	slt.u32 @p0 s20, $0x2;
	s30 =	simm.s32 @p0 $0x0  }
0x4e: {  	[tilespmem:s30], [sflag:$0x1] =	stream.linear.gather @p0 [hbm4b:s28+s30], $0x80, $0x38;
	[tilespmem:$0x2200] =	vst v63  }
0x4f: {  	p3 =	por p1, !p0  }
0x50: {  	s29 =	sadd.s32 s5, s26;
	s24 =	simm.s32 @p0 $0x100;
	s26 =	simm.s32 @!p3 $0x8  }
0x51: {  	[tilespmem:s24], [sflag:$0x3] =	stream.linear.gather @p0 [hbm4b:s29+s30], $0x80, $0x38;
	[tilespmem:$0x2200] =	vst v63  }
0x52: {  	_ =	swait.ge @!p3 [sflag:s26], $0x800  }
0x53: {  	[sflag:s26] =	ssyncset.done @!p3 $0x0  }
0x54: {  	s0 =	simm.s32 @!p3 $0xA;
	[sflag:s26] =	ssyncadd.s32 @!p3 $0xFFFFF800  }
0x55: {  	_ =	swait.ge @!p3 [sflag:s0], $0x800  }
0x56: {  	[sflag:s0] =	ssyncset.done @!p3 $0x0  }
0x57: {  	s26 =	simm.s32 @p0 $0x2;
	[sflag:s0] =	ssyncadd.s32 @!p3 $0xFFFFF800  }
0x58: {  	_ =	swait.ge @p0 [sflag:s26], $0x80  }
0x59: {  	p2 =	slt.u32 @!p0 s20, $0x2;
	[sflag:s26] =	ssyncset.done @p0 $0x0  }
0x5a: {  	s20 =	sand.u32 @!p0 $0x1FFFFE00, s21;
	s0 =	simm.s32 @p0 $0x4;
	[sflag:s26] =	ssyncadd.s32 @p0 $0xFFFFFF80  }
0x5b: {  	s31 =	smov.u32 s22;
	s25 =	sadd.s32 @!p0 s6, s20;
	_ =	swait.ge @p0 [sflag:s0], $0x80  }
0x5c: {  	s24 =	sadd.s32 @!p0 s7, s20;
	s20 =	smov.u32 s31;
	[sflag:s0] =	ssyncset.done @p0 $0x0  }
0x5d: {  	s31 =	simm.s32 @p0 $0xA00;
	s26 =	simm.s32 @p0 $0x80;
	[sflag:s0] =	ssyncadd.s32 @p0 $0xFFFFFF80  }
0x5e: {  	[tilespmem:s31], [sflag:$0x5] =	stream.indirect.gather @p0 [hbm4b:s3+s26], $0x10, s26, s26, $0xb8;
	[tilespmem:$0x2200] =	vst v63  }
0x5f: {  	s1 =	simm.s32 @p0 $0x1A00;
	s12 =	simm.s32 @p0 $0x5;
	s0 =	simm.s32 @p0 $0x180  }
0x60: {  	[tilespmem:s1], [sflag:$0x6] =	stream.indirect.gather @p0 [hbm4b:s3+s26], $0x10, s0, s26, $0xb8;
	[tilespmem:$0x2200] =	vst v63  }
0x61: {  	_ =	swait.ge @p0 [sflag:s12], $0x800  }
0x62: {  	[sflag:s12] =	ssyncset.done @p0 $0x0  }
0x63: {  	s0 =	simm.s32 @p0 $0x6;
	[sflag:s12] =	ssyncadd.s32 @p0 $0xFFFFF800  }
0x64: {  	_ =	swait.ge @p0 [sflag:s0], $0x800  }
0x65: {  	[sflag:s0] =	ssyncset.done @p0 $0x0  }
0x66: {  	s12 =	sadd.s32 @p0 s21, s6;
	[sflag:s0] =	ssyncadd.s32 @p0 $0xFFFFF800  }
0x67: {  	[hbm4b:s12+s30] =	stream.linear.scatter @p0 [tilespmem:s31], [sflag:$0x8], $0x800, $0x38;
	[tilespmem:$0x2200] =	vst v63  }
0x68: {  	s0 =	sadd.s32 @p0 s21, s7  }
0x69: {  	[hbm4b:s0+s30] =	stream.linear.scatter @p0 [tilespmem:s1], [sflag:$0xA], $0x800, $0x38;
	[tilespmem:$0x2200] =	vst v63  }
0x6a: {  	p2 =	por p2, p0;
	s26 =	simm.s32 @!p0 $0x0;
	s12 =	simm.s32 @!p0 $0x80  }
0x6b: {  	[tilespmem:s12], [sflag:$0x2] =	stream.linear.gather @!p0 [hbm4b:s28+s26], $0x80, $0x38;
	[tilespmem:$0x2200] =	vst v63  }
0x6c: {  	s0 =	simm.s32 @!p0 $0x180;
	s1 =	simm.s32 @!p2 $0x7  }
0x6d: {  	[tilespmem:s0], [sflag:$0x4] =	stream.linear.gather @!p0 [hbm4b:s29+s26], $0x80, $0x38;
	[tilespmem:$0x2200] =	vst v63  }
0x6e: {  	_ =	swait.ge @!p2 [sflag:s1], $0x800  }
0x6f: {  	[sflag:s1] =	ssyncset.done @!p2 $0x0  }
0x70: {  	s0 =	simm.s32 @!p2 $0x9;
	[sflag:s1] =	ssyncadd.s32 @!p2 $0xFFFFF800  }
0x71: {  	_ =	swait.ge @!p2 [sflag:s0], $0x800  }
0x72: {  	[sflag:s0] =	ssyncset.done @!p2 $0x0  }
0x73: {  	s1 =	simm.s32 @!p0 $0x1;
	[sflag:s0] =	ssyncadd.s32 @!p2 $0xFFFFF800  }
0x74: {  	_ =	swait.ge @!p0 [sflag:s1], $0x80  }
0x75: {  	[sflag:s1] =	ssyncset.done @!p0 $0x0  }
0x76: {  	s0 =	simm.s32 @!p0 $0x3;
	[sflag:s1] =	ssyncadd.s32 @!p0 $0xFFFFFF80  }
0x77: {  	_ =	swait.ge @!p0 [sflag:s0], $0x80  }
0x78: {  	[sflag:s0] =	ssyncset.done @!p0 $0x0  }
0x79: {  	s1 =	simm.s32 @!p0 $0x200;
	[sflag:s0] =	ssyncadd.s32 @!p0 $0xFFFFFF80  }
0x7a: {  	[tilespmem:s1], [sflag:$0x5] =	stream.indirect.gather @!p0 [hbm4b:s3+s12], $0x10, s26, s12, $0xb8;
	[tilespmem:$0x2200] =	vst v63  }
0x7b: {  	s28 =	simm.s32 @!p0 $0x1200;
	s29 =	simm.s32 @!p0 $0x5;
	s0 =	simm.s32 @!p0 $0x100  }
0x7c: {  	[tilespmem:s28], [sflag:$0x6] =	stream.indirect.gather @!p0 [hbm4b:s3+s12], $0x10, s0, s12, $0xb8;
	[tilespmem:$0x2200] =	vst v63  }
0x7d: {  	s22 =	sadd.s32 $0x1, s22;
	_ =	swait.ge @!p0 [sflag:s29], $0x800  }
0x7e: {  	p1 =	sne.s32 s22, $0x50;
	[sflag:s29] =	ssyncset.done @!p0 $0x0  }
.Ltmp0:
0x7f: {  	s0 =	simm.s32 @!p0 $0x6;
	[sflag:s29] =	ssyncadd.s32 @!p0 $0xFFFFF800;
	(pc) =	sbr.rel @p1 .LBB2_2-.Ltmp0, $4  }
0x80: {  	_ =	swait.ge @!p0 [sflag:s0], $0x800  }
0x81: {  	s23 =	smin.u32 s22, $0x4F;
	[sflag:s0] =	ssyncset.done @!p0 $0x0  }
0x82: {  	s21 =	sadd.s32 $0x100, s21;
	s29 =	rddreg [dreg:$0x2];
	[sflag:s0] =	ssyncadd.s32 @!p0 $0xFFFFF800  }
0x83: {  	[hbm4b:s25+s26] =	stream.linear.scatter @!p0 [tilespmem:s1], [sflag:$0x7], $0x800, $0x38;
	[tilespmem:$0x2200] =	vst v63  }
0x84: {  	s0 =	sadd.s32 s29, s23;
	s1 =	sand.u32 $0x1, s20  }
0x85: {  	[hbm4b:s24+s26] =	stream.linear.scatter @!p0 [tilespmem:s28], [sflag:$0x9], $0x800, $0x38;
	[tilespmem:$0x2200] =	vst v63  }
0x86: {  	p0 =	seq.s32 s1, $0x1;
	s0 =	sshll.u32 s0, $0x4  }
0x87: {  	s1 =	sadd.s32 s4, s0;
	p1 =	slt.u32 @p0 s20, $0x2;
	s12 =	simm.s32 @p0 $0x0  }
0x88: {  	[tilespmem:s12], [sflag:$0x1] =	stream.linear.gather @p0 [hbm4b:s1+s12], $0x80, $0x38;
	[tilespmem:$0x2200] =	vst v63  }
0x89: {  	s0 =	sadd.s32 s5, s0;
	s22 =	simm.s32 @p0 $0x100;
	p1 =	por p1, !p0  }
0x8a: {  	[tilespmem:s22], [sflag:$0x3] =	stream.linear.gather @p0 [hbm4b:s0+s12], $0x80, $0x38;
	[tilespmem:$0x2200] =	vst v63  }
0x8b: {  	s22 =	simm.s32 @!p1 $0x8  }
0x8c: {  	_ =	swait.ge @!p1 [sflag:s22], $0x800  }
0x8d: {  	[sflag:s22] =	ssyncset.done @!p1 $0x0  }
0x8e: {  	s23 =	simm.s32 @!p1 $0xA;
	[sflag:s22] =	ssyncadd.s32 @!p1 $0xFFFFF800  }
0x8f: {  	_ =	swait.ge @!p1 [sflag:s23], $0x800  }
0x90: {  	[sflag:s23] =	ssyncset.done @!p1 $0x0  }
0x91: {  	s22 =	simm.s32 @p0 $0x2;
	[sflag:s23] =	ssyncadd.s32 @!p1 $0xFFFFF800  }
0x92: {  	_ =	swait.ge @p0 [sflag:s22], $0x80  }
0x93: {  	[sflag:s22] =	ssyncset.done @p0 $0x0  }
0x94: {  	s23 =	simm.s32 @p0 $0x4;
	[sflag:s22] =	ssyncadd.s32 @p0 $0xFFFFFF80  }
0x95: {  	_ =	swait.ge @p0 [sflag:s23], $0x80  }
0x96: {  	[sflag:s23] =	ssyncset.done @p0 $0x0  }
0x97: {  	s24 =	simm.s32 @p0 $0xA00;
	s22 =	simm.s32 @p0 $0x80;
	[sflag:s23] =	ssyncadd.s32 @p0 $0xFFFFFF80  }
0x98: {  	[tilespmem:s24], [sflag:$0x5] =	stream.indirect.gather @p0 [hbm4b:s3+s22], $0x10, s22, s22, $0xb8;
	[tilespmem:$0x2200] =	vst v63  }
0x99: {  	s25 =	simm.s32 @p0 $0x1A00;
	s26 =	simm.s32 @p0 $0x5;
	s23 =	simm.s32 @p0 $0x180  }
0x9a: {  	[tilespmem:s25], [sflag:$0x6] =	stream.indirect.gather @p0 [hbm4b:s3+s22], $0x10, s23, s22, $0xb8;
	[tilespmem:$0x2200] =	vst v63  }
0x9b: {  	_ =	swait.ge @p0 [sflag:s26], $0x800  }
0x9c: {  	[sflag:s26] =	ssyncset.done @p0 $0x0  }
0x9d: {  	s22 =	simm.s32 @p0 $0x6;
	[sflag:s26] =	ssyncadd.s32 @p0 $0xFFFFF800  }
0x9e: {  	_ =	swait.ge @p0 [sflag:s22], $0x800  }
0x9f: {  	[sflag:s22] =	ssyncset.done @p0 $0x0  }
0xa0: {  	s23 =	sadd.s32 @p0 s21, s6;
	[sflag:s22] =	ssyncadd.s32 @p0 $0xFFFFF800  }
0xa1: {  	[hbm4b:s23+s12] =	stream.linear.scatter @p0 [tilespmem:s24], [sflag:$0x8], $0x800, $0x38;
	[tilespmem:$0x2200] =	vst v63  }
0xa2: {  	p1 =	slt.u32 @!p0 s20, $0x2;
	s20 =	sadd.s32 @p0 s21, s7  }
0xa3: {  	[hbm4b:s20+s12] =	stream.linear.scatter @p0 [tilespmem:s25], [sflag:$0xA], $0x800, $0x38;
	[tilespmem:$0x2200] =	vst v63  }
0xa4: {  	p1 =	por p1, p0;
	s12 =	simm.s32 @!p0 $0x0;
	s20 =	simm.s32 @!p0 $0x80  }
0xa5: {  	[tilespmem:s20], [sflag:$0x2] =	stream.linear.gather @!p0 [hbm4b:s1+s12], $0x80, $0x38;
	[tilespmem:$0x2200] =	vst v63  }
0xa6: {  	s22 =	simm.s32 @!p1 $0x7;
	s1 =	simm.s32 @!p0 $0x180  }
0xa7: {  	[tilespmem:s1], [sflag:$0x4] =	stream.linear.gather @!p0 [hbm4b:s0+s12], $0x80, $0x38;
	[tilespmem:$0x2200] =	vst v63  }
0xa8: {  	_ =	swait.ge @!p1 [sflag:s22], $0x800  }
0xa9: {  	[sflag:s22] =	ssyncset.done @!p1 $0x0  }
0xaa: {  	s0 =	simm.s32 @!p1 $0x9;
	[sflag:s22] =	ssyncadd.s32 @!p1 $0xFFFFF800  }
0xab: {  	_ =	swait.ge @!p1 [sflag:s0], $0x800  }
0xac: {  	[sflag:s0] =	ssyncset.done @!p1 $0x0  }
0xad: {  	s1 =	simm.s32 @!p0 $0x1;
	[sflag:s0] =	ssyncadd.s32 @!p1 $0xFFFFF800  }
0xae: {  	_ =	swait.ge @!p0 [sflag:s1], $0x80  }
0xaf: {  	[sflag:s1] =	ssyncset.done @!p0 $0x0  }
0xb0: {  	s0 =	simm.s32 @!p0 $0x3;
	[sflag:s1] =	ssyncadd.s32 @!p0 $0xFFFFFF80  }
0xb1: {  	_ =	swait.ge @!p0 [sflag:s0], $0x80  }
0xb2: {  	[sflag:s0] =	ssyncset.done @!p0 $0x0  }
0xb3: {  	s1 =	simm.s32 @!p0 $0x200;
	[sflag:s0] =	ssyncadd.s32 @!p0 $0xFFFFFF80  }
0xb4: {  	[tilespmem:s1], [sflag:$0x5] =	stream.indirect.gather @!p0 [hbm4b:s3+s20], $0x10, s12, s20, $0xb8;
	[tilespmem:$0x2200] =	vst v63  }
0xb5: {  	s23 =	simm.s32 @!p0 $0x5;
	s22 =	simm.s32 @!p0 $0x1200;
	s0 =	simm.s32 @!p0 $0x100  }
0xb6: {  	[tilespmem:s22], [sflag:$0x6] =	stream.indirect.gather @!p0 [hbm4b:s3+s20], $0x10, s0, s20, $0xb8;
	[tilespmem:$0x2200] =	vst v63  }
0xb7: {  	_ =	swait.ge @!p0 [sflag:s23], $0x800  }
0xb8: {  	[sflag:s23] =	ssyncset.done @!p0 $0x0  }
0xb9: {  	s0 =	simm.s32 @!p0 $0x6;
	[sflag:s23] =	ssyncadd.s32 @!p0 $0xFFFFF800  }
0xba: {  	_ =	swait.ge @!p0 [sflag:s0], $0x800  }
0xbb: {  	s20 =	sand.u32 @!p0 $0x1FFFFE00, s21;
	[sflag:s0] =	ssyncset.done @!p0 $0x0  }
0xbc: {  	s21 =	sadd.s32 @!p0 s6, s20;
	[sflag:s0] =	ssyncadd.s32 @!p0 $0xFFFFF800  }
0xbd: {  	[hbm4b:s21+s12] =	stream.linear.scatter @!p0 [tilespmem:s1], [sflag:$0x7], $0x800, $0x38;
	[tilespmem:$0x2200] =	vst v63  }
0xbe: {  	s0 =	sadd.s32 @!p0 s7, s20  }
0xbf: {  	[hbm4b:s0+s12] =	stream.linear.scatter @!p0 [tilespmem:s22], [sflag:$0x9], $0x800, $0x38;
	[tilespmem:$0x2200] =	vst v63  }
0xc0: {  	_ =	swait.ge [sflag:s13], $0x80  }
0xc1: {  	[sflag:s13] =	ssyncset.done $0x0  }
0xc2: {  	[sflag:s13] =	ssyncadd.s32 $0xFFFFFF80  }
0xc3: {  	_ =	swait.ge [sflag:s14], $0x80  }
0xc4: {  	[sflag:s14] =	ssyncset.done $0x0  }
0xc5: {  	[sflag:s14] =	ssyncadd.s32 $0xFFFFFF80  }
0xc6: {  	_ =	swait.ge [sflag:s15], $0x800  }
0xc7: {  	[sflag:s15] =	ssyncset.done $0x0  }
0xc8: {  	[sflag:s15] =	ssyncadd.s32 $0xFFFFF800  }
0xc9: {  	_ =	swait.ge [sflag:s16], $0x800  }
0xca: {  	[sflag:s16] =	ssyncset.done $0x0  }
0xcb: {  	s19 =	sadd.s32 $0x1, s19;
	[sflag:s16] =	ssyncadd.s32 $0xFFFFF800  }
0xcc: {  	p0 =	sne.s32 s19, s10;
	_ =	swait.ge [sflag:s17], $0x800  }
.Ltmp1:
0xcd: {  	[sflag:s17] =	ssyncset.done $0x0;
	(pc) =	sbr.rel @p0 .LBB2_1-.Ltmp1, $4  }
0xce: {  	[sflag:s17] =	ssyncadd.s32 $0xFFFFF800  }
0xcf: {  	_ =	swait.ge [sflag:s18], $0x800  }
0xd0: {  	[sflag:s18] =	ssyncset.done $0x0  }
0xd1: {  	[sflag:s18] =	ssyncadd.s32 $0xFFFFF800  }
0xd2: {  	_ =	sfence.sel $0x180000  }
0xd3: {  	[bflag:$0x0] =	sbarrier.arrive $0xFFFF  }
0xd4: {  	_ =	strace $0x90000047  }
0xd5: {  	s0 =	stileid.u32;
	[bflag:$0x2] =	sbarrier.arrive $0xFFFF  }
0xd6: {  	p0 =	sne.s32 s0, $0x0;
	s0 =	rddreg [dreg:$0x1]  }
0xd7: {  	s0 =	sadd.s32 @!p0 $0x100000, s0  }
0xd8: {  	[sflag:s0] =	ssyncadd.tile.s32 @!p0 $0x1;
	_ =	shalt  }
.Lfunc_end2:
_tile_overlayer_lowered:
.L_overlay_start_2:
0xd9: {  	(tag) =	ssettag $0x2  }
0xda: {  	s0 =	rddreg [dreg:$0x0];
	s2 =	stileid.u32  }
0xdb: {  	s1 =	rddreg [dreg:$0x1];
	p0 =	sne.s32 s2, $0x0  }
0xdc: {  	s3 =	rddreg [dreg:$0x2];
	[bflag:$0x3] =	sbarrier.arrive $0xFFFF;
	s2 =	simm.s32 @!p0 $0x1C0B  }
0xdd: {  	[timem:s3], [sflag:s2] =	dma.local @!p0 [hbm:s0], s1  }
0xde: {  	s0 =	simm.s32 @!p0 $0xB  }
0xdf: {  	_ =	swait.ge @!p0 [sflag:s0], s1  }
0xe0: {  	s1 =	ssub.s32 @!p0 $0x0, s1;
	[sflag:s0] =	ssyncset.done @!p0 $0x0  }
0xe1: {  	[sflag:s0] =	ssyncadd.s32 @!p0 s1  }
0xe2: {  	[bflag:$0x3] =	sbarrier.arrive $0xFFFF  }
0xe3: {  	_ =	shalt  }

</sc_bundles>
